<compile_context>
chip_gen: v7x
topology: tpu7x:2x2x1
jax: 0.10.2.dev20260603
libtpu: 0.0.44.dev20260713+nightly
codegen_flags: <defaults>
</compile_context>

<pallas_src>
import functools

import jax
import jax.numpy as jnp
from jax import lax
from jax.experimental import pallas as pl
from jax.experimental.pallas import tpu as pltpu
from jax.experimental.pallas import tpu_sc as plsc

N = 10000
NPAD = 10240
E = 320000
DF = 128
U = 16
NC, NS, L = 2, 16, 16
NW = NC * NS
CH = 2000
EW = E // NW
ET = E // NC // NS
SCALE = (1.0 + 1e-3) ** -0.5



def _h_body(af_ref, w_ref, b_ref, o_ref):
    o_ref[...] = (
        jnp.dot(af_ref[...], w_ref[...], preferred_element_type=jnp.float32)
        + b_ref[...]
    )


def _h_call(af, w1s, b1s):
    return pl.pallas_call(
        _h_body,
        grid=(10,),
        in_specs=[
            pl.BlockSpec((1000, DF), lambda i: (i, 0)),
            pl.BlockSpec((DF, U), lambda i: (0, 0)),
            pl.BlockSpec((1, U), lambda i: (0, 0)),
        ],
        out_specs=pl.BlockSpec((1000, U), lambda i: (i, 0)),
        out_shape=jax.ShapeDtypeStruct((N, U), jnp.float32),
    )(af, w1s, b1s)


def _edge_body(bond_ref, nbrh_ref, w2bd_ref, b2_ref, s3_ref, b3_ref, p_ref,
               att8_ref, bf_ref):
    bf = (
        jnp.dot(bond_ref[...], w2bd_ref[...], preferred_element_type=jnp.float32)
        + b2_ref[...]
    )
    c = nbrh_ref[...] * bf
    apre = (
        jnp.dot(c, s3_ref[...], preferred_element_type=jnp.float32)
        + b3_ref[...]
    )
    a = jnp.exp(jnp.clip(apre, -2.0, 2.0))
    att8_ref[...] = jnp.dot(a, p_ref[...], preferred_element_type=jnp.float32)
    bf_ref[...] = bf


def _edge_call(bond2, nbrh2, w2bd, b2rep, s3, b3rep, p):
    return pl.pallas_call(
        _edge_body,
        grid=(40,),
        in_specs=[
            pl.BlockSpec((1000, 128), lambda i: (i, 0)),
            pl.BlockSpec((1000, 128), lambda i: (i, 0)),
            pl.BlockSpec((128, 128), lambda i: (0, 0)),
            pl.BlockSpec((1, 128), lambda i: (0, 0)),
            pl.BlockSpec((128, 128), lambda i: (0, 0)),
            pl.BlockSpec((1, 128), lambda i: (0, 0)),
            pl.BlockSpec((128, 8), lambda i: (0, 0)),
        ],
        out_specs=[
            pl.BlockSpec((1000, 8), lambda i: (i, 0)),
            pl.BlockSpec((1000, 128), lambda i: (i, 0)),
        ],
        out_shape=[
            jax.ShapeDtypeStruct((E // 8, 8), jnp.float32),
            jax.ShapeDtypeStruct((E // 8, 128), jnp.float32),
        ],
    )(bond2, nbrh2, w2bd, b2rep, s3, b3rep, p)


def _comb_body(p_ref, o_ref):
    o_ref[...] = p_ref[0] + p_ref[1]


def _comb_call(partials):
    return pl.pallas_call(
        _comb_body,
        grid=(10,),
        in_specs=[pl.BlockSpec((2, 1000, U), lambda i: (0, i, 0))],
        out_specs=pl.BlockSpec((1000, U), lambda i: (i, 0)),
        out_shape=jax.ShapeDtypeStruct((N, U), jnp.float32),
    )(partials)



_MESH = plsc.VectorSubcoreMesh(core_axis_name="c", subcore_axis_name="s")
_SC_PARAMS = pltpu.CompilerParams(
    needs_layout_passes=False, use_tc_tiling_on_sc=False
)


@functools.partial(
    pl.kernel,
    out_type=jax.ShapeDtypeStruct((E, U), jnp.float32),
    mesh=_MESH,
    compiler_params=_SC_PARAMS,
    scratch_types=[
        pltpu.VMEM((CH,), jnp.int32),
        pltpu.VMEM((CH, U), jnp.float32),
        pltpu.VMEM_SHARED((N, U), jnp.float32),
        pltpu.SemaphoreType.DMA,
    ],
)
def _gather_k(h_hbm, dst_hbm, out_hbm, idx_v, rows_v, h_sh, sem):
    c = lax.axis_index("c")
    s = lax.axis_index("s")
    w = s * NC + c

    @pl.when(s == 0)
    def _():
        pltpu.sync_copy(h_hbm, h_sh)

    plsc.subcore_barrier()
    e0 = w * EW

    def chunk(ci, _):
        base = e0 + ci * CH
        pltpu.sync_copy(dst_hbm.at[pl.ds(base, CH)], idx_v)
        pltpu.async_copy(h_sh.at[idx_v], rows_v, sem).wait()
        pltpu.sync_copy(rows_v, out_hbm.at[pl.ds(base, CH)])
        return None

    lax.fori_loop(0, EW // CH, chunk, None)


@functools.partial(
    pl.kernel,
    out_type=jax.ShapeDtypeStruct((E,), jnp.float32),
    mesh=_MESH,
    compiler_params=_SC_PARAMS,
    scratch_types=[
        pltpu.VMEM_SHARED((NPAD,), jnp.float32),
        pltpu.VMEM_SHARED((NPAD,), jnp.int32),
        pltpu.VMEM((CH,), jnp.int32),
        pltpu.VMEM((CH,), jnp.float32),
        pltpu.VMEM((CH,), jnp.int32),
        pltpu.VMEM((N,), jnp.float32),
        pltpu.VMEM((N,), jnp.int32),
        pltpu.VMEM((N,), jnp.int32),
        pltpu.VMEM((EW,), jnp.int32),
        pltpu.VMEM((EW,), jnp.float32),
        pltpu.VMEM((EW,), jnp.float32),
        pltpu.SemaphoreType.DMA,
    ],
)
def _norm_k(att1_hbm, src_hbm, zf_hbm, zi_hbm, out_hbm,
            sums_sh, cnts_sh, idx_v, att_st, ones_v,
            sums_v, cnts_v, off_v, z_v, attb_v, attn_v, sem):
    c = lax.axis_index("c")
    s = lax.axis_index("s")
    w = s * NC + c

    @pl.when(s == 0)
    def _():
        pltpu.sync_copy(zf_hbm, sums_sh)
        pltpu.sync_copy(zi_hbm, cnts_sh)

    def fill_ones(j, _):
        ones_v[pl.ds(j * 16, 16)] = jnp.ones((16,), jnp.int32)
        return None

    lax.fori_loop(0, CH // 16, fill_ones, None)

    plsc.subcore_barrier()

    ea0 = s * (E // NS)

    def chunk_a(ci, _):
        base = ea0 + ci * CH
        pltpu.sync_copy(src_hbm.at[pl.ds(base, CH)], idx_v)
        pltpu.sync_copy(att1_hbm.at[pl.ds(base, CH)], att_st)
        d1 = pltpu.async_copy(att_st, sums_sh.at[idx_v], sem, add=True)
        d2 = pltpu.async_copy(ones_v, cnts_sh.at[idx_v], sem, add=True)
        d1.wait()
        d2.wait()
        return None

    lax.fori_loop(0, (E // NS) // CH, chunk_a, None)

    plsc.subcore_barrier()

    pltpu.sync_copy(sums_sh.at[pl.ds(0, N)], sums_v)
    pltpu.sync_copy(cnts_sh.at[pl.ds(0, N)], cnts_v)

    a0 = w * EW
    lane15 = jnp.zeros((16,), jnp.int32) + 15

    def scan_body(j, carry):
        tot, acc = carry
        ds = pl.ds(j * 16, 16)
        cv = cnts_v[ds]
        incl = plsc.cumsum(cv) + tot
        offv = incl - cv
        off_v[ds] = offv
        acc = acc + plsc.all_reduce_population_count(offv <= a0)
        return (incl.at[lane15].get(mode="promise_in_bounds"), acc)

    _, acc = lax.fori_loop(
        0, N // 16, scan_body,
        (jnp.zeros((16,), jnp.int32), jnp.zeros((16,), jnp.int32)),
    )
    p_a = jnp.max(acc) - 1

    pltpu.sync_copy(att1_hbm.at[pl.ds(a0, EW)], attb_v)

    def init_z(j, _):
        z_v[pl.ds(j * 16, 16)] = jnp.zeros((16,), jnp.int32) + p_a
        return None

    lax.fori_loop(0, EW // 16, init_z, None)

    iota = lax.iota(jnp.int32, 16)

    def scat(j, _):
        ds = pl.ds(j * 16, 16)
        offv = off_v[ds]
        cv = cnts_v[ds]
        ids = iota + j * 16
        m = (cv > 0) & (offv >= a0) & (offv < a0 + EW)
        plsc.store_scatter(z_v, [offv - a0], ids, mask=m)
        return None

    lax.fori_loop(0, N // 16, scat, None)

    def fill(j, carry):
        ds = pl.ds(j * 16, 16)
        zc = jnp.maximum(plsc.cummax(z_v[ds]), carry)
        sv = plsc.load_gather(sums_v, [zc])
        attn_v[ds] = attb_v[ds] / sv
        return zc.at[lane15].get(mode="promise_in_bounds")

    lax.fori_loop(0, EW // 16, fill, jnp.zeros((16,), jnp.int32) + p_a)

    pltpu.sync_copy(attn_v, out_hbm.at[pl.ds(a0, EW)])


@functools.partial(
    pl.kernel,
    out_type=[
        jax.ShapeDtypeStruct((NC, N, U), jnp.float32),
        jax.ShapeDtypeStruct((U, E), jnp.float32),
    ],
    mesh=_MESH,
    compiler_params=_SC_PARAMS,
    scratch_types=[
        pltpu.VMEM_SHARED((NPAD, U), jnp.float32),
        pltpu.VMEM((CH,), jnp.int32),
        pltpu.VMEM((CH, U), jnp.float32),
        pltpu.VMEM((CH, U), jnp.float32),
        pltpu.VMEM((CH,), jnp.float32),
        pltpu.VMEM((U * CH,), jnp.float32),
        pltpu.SemaphoreType.DMA,
        pltpu.SemaphoreType.DMA,
    ],
)
def _scat_k(nbrh_hbm, bf_hbm, attn_hbm, src_hbm, z16_hbm, out_hbm, out2t_hbm,
            acc_sh, idx_v, nb_v, bfv, at_v, o2t_v, sem, sem2):
    c = lax.axis_index("c")
    s = lax.axis_index("s")

    @pl.when(s == 0)
    def _():
        pltpu.sync_copy(z16_hbm, acc_sh)

    plsc.subcore_barrier()

    e0 = c * (E // NC) + s * ET

    def chunk(ci, _):
        base = e0 + ci * CH
        pltpu.sync_copy(src_hbm.at[pl.ds(base, CH)], idx_v)
        pltpu.sync_copy(nbrh_hbm.at[pl.ds(base, CH)], nb_v)
        pltpu.sync_copy(bf_hbm.at[pl.ds(base, CH)], bfv)
        pltpu.sync_copy(attn_hbm.at[pl.ds(base, CH)], at_v)

        colbase = lax.iota(jnp.int32, 16) * CH

        def rows(m, _):
            av = at_v[pl.ds(m * 16, 16)]
            for k in range(16):
                e = m * 16 + k
                scale = av.at[jnp.zeros((16,), jnp.int32) + k].get(
                    mode="promise_in_bounds")
                nb_v[e] = nb_v[e] * scale
                plsc.store_scatter(
                    o2t_v, [colbase + e], bfv[e] * scale
                )
            return None

        lax.fori_loop(0, CH // 16, rows, None)
        d1 = pltpu.async_copy(nb_v, acc_sh.at[idx_v], sem, add=True)
        descs = []
        for k in range(U):
            descs.append(pltpu.async_copy(
                o2t_v.at[pl.ds(k * CH, CH)],
                out2t_hbm.at[k, pl.ds(base, CH)],
                sem2,
            ))
        d1.wait()
        for d in descs:
            d.wait()
        return None

    lax.fori_loop(0, ET // CH, chunk, None)

    plsc.subcore_barrier()
    pltpu.sync_copy(
        acc_sh.at[pl.ds(s * (N // NS), N // NS)],
        out_hbm.at[c, pl.ds(s * (N // NS), N // NS)],
    )




def kernel(atom_features, bond_features, bond_pairs, W1, b1, W2, b2, W3, b3):
    f32 = jnp.float32
    i32 = jnp.int32
    w1s = W1 * SCALE
    b1s = (b1 * SCALE).reshape(1, U)
    w2s = W2 * SCALE
    b2s = b2 * SCALE
    w3s = W3 * SCALE
    b3s = b3 * SCALE

    eye8 = jnp.eye(8, dtype=f32)
    w2bd = jnp.kron(eye8, w2s)
    s3 = jnp.kron(eye8, w3s @ jnp.ones((1, U), f32))
    p = jnp.kron(eye8, jnp.eye(U, 1, dtype=f32))
    b2rep = jnp.tile(b2s, 8).reshape(1, 128)
    b3rep = jnp.full((1, 128), b3s[0], f32)

    pt = bond_pairs.T
    src = pt[0]
    dst = pt[1]

    h = _h_call(atom_features, w1s, b1s)
    nbrh = _gather_k(h, dst)

    bond2 = bond_features.reshape(E // 8, 128)
    nbrh2 = nbrh.reshape(E // 8, 128)
    att8, bf2 = _edge_call(bond2, nbrh2, w2bd, b2rep, s3, b3rep, p)
    att1 = att8.reshape(E)

    zf = jnp.zeros((NPAD,), f32)
    zi = jnp.zeros((NPAD,), i32)
    attn = _norm_k(att1, src, zf, zi)

    z16 = jnp.zeros((NPAD, U), f32)
    partials, out2t = _scat_k(nbrh, bf2.reshape(E, U), attn, src, z16)
    out1 = _comb_call(partials)
    return (out1, out2t.T)

# --- scband reference (transcript-rebuilt; emitter-appended) ---
"""Pipeline reference for scband-custom-graph-attention-61314953118454 (READ-ONLY COPY).

The authoritative reference and input builder live on the scoring server;
editing this copy changes nothing except your own understanding.
"""

import jax, jax.numpy as jnp
import numpy as np

N = 10000
E = 320000
D_FEAT = 128
D_EDGE = 16
UNITS = 16
BN_EPS = 1e-3

def _dense_bn(x, W, b):
    # Dense -> BatchNorm (inference with fresh stats: mean=0, var=1, gamma=1, beta=0) -> Dropout (identity at inference)
    y = x @ W + b
    return y / jnp.sqrt(1.0 + BN_EPS)

def setup_inputs(seed: int = 0):
    key = jax.random.key(seed)
    ks = jax.random.split(key, 9)
    atom_features = jax.random.normal(ks[0], (N, D_FEAT), dtype=jnp.float32)
    bond_features = jax.random.normal(ks[1], (E, D_EDGE), dtype=jnp.float32)
    bond_pairs = jax.random.randint(ks[2], (E, 2), 0, N, dtype=jnp.int32)
    W1 = jax.random.normal(ks[3], (D_FEAT, UNITS), dtype=jnp.float32) * 0.05
    b1 = jnp.zeros((UNITS,), dtype=jnp.float32)
    W2 = jax.random.normal(ks[4], (D_EDGE, UNITS), dtype=jnp.float32) * 0.05
    b2 = jnp.zeros((UNITS,), dtype=jnp.float32)
    W3 = jax.random.normal(ks[5], (UNITS, 1), dtype=jnp.float32) * 0.05
    b3 = jnp.zeros((1,), dtype=jnp.float32)
    return {"atom_features": atom_features, "bond_features": bond_features, "bond_pairs": bond_pairs,
            "W1": W1, "b1": b1, "W2": W2, "b2": b2, "W3": W3, "b3": b3}

def reference(atom_features, bond_features, bond_pairs, W1, b1, W2, b2, W3, b3):
    num_atoms = atom_features.shape[0]
    atom_ids = bond_pairs[:, 0]
    # gather neighbor atom features (dst index column 1)
    nbr = jnp.take(atom_features, bond_pairs[:, 1], axis=0)
    nbr = _dense_bn(nbr, W1, b1)
    bf = _dense_bn(bond_features, W2, b2)
    combined = nbr * bf
    att = _dense_bn(combined, W3, b3)
    att = jnp.squeeze(att, axis=-1)
    att = jnp.exp(jnp.clip(att, -2.0, 2.0))
    # tf.math.unsorted_segment_sum with num_segments = max(atom_ids)+1; atom_ids are in
    # [0, num_atoms), so num_atoms is a static upper bound and the extra segments have
    # zero counts, contributing nothing downstream.
    seg_count = num_atoms
    sum_per_atom = jax.ops.segment_sum(att, atom_ids, num_segments=seg_count)
    # tf.repeat(sum_per_atom, tf.math.bincount(atom_ids)) -- exact same semantics as jnp.repeat with bincount repeats
    counts = jnp.bincount(atom_ids, length=seg_count)
    sum_rep = jnp.repeat(sum_per_atom, counts, total_repeat_length=E)
    att = (att / sum_rep)[:, None]
    weighted_neighbors = nbr * att
    weighted_atom_features = jax.ops.segment_sum(weighted_neighbors, atom_ids, num_segments=num_atoms)
    weighted_bond_features = bf * att
    return (weighted_atom_features, weighted_bond_features)

if __name__ == "__main__":
    import jax
    _d = setup_inputs()
    print(jax.jit(kernel)(*tuple(_d.values())))

</pallas_src>

<mosaic_0001>
#map = affine_map<(d0, d1) -> (0, 0)>
#map1 = affine_map<(d0, d1) -> (0)>
module attributes {stable_mosaic.version = 14 : i64} {
  func.func @_gather_k(%arg0: i32, %arg1: i32, %arg2: memref<10000x16xf32, #tpu.memory_space<hbm>>, %arg3: memref<320000xi32, #tpu.memory_space<hbm>>, %arg4: memref<320000x16xf32, #tpu.memory_space<hbm>>, %arg5: memref<2000xi32, #tpu.memory_space<vmem>>, %arg6: memref<2000x16xf32, #tpu.memory_space<vmem>>, %arg7: memref<10000x16xf32, #tpu.memory_space<vmem_shared>>, %arg8: memref<!tpu.dma_semaphore, #tpu.memory_space<semaphore_mem>>) attributes {dimension_semantics = [#tpu.dimension_semantics<core_parallel>, #tpu.dimension_semantics<subcore_parallel>], iteration_bounds = array<i64: 2, 16>, scalar_prefetch = 0 : i64, scratch_operands = 4 : i64, tpu.core_type = #tpu.core_type<sc_vector_subcore>, window_params = [{transform_indices = #map}, {transform_indices = #map1}, {transform_indices = #map}]} {
    %mul3A = arith.constant 2 : i32
    %mul3A_0 = arith.muli %arg1, %mul3A : i32
    %add3A = arith.addi %mul3A_0, %arg0 : i32
    %eq3A = arith.constant 0 : i32
    %eq3A_1 = arith.cmpi eq, %arg1, %eq3A : i32
    %convert_element_type3A = arith.extui %eq3A_1 : i1 to i32
    %cond3A = arith.constant 0 : i32
    %cond3A_2 = arith.cmpi ne, %convert_element_type3A, %cond3A : i32
    scf.if %cond3A_2 {
      "tpu.region"() ({
        %run_scoped3A = tpu.sem_alloc : memref<!tpu.dma_semaphore, #tpu.memory_space<semaphore_mem>>
        tpu.enqueue_dma source(%arg2 : memref<10000x16xf32, #tpu.memory_space<hbm>>) target(%arg7 : memref<10000x16xf32, #tpu.memory_space<vmem_shared>>) target_semaphore(%run_scoped3A : memref<!tpu.dma_semaphore, #tpu.memory_space<semaphore_mem>>)
        tpu.wait_dma2 semaphore(%run_scoped3A : memref<!tpu.dma_semaphore, #tpu.memory_space<semaphore_mem>>) src(%arg2 : memref<10000x16xf32, #tpu.memory_space<hbm>>) dst(%arg7 : memref<10000x16xf32, #tpu.memory_space<vmem_shared>>)
        tpu.yield
      }) : () -> ()
    } else {
    }
    %barrier3A = arith.constant 0 : index
    tpu.barrier barrier_id(%barrier3A)
    %mul3A_3 = arith.constant 10000 : i32
    %mul3A_4 = arith.muli %add3A, %mul3A_3 : i32
    %scan3A = arith.constant 0 : i32
    %scan3A_5 = arith.constant 5 : i32
    %scan3A_6 = arith.addi %scan3A, %scan3A_5 : i32
    %scan3A_7 = arith.constant 1 : i32
    scf.for %scan3A_9 = %scan3A to %scan3A_6 step %scan3A_7  : i32 {
      %mul3A_10 = arith.constant 2000 : i32
      %mul3A_11 = arith.muli %scan3A_9, %mul3A_10 : i32
      %add3A_12 = arith.addi %mul3A_4, %mul3A_11 : i32
      "tpu.region"() ({
        %run_scoped3A = tpu.sem_alloc : memref<!tpu.dma_semaphore, #tpu.memory_space<semaphore_mem>>
        %dma_start3A_17 = tpu.memref_slice %arg3[%add3A_12] : memref<320000xi32, #tpu.memory_space<hbm>> -> memref<2000xi32, #tpu.memory_space<hbm>>
        %dma_start3A_18 = tpu.memref_slice %arg3[%add3A_12] : memref<320000xi32, #tpu.memory_space<hbm>> -> memref<2000xi32, #tpu.memory_space<hbm>>
        tpu.enqueue_dma source(%dma_start3A_18 : memref<2000xi32, #tpu.memory_space<hbm>>) target(%arg5 : memref<2000xi32, #tpu.memory_space<vmem>>) target_semaphore(%run_scoped3A : memref<!tpu.dma_semaphore, #tpu.memory_space<semaphore_mem>>)
        %dma_wait3A_19 = tpu.memref_slice %arg3[%add3A_12] : memref<320000xi32, #tpu.memory_space<hbm>> -> memref<2000xi32, #tpu.memory_space<hbm>>
        %dma_wait3A_20 = tpu.memref_slice %arg3[%add3A_12] : memref<320000xi32, #tpu.memory_space<hbm>> -> memref<2000xi32, #tpu.memory_space<hbm>>
        tpu.wait_dma2 semaphore(%run_scoped3A : memref<!tpu.dma_semaphore, #tpu.memory_space<semaphore_mem>>) src(%dma_wait3A_20 : memref<2000xi32, #tpu.memory_space<hbm>>) dst(%arg5 : memref<2000xi32, #tpu.memory_space<vmem>>)
        tpu.yield
      }) : () -> ()
      %dma_start3A = arith.constant 0 : i32
      %dma_start3A_13 = arith.constant 0 : i32
      %dma_start3A_14 = tpu.memref_slice %arg7[%dma_start3A, %dma_start3A_13] : memref<10000x16xf32, #tpu.memory_space<vmem_shared>> -> memref<10000x16xf32, #tpu.memory_space<vmem_shared>>
      tpu.enqueue_indirect_dma source(%dma_start3A_14 : memref<10000x16xf32, #tpu.memory_space<vmem_shared>>) target(%arg6 : memref<2000x16xf32, #tpu.memory_space<vmem>>) offsets(%arg5 : memref<2000xi32, #tpu.memory_space<vmem>>) semaphore(%arg8 : memref<!tpu.dma_semaphore, #tpu.memory_space<semaphore_mem>>)
      %dma_wait3A = arith.constant 0 : i32
      %dma_wait3A_15 = arith.constant 0 : i32
      %dma_wait3A_16 = tpu.memref_slice %arg7[%dma_wait3A, %dma_wait3A_15] : memref<10000x16xf32, #tpu.memory_space<vmem_shared>> -> memref<10000x16xf32, #tpu.memory_space<vmem_shared>>
      tpu.wait_indirect_dma semaphore(%arg8 : memref<!tpu.dma_semaphore, #tpu.memory_space<semaphore_mem>>) src(%dma_wait3A_16 : memref<10000x16xf32, #tpu.memory_space<vmem_shared>>) dst(%arg6 : memref<2000x16xf32, #tpu.memory_space<vmem>>)
      "tpu.region"() ({
        %run_scoped3A = tpu.sem_alloc : memref<!tpu.dma_semaphore, #tpu.memory_space<semaphore_mem>>
        %dma_start3A_17 = arith.constant 0 : i32
        %dma_start3A_18 = tpu.memref_slice %arg4[%add3A_12, %dma_start3A_17] : memref<320000x16xf32, #tpu.memory_space<hbm>> -> memref<2000x16xf32, #tpu.memory_space<hbm>>
        %dma_start3A_19 = arith.constant 0 : i32
        %dma_start3A_20 = tpu.memref_slice %arg4[%add3A_12, %dma_start3A_19] : memref<320000x16xf32, #tpu.memory_space<hbm>> -> memref<2000x16xf32, #tpu.memory_space<hbm>>
        tpu.enqueue_dma source(%arg6 : memref<2000x16xf32, #tpu.memory_space<vmem>>) target(%dma_start3A_20 : memref<2000x16xf32, #tpu.memory_space<hbm>>) target_semaphore(%run_scoped3A : memref<!tpu.dma_semaphore, #tpu.memory_space<semaphore_mem>>)
        %dma_wait3A_21 = arith.constant 0 : i32
        %dma_wait3A_22 = tpu.memref_slice %arg4[%add3A_12, %dma_wait3A_21] : memref<320000x16xf32, #tpu.memory_space<hbm>> -> memref<2000x16xf32, #tpu.memory_space<hbm>>
        %dma_wait3A_23 = arith.constant 0 : i32
        %dma_wait3A_24 = tpu.memref_slice %arg4[%add3A_12, %dma_wait3A_23] : memref<320000x16xf32, #tpu.memory_space<hbm>> -> memref<2000x16xf32, #tpu.memory_space<hbm>>
        tpu.wait_dma2 semaphore(%run_scoped3A : memref<!tpu.dma_semaphore, #tpu.memory_space<semaphore_mem>>) src(%arg6 : memref<2000x16xf32, #tpu.memory_space<vmem>>) dst(%dma_wait3A_24 : memref<2000x16xf32, #tpu.memory_space<hbm>>)
        tpu.yield
      }) : () -> ()
    }
    %scan3A_8 = arith.constant 5 : i32
    return
  }
}

#map = affine_map<(d0, d1) -> (0)>
module attributes {stable_mosaic.version = 14 : i64} {
  func.func @_norm_k(%arg0: i32, %arg1: i32, %arg2: memref<320000xf32, #tpu.memory_space<hbm>>, %arg3: memref<320000xi32, #tpu.memory_space<hbm>>, %arg4: memref<10240xf32, #tpu.memory_space<hbm>>, %arg5: memref<10240xi32, #tpu.memory_space<hbm>>, %arg6: memref<320000xf32, #tpu.memory_space<hbm>>, %arg7: memref<10240xf32, #tpu.memory_space<vmem_shared>>, %arg8: memref<10240xi32, #tpu.memory_space<vmem_shared>>, %arg9: memref<2000xi32, #tpu.memory_space<vmem>>, %arg10: memref<2000xf32, #tpu.memory_space<vmem>>, %arg11: memref<2000xi32, #tpu.memory_space<vmem>>, %arg12: memref<10000xf32, #tpu.memory_space<vmem>>, %arg13: memref<10000xi32, #tpu.memory_space<vmem>>, %arg14: memref<10000xi32, #tpu.memory_space<vmem>>, %arg15: memref<10000xi32, #tpu.memory_space<vmem>>, %arg16: memref<10000xf32, #tpu.memory_space<vmem>>, %arg17: memref<10000xf32, #tpu.memory_space<vmem>>, %arg18: memref<!tpu.dma_semaphore, #tpu.memory_space<semaphore_mem>>) attributes {dimension_semantics = [#tpu.dimension_semantics<core_parallel>, #tpu.dimension_semantics<subcore_parallel>], iteration_bounds = array<i64: 2, 16>, scalar_prefetch = 0 : i64, scratch_operands = 12 : i64, tpu.core_type = #tpu.core_type<sc_vector_subcore>, window_params = [{transform_indices = #map}, {transform_indices = #map}, {transform_indices = #map}, {transform_indices = #map}, {transform_indices = #map}]} {
    %mul3A = arith.constant 2 : i32
    %mul3A_0 = arith.muli %arg1, %mul3A : i32
    %add3A = arith.addi %mul3A_0, %arg0 : i32
    %eq3A = arith.constant 0 : i32
    %eq3A_1 = arith.cmpi eq, %arg1, %eq3A : i32
    %convert_element_type3A = arith.extui %eq3A_1 : i1 to i32
    %cond3A = arith.constant 0 : i32
    %cond3A_2 = arith.cmpi ne, %convert_element_type3A, %cond3A : i32
    scf.if %cond3A_2 {
      "tpu.region"() ({
        %run_scoped3A = tpu.sem_alloc : memref<!tpu.dma_semaphore, #tpu.memory_space<semaphore_mem>>
        tpu.enqueue_dma source(%arg4 : memref<10240xf32, #tpu.memory_space<hbm>>) target(%arg7 : memref<10240xf32, #tpu.memory_space<vmem_shared>>) target_semaphore(%run_scoped3A : memref<!tpu.dma_semaphore, #tpu.memory_space<semaphore_mem>>)
        tpu.wait_dma2 semaphore(%run_scoped3A : memref<!tpu.dma_semaphore, #tpu.memory_space<semaphore_mem>>) src(%arg4 : memref<10240xf32, #tpu.memory_space<hbm>>) dst(%arg7 : memref<10240xf32, #tpu.memory_space<vmem_shared>>)
        tpu.yield
      }) : () -> ()
      "tpu.region"() ({
        %run_scoped3A = tpu.sem_alloc : memref<!tpu.dma_semaphore, #tpu.memory_space<semaphore_mem>>
        tpu.enqueue_dma source(%arg5 : memref<10240xi32, #tpu.memory_space<hbm>>) target(%arg8 : memref<10240xi32, #tpu.memory_space<vmem_shared>>) target_semaphore(%run_scoped3A : memref<!tpu.dma_semaphore, #tpu.memory_space<semaphore_mem>>)
        tpu.wait_dma2 semaphore(%run_scoped3A : memref<!tpu.dma_semaphore, #tpu.memory_space<semaphore_mem>>) src(%arg5 : memref<10240xi32, #tpu.memory_space<hbm>>) dst(%arg8 : memref<10240xi32, #tpu.memory_space<vmem_shared>>)
        tpu.yield
      }) : () -> ()
    } else {
    }
    %scan3A = arith.constant 0 : i32
    %scan3A_3 = arith.constant 125 : i32
    %scan3A_4 = arith.addi %scan3A, %scan3A_3 : i32
    %scan3A_5 = arith.constant 1 : i32
    scf.for %scan3A_59 = %scan3A to %scan3A_4 step %scan3A_5  : i32 {
      %broadcast_in_dim3A_60 = arith.constant 1 : i32
      %broadcast_in_dim3A_61 = vector.broadcast %broadcast_in_dim3A_60 : i32 to vector<16xi32>
      %mul3A_62 = arith.constant 16 : i32
      %mul3A_63 = arith.muli %scan3A_59, %mul3A_62 : i32
      %swap3A = arith.index_cast %mul3A_63 : i32 to index
      %swap3A_64 = tpu.vector_load %arg11[%swap3A] {strides = array<i32>} : memref<2000xi32, #tpu.memory_space<vmem>>, vector<16xi32>,
      tpu.vector_store %arg11[%swap3A], %broadcast_in_dim3A_61 {strides = array<i32>} : memref<2000xi32, #tpu.memory_space<vmem>>, vector<16xi32>,
    }
    %scan3A_6 = arith.constant 125 : i32
    %barrier3A = arith.constant 0 : index
    tpu.barrier barrier_id(%barrier3A)
    %mul3A_7 = arith.constant 20000 : i32
    %mul3A_8 = arith.muli %arg1, %mul3A_7 : i32
    %scan3A_9 = arith.constant 0 : i32
    %scan3A_10 = arith.constant 10 : i32
    %scan3A_11 = arith.addi %scan3A_9, %scan3A_10 : i32
    %scan3A_12 = arith.constant 1 : i32
    scf.for %scan3A_59 = %scan3A_9 to %scan3A_11 step %scan3A_12  : i32 {
      %mul3A_60 = arith.constant 2000 : i32
      %mul3A_61 = arith.muli %scan3A_59, %mul3A_60 : i32
      %add3A_62 = arith.addi %mul3A_8, %mul3A_61 : i32
      "tpu.region"() ({
        %run_scoped3A = tpu.sem_alloc : memref<!tpu.dma_semaphore, #tpu.memory_space<semaphore_mem>>
        %dma_start3A_69 = tpu.memref_slice %arg3[%add3A_62] : memref<320000xi32, #tpu.memory_space<hbm>> -> memref<2000xi32, #tpu.memory_space<hbm>>
        %dma_start3A_70 = tpu.memref_slice %arg3[%add3A_62] : memref<320000xi32, #tpu.memory_space<hbm>> -> memref<2000xi32, #tpu.memory_space<hbm>>
        tpu.enqueue_dma source(%dma_start3A_70 : memref<2000xi32, #tpu.memory_space<hbm>>) target(%arg9 : memref<2000xi32, #tpu.memory_space<vmem>>) target_semaphore(%run_scoped3A : memref<!tpu.dma_semaphore, #tpu.memory_space<semaphore_mem>>)
        %dma_wait3A_71 = tpu.memref_slice %arg3[%add3A_62] : memref<320000xi32, #tpu.memory_space<hbm>> -> memref<2000xi32, #tpu.memory_space<hbm>>
        %dma_wait3A_72 = tpu.memref_slice %arg3[%add3A_62] : memref<320000xi32, #tpu.memory_space<hbm>> -> memref<2000xi32, #tpu.memory_space<hbm>>
        tpu.wait_dma2 semaphore(%run_scoped3A : memref<!tpu.dma_semaphore, #tpu.memory_space<semaphore_mem>>) src(%dma_wait3A_72 : memref<2000xi32, #tpu.memory_space<hbm>>) dst(%arg9 : memref<2000xi32, #tpu.memory_space<vmem>>)
        tpu.yield
      }) : () -> ()
      "tpu.region"() ({
        %run_scoped3A = tpu.sem_alloc : memref<!tpu.dma_semaphore, #tpu.memory_space<semaphore_mem>>
        %dma_start3A_69 = tpu.memref_slice %arg2[%add3A_62] : memref<320000xf32, #tpu.memory_space<hbm>> -> memref<2000xf32, #tpu.memory_space<hbm>>
        %dma_start3A_70 = tpu.memref_slice %arg2[%add3A_62] : memref<320000xf32, #tpu.memory_space<hbm>> -> memref<2000xf32, #tpu.memory_space<hbm>>
        tpu.enqueue_dma source(%dma_start3A_70 : memref<2000xf32, #tpu.memory_space<hbm>>) target(%arg10 : memref<2000xf32, #tpu.memory_space<vmem>>) target_semaphore(%run_scoped3A : memref<!tpu.dma_semaphore, #tpu.memory_space<semaphore_mem>>)
        %dma_wait3A_71 = tpu.memref_slice %arg2[%add3A_62] : memref<320000xf32, #tpu.memory_space<hbm>> -> memref<2000xf32, #tpu.memory_space<hbm>>
        %dma_wait3A_72 = tpu.memref_slice %arg2[%add3A_62] : memref<320000xf32, #tpu.memory_space<hbm>> -> memref<2000xf32, #tpu.memory_space<hbm>>
        tpu.wait_dma2 semaphore(%run_scoped3A : memref<!tpu.dma_semaphore, #tpu.memory_space<semaphore_mem>>) src(%dma_wait3A_72 : memref<2000xf32, #tpu.memory_space<hbm>>) dst(%arg10 : memref<2000xf32, #tpu.memory_space<vmem>>)
        tpu.yield
      }) : () -> ()
      %dma_start3A = arith.constant 0 : i32
      %dma_start3A_63 = tpu.memref_slice %arg7[%dma_start3A] : memref<10240xf32, #tpu.memory_space<vmem_shared>> -> memref<10240xf32, #tpu.memory_space<vmem_shared>>
      tpu.enqueue_indirect_dma source(%arg10 : memref<2000xf32, #tpu.memory_space<vmem>>) target(%dma_start3A_63 : memref<10240xf32, #tpu.memory_space<vmem_shared>>) offsets(%arg9 : memref<2000xi32, #tpu.memory_space<vmem>>) semaphore(%arg18 : memref<!tpu.dma_semaphore, #tpu.memory_space<semaphore_mem>>) {add = true}
      %dma_start3A_64 = arith.constant 0 : i32
      %dma_start3A_65 = tpu.memref_slice %arg8[%dma_start3A_64] : memref<10240xi32, #tpu.memory_space<vmem_shared>> -> memref<10240xi32, #tpu.memory_space<vmem_shared>>
      tpu.enqueue_indirect_dma source(%arg11 : memref<2000xi32, #tpu.memory_space<vmem>>) target(%dma_start3A_65 : memref<10240xi32, #tpu.memory_space<vmem_shared>>) offsets(%arg9 : memref<2000xi32, #tpu.memory_space<vmem>>) semaphore(%arg18 : memref<!tpu.dma_semaphore, #tpu.memory_space<semaphore_mem>>) {add = true}
      %dma_wait3A = arith.constant 0 : i32
      %dma_wait3A_66 = tpu.memref_slice %arg7[%dma_wait3A] : memref<10240xf32, #tpu.memory_space<vmem_shared>> -> memref<10240xf32, #tpu.memory_space<vmem_shared>>
      tpu.wait_indirect_dma semaphore(%arg18 : memref<!tpu.dma_semaphore, #tpu.memory_space<semaphore_mem>>) src(%arg10 : memref<2000xf32, #tpu.memory_space<vmem>>) dst(%dma_wait3A_66 : memref<10240xf32, #tpu.memory_space<vmem_shared>>)
      %dma_wait3A_67 = arith.constant 0 : i32
      %dma_wait3A_68 = tpu.memref_slice %arg8[%dma_wait3A_67] : memref<10240xi32, #tpu.memory_space<vmem_shared>> -> memref<10240xi32, #tpu.memory_space<vmem_shared>>
      tpu.wait_indirect_dma semaphore(%arg18 : memref<!tpu.dma_semaphore, #tpu.memory_space<semaphore_mem>>) src(%arg11 : memref<2000xi32, #tpu.memory_space<vmem>>) dst(%dma_wait3A_68 : memref<10240xi32, #tpu.memory_space<vmem_shared>>)
    }
    %scan3A_13 = arith.constant 10 : i32
    %barrier3A_14 = arith.constant 0 : index
    tpu.barrier barrier_id(%barrier3A_14)
    "tpu.region"() ({
      %run_scoped3A = tpu.sem_alloc : memref<!tpu.dma_semaphore, #tpu.memory_space<semaphore_mem>>
      %dma_start3A = arith.constant 0 : i32
      %dma_start3A_59 = tpu.memref_slice %arg7[%dma_start3A] : memref<10240xf32, #tpu.memory_space<vmem_shared>> -> memref<10000xf32, #tpu.memory_space<vmem_shared>>
      %dma_start3A_60 = arith.constant 0 : i32
      %dma_start3A_61 = tpu.memref_slice %arg7[%dma_start3A_60] : memref<10240xf32, #tpu.memory_space<vmem_shared>> -> memref<10000xf32, #tpu.memory_space<vmem_shared>>
      tpu.enqueue_dma source(%dma_start3A_61 : memref<10000xf32, #tpu.memory_space<vmem_shared>>) target(%arg12 : memref<10000xf32, #tpu.memory_space<vmem>>) target_semaphore(%run_scoped3A : memref<!tpu.dma_semaphore, #tpu.memory_space<semaphore_mem>>)
      %dma_wait3A = arith.constant 0 : i32
      %dma_wait3A_62 = tpu.memref_slice %arg7[%dma_wait3A] : memref<10240xf32, #tpu.memory_space<vmem_shared>> -> memref<10000xf32, #tpu.memory_space<vmem_shared>>
      %dma_wait3A_63 = arith.constant 0 : i32
      %dma_wait3A_64 = tpu.memref_slice %arg7[%dma_wait3A_63] : memref<10240xf32, #tpu.memory_space<vmem_shared>> -> memref<10000xf32, #tpu.memory_space<vmem_shared>>
      tpu.wait_dma2 semaphore(%run_scoped3A : memref<!tpu.dma_semaphore, #tpu.memory_space<semaphore_mem>>) src(%dma_wait3A_64 : memref<10000xf32, #tpu.memory_space<vmem_shared>>) dst(%arg12 : memref<10000xf32, #tpu.memory_space<vmem>>)
      tpu.yield
    }) : () -> ()
    "tpu.region"() ({
      %run_scoped3A = tpu.sem_alloc : memref<!tpu.dma_semaphore, #tpu.memory_space<semaphore_mem>>
      %dma_start3A = arith.constant 0 : i32
      %dma_start3A_59 = tpu.memref_slice %arg8[%dma_start3A] : memref<10240xi32, #tpu.memory_space<vmem_shared>> -> memref<10000xi32, #tpu.memory_space<vmem_shared>>
      %dma_start3A_60 = arith.constant 0 : i32
      %dma_start3A_61 = tpu.memref_slice %arg8[%dma_start3A_60] : memref<10240xi32, #tpu.memory_space<vmem_shared>> -> memref<10000xi32, #tpu.memory_space<vmem_shared>>
      tpu.enqueue_dma source(%dma_start3A_61 : memref<10000xi32, #tpu.memory_space<vmem_shared>>) target(%arg13 : memref<10000xi32, #tpu.memory_space<vmem>>) target_semaphore(%run_scoped3A : memref<!tpu.dma_semaphore, #tpu.memory_space<semaphore_mem>>)
      %dma_wait3A = arith.constant 0 : i32
      %dma_wait3A_62 = tpu.memref_slice %arg8[%dma_wait3A] : memref<10240xi32, #tpu.memory_space<vmem_shared>> -> memref<10000xi32, #tpu.memory_space<vmem_shared>>
      %dma_wait3A_63 = arith.constant 0 : i32
      %dma_wait3A_64 = tpu.memref_slice %arg8[%dma_wait3A_63] : memref<10240xi32, #tpu.memory_space<vmem_shared>> -> memref<10000xi32, #tpu.memory_space<vmem_shared>>
      tpu.wait_dma2 semaphore(%run_scoped3A : memref<!tpu.dma_semaphore, #tpu.memory_space<semaphore_mem>>) src(%dma_wait3A_64 : memref<10000xi32, #tpu.memory_space<vmem_shared>>) dst(%arg13 : memref<10000xi32, #tpu.memory_space<vmem>>)
      tpu.yield
    }) : () -> ()
    %mul3A_15 = arith.constant 10000 : i32
    %mul3A_16 = arith.muli %add3A, %mul3A_15 : i32
    %broadcast_in_dim3A = arith.constant 0 : i32
    %broadcast_in_dim3A_17 = vector.broadcast %broadcast_in_dim3A : i32 to vector<16xi32>
    %add3A_18 = arith.constant 15 : i32
    %add3A_19 = vector.broadcast %add3A_18 : i32 to vector<16xi32>
    %add3A_20 = arith.addi %broadcast_in_dim3A_17, %add3A_19 : vector<16xi32>
    %broadcast_in_dim3A_21 = arith.constant 0 : i32
    %broadcast_in_dim3A_22 = vector.broadcast %broadcast_in_dim3A_21 : i32 to vector<16xi32>
    %broadcast_in_dim3A_23 = arith.constant 0 : i32
    %broadcast_in_dim3A_24 = vector.broadcast %broadcast_in_dim3A_23 : i32 to vector<16xi32>
    %scan3A_25 = arith.constant 0 : i32
    %scan3A_26 = arith.constant 625 : i32
    %scan3A_27 = arith.addi %scan3A_25, %scan3A_26 : i32
    %scan3A_28 = arith.constant 1 : i32
    %scan3A_29:2 = scf.for %scan3A_59 = %scan3A_25 to %scan3A_27 step %scan3A_28 iter_args(%scan3A_60 = %broadcast_in_dim3A_22, %scan3A_61 = %broadcast_in_dim3A_24) -> (vector<16xi32>, vector<16xi32>)  : i32 {
      %mul3A_62 = arith.constant 16 : i32
      %mul3A_63 = arith.muli %scan3A_59, %mul3A_62 : i32
      %get3A = arith.index_cast %mul3A_63 : i32 to index
      %get3A_64 = tpu.vector_load %arg13[%get3A] {strides = array<i32>} : memref<10000xi32, #tpu.memory_space<vmem>>, vector<16xi32>,
      %broadcast_in_dim3A_65 = arith.constant true
      %broadcast_in_dim3A_66 = vector.broadcast %broadcast_in_dim3A_65 : i1 to vector<16xi1>
      %masked_cumsum3A = tpu.scan <sum>, %get3A_64 masked %broadcast_in_dim3A_66 : vector<16xi32>, vector<16xi1> -> vector<16xi32>
      %add3A_67 = arith.addi %masked_cumsum3A, %scan3A_60 : vector<16xi32>
      %sub3A_68 = arith.subi %add3A_67, %get3A_64 : vector<16xi32>
      %swap3A = arith.index_cast %mul3A_63 : i32 to index
      %swap3A_69 = tpu.vector_load %arg14[%swap3A] {strides = array<i32>} : memref<10000xi32, #tpu.memory_space<vmem>>, vector<16xi32>,
      tpu.vector_store %arg14[%swap3A], %sub3A_68 {strides = array<i32>} : memref<10000xi32, #tpu.memory_space<vmem>>, vector<16xi32>,
      %le3A = vector.broadcast %mul3A_16 : i32 to vector<16xi32>
      %le3A_70 = arith.cmpi sle, %sub3A_68, %le3A : vector<16xi32>
      %all_reduce_population_count3A = tpu.all_reduce %le3A_70 {dim = 0 : i64, kind = #tpu.reduction_kind<sum>} : vector<16xi1> -> vector<16xi32>
      %add3A_71 = arith.addi %scan3A_61, %all_reduce_population_count3A : vector<16xi32>
      %lt3A = arith.constant 0 : i32
      %lt3A_72 = vector.broadcast %lt3A : i32 to vector<16xi32>
      %lt3A_73 = arith.cmpi slt, %add3A_20, %lt3A_72 : vector<16xi32>
      %add3A_74 = arith.constant 16 : i32
      %add3A_75 = vector.broadcast %add3A_74 : i32 to vector<16xi32>
      %add3A_76 = arith.addi %add3A_20, %add3A_75 : vector<16xi32>
      %select_n3A = arith.select %lt3A_73, %add3A_76, %add3A_20 : vector<16xi1>, vector<16xi32>
      %broadcast_in_dim3A_77 = vector.shape_cast %select_n3A : vector<16xi32> to vector<16x1xi32>
      %gather3A = vector.shape_cast %broadcast_in_dim3A_77 : vector<16x1xi32> to vector<16xi32>
      %gather3A_78 = tpu.dynamic_gather %add3A_67[%gather3A] in [0] : vector<16xi32>, vector<16xi32> -> vector<16xi32>
      scf.yield %gather3A_78, %add3A_71 : vector<16xi32>, vector<16xi32>
    }
    %scan3A_30 = arith.constant 625 : i32
    %reduce_max3A = arith.constant true
    %reduce_max3A_31 = vector.broadcast %reduce_max3A : i1 to vector<16xi1>
    %reduce_max3A_32 = arith.constant -2147483648 : i32
    %reduce_max3A_33 = vector.broadcast %reduce_max3A_32 : i32 to vector<16xi32>
    %reduce_max3A_34 = arith.xori %scan3A_29#1, %reduce_max3A_33 : vector<16xi32>
    %reduce_max3A_35 = tpu.scan <max>, %reduce_max3A_34 masked %reduce_max3A_31 : vector<16xi32>, vector<16xi1> -> vector<16xi32>
    %reduce_max3A_36 = arith.xori %reduce_max3A_35, %reduce_max3A_33 : vector<16xi32>
    %reduce_max3A_37 = vector.extract %reduce_max3A_36[15] : i32 from vector<16xi32>
    %sub3A = arith.constant 1 : i32
    %sub3A_38 = arith.subi %reduce_max3A_37, %sub3A : i32
    "tpu.region"() ({
      %run_scoped3A = tpu.sem_alloc : memref<!tpu.dma_semaphore, #tpu.memory_space<semaphore_mem>>
      %dma_start3A = tpu.memref_slice %arg2[%mul3A_16] : memref<320000xf32, #tpu.memory_space<hbm>> -> memref<10000xf32, #tpu.memory_space<hbm>>
      %dma_start3A_59 = tpu.memref_slice %arg2[%mul3A_16] : memref<320000xf32, #tpu.memory_space<hbm>> -> memref<10000xf32, #tpu.memory_space<hbm>>
      tpu.enqueue_dma source(%dma_start3A_59 : memref<10000xf32, #tpu.memory_space<hbm>>) target(%arg16 : memref<10000xf32, #tpu.memory_space<vmem>>) target_semaphore(%run_scoped3A : memref<!tpu.dma_semaphore, #tpu.memory_space<semaphore_mem>>)
      %dma_wait3A = tpu.memref_slice %arg2[%mul3A_16] : memref<320000xf32, #tpu.memory_space<hbm>> -> memref<10000xf32, #tpu.memory_space<hbm>>
      %dma_wait3A_60 = tpu.memref_slice %arg2[%mul3A_16] : memref<320000xf32, #tpu.memory_space<hbm>> -> memref<10000xf32, #tpu.memory_space<hbm>>
      tpu.wait_dma2 semaphore(%run_scoped3A : memref<!tpu.dma_semaphore, #tpu.memory_space<semaphore_mem>>) src(%dma_wait3A_60 : memref<10000xf32, #tpu.memory_space<hbm>>) dst(%arg16 : memref<10000xf32, #tpu.memory_space<vmem>>)
      tpu.yield
    }) : () -> ()
    %scan3A_39 = arith.constant 0 : i32
    %scan3A_40 = arith.constant 625 : i32
    %scan3A_41 = arith.addi %scan3A_39, %scan3A_40 : i32
    %scan3A_42 = arith.constant 1 : i32
    scf.for %scan3A_59 = %scan3A_39 to %scan3A_41 step %scan3A_42  : i32 {
      %broadcast_in_dim3A_60 = arith.constant 0 : i32
      %broadcast_in_dim3A_61 = vector.broadcast %broadcast_in_dim3A_60 : i32 to vector<16xi32>
      %add3A_62 = vector.broadcast %sub3A_38 : i32 to vector<16xi32>
      %add3A_63 = arith.addi %broadcast_in_dim3A_61, %add3A_62 : vector<16xi32>
      %mul3A_64 = arith.constant 16 : i32
      %mul3A_65 = arith.muli %scan3A_59, %mul3A_64 : i32
      %swap3A = arith.index_cast %mul3A_65 : i32 to index
      %swap3A_66 = tpu.vector_load %arg15[%swap3A] {strides = array<i32>} : memref<10000xi32, #tpu.memory_space<vmem>>, vector<16xi32>,
      tpu.vector_store %arg15[%swap3A], %add3A_63 {strides = array<i32>} : memref<10000xi32, #tpu.memory_space<vmem>>, vector<16xi32>,
    }
    %scan3A_43 = arith.constant 625 : i32
    %iota3A = tpu.iota {dimensions = array<i32: 0>} : vector<16xi32>
    %scan3A_44 = arith.constant 0 : i32
    %scan3A_45 = arith.constant 625 : i32
    %scan3A_46 = arith.addi %scan3A_44, %scan3A_45 : i32
    %scan3A_47 = arith.constant 1 : i32
    scf.for %scan3A_59 = %scan3A_44 to %scan3A_46 step %scan3A_47  : i32 {
      %mul3A_60 = arith.constant 16 : i32
      %mul3A_61 = arith.muli %scan3A_59, %mul3A_60 : i32
      %get3A = arith.index_cast %mul3A_61 : i32 to index
      %get3A_62 = tpu.vector_load %arg14[%get3A] {strides = array<i32>} : memref<10000xi32, #tpu.memory_space<vmem>>, vector<16xi32>,
      %get3A_63 = arith.index_cast %mul3A_61 : i32 to index
      %get3A_64 = tpu.vector_load %arg13[%get3A_63] {strides = array<i32>} : memref<10000xi32, #tpu.memory_space<vmem>>, vector<16xi32>,
      %mul3A_65 = arith.constant 16 : i32
      %mul3A_66 = arith.muli %scan3A_59, %mul3A_65 : i32
      %add3A_67 = vector.broadcast %mul3A_66 : i32 to vector<16xi32>
      %add3A_68 = arith.addi %iota3A, %add3A_67 : vector<16xi32>
      %gt3A = arith.constant 0 : i32
      %gt3A_69 = vector.broadcast %gt3A : i32 to vector<16xi32>
      %gt3A_70 = arith.cmpi sgt, %get3A_64, %gt3A_69 : vector<16xi32>
      %ge3A = vector.broadcast %mul3A_16 : i32 to vector<16xi32>
      %ge3A_71 = arith.cmpi sge, %get3A_62, %ge3A : vector<16xi32>
      %and3A = arith.andi %gt3A_70, %ge3A_71 : vector<16xi1>
      %add3A_72 = arith.constant 10000 : i32
      %add3A_73 = arith.addi %mul3A_16, %add3A_72 : i32
      %lt3A = vector.broadcast %add3A_73 : i32 to vector<16xi32>
      %lt3A_74 = arith.cmpi slt, %get3A_62, %lt3A : vector<16xi32>
      %and3A_75 = arith.andi %and3A, %lt3A_74 : vector<16xi1>
      %sub3A_76 = vector.broadcast %mul3A_16 : i32 to vector<16xi32>
      %sub3A_77 = arith.subi %get3A_62, %sub3A_76 : vector<16xi32>
      tpu.vector_store_idx %arg15[%sub3A_77], %add3A_68 masked %and3A_75 : memref<10000xi32, #tpu.memory_space<vmem>>[vector<16xi32>], vector<16xi32>, vector<16xi1>
    }
    %scan3A_48 = arith.constant 625 : i32
    %broadcast_in_dim3A_49 = arith.constant 0 : i32
    %broadcast_in_dim3A_50 = vector.broadcast %broadcast_in_dim3A_49 : i32 to vector<16xi32>
    %add3A_51 = vector.broadcast %sub3A_38 : i32 to vector<16xi32>
    %add3A_52 = arith.addi %broadcast_in_dim3A_50, %add3A_51 : vector<16xi32>
    %scan3A_53 = arith.constant 0 : i32
    %scan3A_54 = arith.constant 625 : i32
    %scan3A_55 = arith.addi %scan3A_53, %scan3A_54 : i32
    %scan3A_56 = arith.constant 1 : i32
    %scan3A_57 = scf.for %scan3A_59 = %scan3A_53 to %scan3A_55 step %scan3A_56 iter_args(%scan3A_60 = %add3A_52) -> (vector<16xi32>)  : i32 {
      %mul3A_61 = arith.constant 16 : i32
      %mul3A_62 = arith.muli %scan3A_59, %mul3A_61 : i32
      %get3A = arith.index_cast %mul3A_62 : i32 to index
      %get3A_63 = tpu.vector_load %arg15[%get3A] {strides = array<i32>} : memref<10000xi32, #tpu.memory_space<vmem>>, vector<16xi32>,
      %broadcast_in_dim3A_64 = arith.constant true
      %broadcast_in_dim3A_65 = vector.broadcast %broadcast_in_dim3A_64 : i1 to vector<16xi1>
      %masked_cummax3A = arith.constant -2147483648 : i32
      %masked_cummax3A_66 = vector.broadcast %masked_cummax3A : i32 to vector<16xi32>
      %masked_cummax3A_67 = arith.xori %get3A_63, %masked_cummax3A_66 : vector<16xi32>
      %masked_cummax3A_68 = tpu.scan <max>, %masked_cummax3A_67 masked %broadcast_in_dim3A_65 : vector<16xi32>, vector<16xi1> -> vector<16xi32>
      %masked_cummax3A_69 = arith.xori %masked_cummax3A_68, %masked_cummax3A_66 : vector<16xi32>
      %max3A = arith.maxsi %masked_cummax3A_69, %scan3A_60 : vector<16xi32>
      %gather3A = tpu.vector_load_idx %arg12[%max3A] : memref<10000xf32, #tpu.memory_space<vmem>>[vector<16xi32>], vector<16xf32>,
      %get3A_70 = arith.index_cast %mul3A_62 : i32 to index
      %get3A_71 = tpu.vector_load %arg16[%get3A_70] {strides = array<i32>} : memref<10000xf32, #tpu.memory_space<vmem>>, vector<16xf32>,
      %div3A = arith.divf %get3A_71, %gather3A : vector<16xf32>
      %swap3A = arith.index_cast %mul3A_62 : i32 to index
      %swap3A_72 = tpu.vector_load %arg17[%swap3A] {strides = array<i32>} : memref<10000xf32, #tpu.memory_space<vmem>>, vector<16xf32>,
      tpu.vector_store %arg17[%swap3A], %div3A {strides = array<i32>} : memref<10000xf32, #tpu.memory_space<vmem>>, vector<16xf32>,
      %lt3A = arith.constant 0 : i32
      %lt3A_73 = vector.broadcast %lt3A : i32 to vector<16xi32>
      %lt3A_74 = arith.cmpi slt, %add3A_20, %lt3A_73 : vector<16xi32>
      %add3A_75 = arith.constant 16 : i32
      %add3A_76 = vector.broadcast %add3A_75 : i32 to vector<16xi32>
      %add3A_77 = arith.addi %add3A_20, %add3A_76 : vector<16xi32>
      %select_n3A = arith.select %lt3A_74, %add3A_77, %add3A_20 : vector<16xi1>, vector<16xi32>
      %broadcast_in_dim3A_78 = vector.shape_cast %select_n3A : vector<16xi32> to vector<16x1xi32>
      %gather3A_79 = vector.shape_cast %broadcast_in_dim3A_78 : vector<16x1xi32> to vector<16xi32>
      %gather3A_80 = tpu.dynamic_gather %max3A[%gather3A_79] in [0] : vector<16xi32>, vector<16xi32> -> vector<16xi32>
      scf.yield %gather3A_80 : vector<16xi32>
    }
    %scan3A_58 = arith.constant 625 : i32
    "tpu.region"() ({
      %run_scoped3A = tpu.sem_alloc : memref<!tpu.dma_semaphore, #tpu.memory_space<semaphore_mem>>
      %dma_start3A = tpu.memref_slice %arg6[%mul3A_16] : memref<320000xf32, #tpu.memory_space<hbm>> -> memref<10000xf32, #tpu.memory_space<hbm>>
      %dma_start3A_59 = tpu.memref_slice %arg6[%mul3A_16] : memref<320000xf32, #tpu.memory_space<hbm>> -> memref<10000xf32, #tpu.memory_space<hbm>>
      tpu.enqueue_dma source(%arg17 : memref<10000xf32, #tpu.memory_space<vmem>>) target(%dma_start3A_59 : memref<10000xf32, #tpu.memory_space<hbm>>) target_semaphore(%run_scoped3A : memref<!tpu.dma_semaphore, #tpu.memory_space<semaphore_mem>>)
      %dma_wait3A = tpu.memref_slice %arg6[%mul3A_16] : memref<320000xf32, #tpu.memory_space<hbm>> -> memref<10000xf32, #tpu.memory_space<hbm>>
      %dma_wait3A_60 = tpu.memref_slice %arg6[%mul3A_16] : memref<320000xf32, #tpu.memory_space<hbm>> -> memref<10000xf32, #tpu.memory_space<hbm>>
      tpu.wait_dma2 semaphore(%run_scoped3A : memref<!tpu.dma_semaphore, #tpu.memory_space<semaphore_mem>>) src(%arg17 : memref<10000xf32, #tpu.memory_space<vmem>>) dst(%dma_wait3A_60 : memref<10000xf32, #tpu.memory_space<hbm>>)
      tpu.yield
    }) : () -> ()
    return
  }
}

#map = affine_map<(d0, d1) -> (0, 0)>
#map1 = affine_map<(d0, d1) -> (0)>
#map2 = affine_map<(d0, d1) -> (0, 0, 0)>
module attributes {stable_mosaic.version = 14 : i64} {
  func.func @_scat_k(%arg0: i32, %arg1: i32, %arg2: memref<320000x16xf32, #tpu.memory_space<hbm>>, %arg3: memref<320000x16xf32, #tpu.memory_space<hbm>>, %arg4: memref<320000xf32, #tpu.memory_space<hbm>>, %arg5: memref<320000xi32, #tpu.memory_space<hbm>>, %arg6: memref<10240x16xf32, #tpu.memory_space<hbm>>, %arg7: memref<2x10000x16xf32, #tpu.memory_space<hbm>>, %arg8: memref<16x320000xf32, #tpu.memory_space<hbm>>, %arg9: memref<10240x16xf32, #tpu.memory_space<vmem_shared>>, %arg10: memref<2000xi32, #tpu.memory_space<vmem>>, %arg11: memref<2000x16xf32, #tpu.memory_space<vmem>>, %arg12: memref<2000x16xf32, #tpu.memory_space<vmem>>, %arg13: memref<2000xf32, #tpu.memory_space<vmem>>, %arg14: memref<32000xf32, #tpu.memory_space<vmem>>, %arg15: memref<!tpu.dma_semaphore, #tpu.memory_space<semaphore_mem>>, %arg16: memref<!tpu.dma_semaphore, #tpu.memory_space<semaphore_mem>>) attributes {dimension_semantics = [#tpu.dimension_semantics<core_parallel>, #tpu.dimension_semantics<subcore_parallel>], iteration_bounds = array<i64: 2, 16>, scalar_prefetch = 0 : i64, scratch_operands = 8 : i64, tpu.core_type = #tpu.core_type<sc_vector_subcore>, window_params = [{transform_indices = #map}, {transform_indices = #map}, {transform_indices = #map1}, {transform_indices = #map1}, {transform_indices = #map}, {transform_indices = #map2}, {transform_indices = #map}]} {
    %eq3A = arith.constant 0 : i32
    %eq3A_0 = arith.cmpi eq, %arg1, %eq3A : i32
    %convert_element_type3A = arith.extui %eq3A_0 : i1 to i32
    %cond3A = arith.constant 0 : i32
    %cond3A_1 = arith.cmpi ne, %convert_element_type3A, %cond3A : i32
    scf.if %cond3A_1 {
      "tpu.region"() ({
        %run_scoped3A = tpu.sem_alloc : memref<!tpu.dma_semaphore, #tpu.memory_space<semaphore_mem>>
        tpu.enqueue_dma source(%arg6 : memref<10240x16xf32, #tpu.memory_space<hbm>>) target(%arg9 : memref<10240x16xf32, #tpu.memory_space<vmem_shared>>) target_semaphore(%run_scoped3A : memref<!tpu.dma_semaphore, #tpu.memory_space<semaphore_mem>>)
        tpu.wait_dma2 semaphore(%run_scoped3A : memref<!tpu.dma_semaphore, #tpu.memory_space<semaphore_mem>>) src(%arg6 : memref<10240x16xf32, #tpu.memory_space<hbm>>) dst(%arg9 : memref<10240x16xf32, #tpu.memory_space<vmem_shared>>)
        tpu.yield
      }) : () -> ()
    } else {
    }
    %barrier3A = arith.constant 0 : index
    tpu.barrier barrier_id(%barrier3A)
    %mul3A = arith.constant 160000 : i32
    %mul3A_2 = arith.muli %arg0, %mul3A : i32
    %mul3A_3 = arith.constant 10000 : i32
    %mul3A_4 = arith.muli %arg1, %mul3A_3 : i32
    %add3A = arith.addi %mul3A_2, %mul3A_4 : i32
    %scan3A = arith.constant 0 : i32
    %scan3A_5 = arith.constant 5 : i32
    %scan3A_6 = arith.addi %scan3A, %scan3A_5 : i32
    %scan3A_7 = arith.constant 1 : i32
    scf.for %scan3A_14 = %scan3A to %scan3A_6 step %scan3A_7  : i32 {
      %mul3A_15 = arith.constant 2000 : i32
      %mul3A_16 = arith.muli %scan3A_14, %mul3A_15 : i32
      %add3A_17 = arith.addi %add3A, %mul3A_16 : i32
      "tpu.region"() ({
        %run_scoped3A = tpu.sem_alloc : memref<!tpu.dma_semaphore, #tpu.memory_space<semaphore_mem>>
        %dma_start3A_318 = tpu.memref_slice %arg5[%add3A_17] : memref<320000xi32, #tpu.memory_space<hbm>> -> memref<2000xi32, #tpu.memory_space<hbm>>
        %dma_start3A_319 = tpu.memref_slice %arg5[%add3A_17] : memref<320000xi32, #tpu.memory_space<hbm>> -> memref<2000xi32, #tpu.memory_space<hbm>>
        tpu.enqueue_dma source(%dma_start3A_319 : memref<2000xi32, #tpu.memory_space<hbm>>) target(%arg10 : memref<2000xi32, #tpu.memory_space<vmem>>) target_semaphore(%run_scoped3A : memref<!tpu.dma_semaphore, #tpu.memory_space<semaphore_mem>>)
        %dma_wait3A_320 = tpu.memref_slice %arg5[%add3A_17] : memref<320000xi32, #tpu.memory_space<hbm>> -> memref<2000xi32, #tpu.memory_space<hbm>>
        %dma_wait3A_321 = tpu.memref_slice %arg5[%add3A_17] : memref<320000xi32, #tpu.memory_space<hbm>> -> memref<2000xi32, #tpu.memory_space<hbm>>
        tpu.wait_dma2 semaphore(%run_scoped3A : memref<!tpu.dma_semaphore, #tpu.memory_space<semaphore_mem>>) src(%dma_wait3A_321 : memref<2000xi32, #tpu.memory_space<hbm>>) dst(%arg10 : memref<2000xi32, #tpu.memory_space<vmem>>)
        tpu.yield
      }) : () -> ()
      "tpu.region"() ({
        %run_scoped3A = tpu.sem_alloc : memref<!tpu.dma_semaphore, #tpu.memory_space<semaphore_mem>>
        %dma_start3A_318 = arith.constant 0 : i32
        %dma_start3A_319 = tpu.memref_slice %arg2[%add3A_17, %dma_start3A_318] : memref<320000x16xf32, #tpu.memory_space<hbm>> -> memref<2000x16xf32, #tpu.memory_space<hbm>>
        %dma_start3A_320 = arith.constant 0 : i32
        %dma_start3A_321 = tpu.memref_slice %arg2[%add3A_17, %dma_start3A_320] : memref<320000x16xf32, #tpu.memory_space<hbm>> -> memref<2000x16xf32, #tpu.memory_space<hbm>>
        tpu.enqueue_dma source(%dma_start3A_321 : memref<2000x16xf32, #tpu.memory_space<hbm>>) target(%arg11 : memref<2000x16xf32, #tpu.memory_space<vmem>>) target_semaphore(%run_scoped3A : memref<!tpu.dma_semaphore, #tpu.memory_space<semaphore_mem>>)
        %dma_wait3A_322 = arith.constant 0 : i32
        %dma_wait3A_323 = tpu.memref_slice %arg2[%add3A_17, %dma_wait3A_322] : memref<320000x16xf32, #tpu.memory_space<hbm>> -> memref<2000x16xf32, #tpu.memory_space<hbm>>
        %dma_wait3A_324 = arith.constant 0 : i32
        %dma_wait3A_325 = tpu.memref_slice %arg2[%add3A_17, %dma_wait3A_324] : memref<320000x16xf32, #tpu.memory_space<hbm>> -> memref<2000x16xf32, #tpu.memory_space<hbm>>
        tpu.wait_dma2 semaphore(%run_scoped3A : memref<!tpu.dma_semaphore, #tpu.memory_space<semaphore_mem>>) src(%dma_wait3A_325 : memref<2000x16xf32, #tpu.memory_space<hbm>>) dst(%arg11 : memref<2000x16xf32, #tpu.memory_space<vmem>>)
        tpu.yield
      }) : () -> ()
      "tpu.region"() ({
        %run_scoped3A = tpu.sem_alloc : memref<!tpu.dma_semaphore, #tpu.memory_space<semaphore_mem>>
        %dma_start3A_318 = arith.constant 0 : i32
        %dma_start3A_319 = tpu.memref_slice %arg3[%add3A_17, %dma_start3A_318] : memref<320000x16xf32, #tpu.memory_space<hbm>> -> memref<2000x16xf32, #tpu.memory_space<hbm>>
        %dma_start3A_320 = arith.constant 0 : i32
        %dma_start3A_321 = tpu.memref_slice %arg3[%add3A_17, %dma_start3A_320] : memref<320000x16xf32, #tpu.memory_space<hbm>> -> memref<2000x16xf32, #tpu.memory_space<hbm>>
        tpu.enqueue_dma source(%dma_start3A_321 : memref<2000x16xf32, #tpu.memory_space<hbm>>) target(%arg12 : memref<2000x16xf32, #tpu.memory_space<vmem>>) target_semaphore(%run_scoped3A : memref<!tpu.dma_semaphore, #tpu.memory_space<semaphore_mem>>)
        %dma_wait3A_322 = arith.constant 0 : i32
        %dma_wait3A_323 = tpu.memref_slice %arg3[%add3A_17, %dma_wait3A_322] : memref<320000x16xf32, #tpu.memory_space<hbm>> -> memref<2000x16xf32, #tpu.memory_space<hbm>>
        %dma_wait3A_324 = arith.constant 0 : i32
        %dma_wait3A_325 = tpu.memref_slice %arg3[%add3A_17, %dma_wait3A_324] : memref<320000x16xf32, #tpu.memory_space<hbm>> -> memref<2000x16xf32, #tpu.memory_space<hbm>>
        tpu.wait_dma2 semaphore(%run_scoped3A : memref<!tpu.dma_semaphore, #tpu.memory_space<semaphore_mem>>) src(%dma_wait3A_325 : memref<2000x16xf32, #tpu.memory_space<hbm>>) dst(%arg12 : memref<2000x16xf32, #tpu.memory_space<vmem>>)
        tpu.yield
      }) : () -> ()
      "tpu.region"() ({
        %run_scoped3A = tpu.sem_alloc : memref<!tpu.dma_semaphore, #tpu.memory_space<semaphore_mem>>
        %dma_start3A_318 = tpu.memref_slice %arg4[%add3A_17] : memref<320000xf32, #tpu.memory_space<hbm>> -> memref<2000xf32, #tpu.memory_space<hbm>>
        %dma_start3A_319 = tpu.memref_slice %arg4[%add3A_17] : memref<320000xf32, #tpu.memory_space<hbm>> -> memref<2000xf32, #tpu.memory_space<hbm>>
        tpu.enqueue_dma source(%dma_start3A_319 : memref<2000xf32, #tpu.memory_space<hbm>>) target(%arg13 : memref<2000xf32, #tpu.memory_space<vmem>>) target_semaphore(%run_scoped3A : memref<!tpu.dma_semaphore, #tpu.memory_space<semaphore_mem>>)
        %dma_wait3A_320 = tpu.memref_slice %arg4[%add3A_17] : memref<320000xf32, #tpu.memory_space<hbm>> -> memref<2000xf32, #tpu.memory_space<hbm>>
        %dma_wait3A_321 = tpu.memref_slice %arg4[%add3A_17] : memref<320000xf32, #tpu.memory_space<hbm>> -> memref<2000xf32, #tpu.memory_space<hbm>>
        tpu.wait_dma2 semaphore(%run_scoped3A : memref<!tpu.dma_semaphore, #tpu.memory_space<semaphore_mem>>) src(%dma_wait3A_321 : memref<2000xf32, #tpu.memory_space<hbm>>) dst(%arg13 : memref<2000xf32, #tpu.memory_space<vmem>>)
        tpu.yield
      }) : () -> ()
      %iota3A = tpu.iota {dimensions = array<i32: 0>} : vector<16xi32>
      %mul3A_18 = arith.constant 2000 : i32
      %mul3A_19 = vector.broadcast %mul3A_18 : i32 to vector<16xi32>
      %mul3A_20 = arith.muli %iota3A, %mul3A_19 : vector<16xi32>
      %scan3A_21 = arith.constant 0 : i32
      %scan3A_22 = arith.constant 125 : i32
      %scan3A_23 = arith.addi %scan3A_21, %scan3A_22 : i32
      %scan3A_24 = arith.constant 1 : i32
      scf.for %scan3A_318 = %scan3A_21 to %scan3A_23 step %scan3A_24  : i32 {
        %mul3A_319 = arith.constant 16 : i32
        %mul3A_320 = arith.muli %scan3A_318, %mul3A_319 : i32
        %get3A = arith.index_cast %mul3A_320 : i32 to index
        %get3A_321 = tpu.vector_load %arg13[%get3A] {strides = array<i32>} : memref<2000xf32, #tpu.memory_space<vmem>>, vector<16xf32>,
        %mul3A_322 = arith.constant 16 : i32
        %mul3A_323 = arith.muli %scan3A_318, %mul3A_322 : i32
        %add3A_324 = arith.constant 0 : i32
        %add3A_325 = arith.addi %mul3A_323, %add3A_324 : i32
        %broadcast_in_dim3A = arith.constant 0 : i32
        %broadcast_in_dim3A_326 = vector.broadcast %broadcast_in_dim3A : i32 to vector<16xi32>
        %add3A_327 = arith.constant 0 : i32
        %add3A_328 = vector.broadcast %add3A_327 : i32 to vector<16xi32>
        %add3A_329 = arith.addi %broadcast_in_dim3A_326, %add3A_328 : vector<16xi32>
        %lt3A = arith.constant 0 : i32
        %lt3A_330 = vector.broadcast %lt3A : i32 to vector<16xi32>
        %lt3A_331 = arith.cmpi slt, %add3A_329, %lt3A_330 : vector<16xi32>
        %add3A_332 = arith.constant 16 : i32
        %add3A_333 = vector.broadcast %add3A_332 : i32 to vector<16xi32>
        %add3A_334 = arith.addi %add3A_329, %add3A_333 : vector<16xi32>
        %select_n3A = arith.select %lt3A_331, %add3A_334, %add3A_329 : vector<16xi1>, vector<16xi32>
        %broadcast_in_dim3A_335 = vector.shape_cast %select_n3A : vector<16xi32> to vector<16x1xi32>
        %gather3A = vector.shape_cast %broadcast_in_dim3A_335 : vector<16x1xi32> to vector<16xi32>
        %gather3A_336 = tpu.dynamic_gather %get3A_321[%gather3A] in [0] : vector<16xf32>, vector<16xi32> -> vector<16xf32>
        %get3A_337 = arith.index_cast %add3A_325 : i32 to index
        %get3A_338 = arith.constant 0 : index
        %get3A_339 = tpu.vector_load %arg11[%get3A_337, %get3A_338] {strides = array<i32>} : memref<2000x16xf32, #tpu.memory_space<vmem>>, vector<16xf32>,
        %mul3A_340 = arith.mulf %get3A_339, %gather3A_336 : vector<16xf32>
        %swap3A = arith.index_cast %add3A_325 : i32 to index
        %swap3A_341 = arith.constant 0 : index
        %swap3A_342 = tpu.vector_load %arg11[%swap3A, %swap3A_341] {strides = array<i32>} : memref<2000x16xf32, #tpu.memory_space<vmem>>, vector<16xf32>,
        tpu.vector_store %arg11[%swap3A, %swap3A_341], %mul3A_340 {strides = array<i32>} : memref<2000x16xf32, #tpu.memory_space<vmem>>, vector<16xf32>,
        %add3A_343 = vector.broadcast %add3A_325 : i32 to vector<16xi32>
        %add3A_344 = arith.addi %mul3A_20, %add3A_343 : vector<16xi32>
        %get3A_345 = arith.index_cast %add3A_325 : i32 to index
        %get3A_346 = arith.constant 0 : index
        %get3A_347 = tpu.vector_load %arg12[%get3A_345, %get3A_346] {strides = array<i32>} : memref<2000x16xf32, #tpu.memory_space<vmem>>, vector<16xf32>,
        %mul3A_348 = arith.mulf %get3A_347, %gather3A_336 : vector<16xf32>
        tpu.vector_store_idx %arg14[%add3A_344], %mul3A_348 : memref<32000xf32, #tpu.memory_space<vmem>>[vector<16xi32>], vector<16xf32>,
        %mul3A_349 = arith.constant 16 : i32
        %mul3A_350 = arith.muli %scan3A_318, %mul3A_349 : i32
        %add3A_351 = arith.constant 1 : i32
        %add3A_352 = arith.addi %mul3A_350, %add3A_351 : i32
        %broadcast_in_dim3A_353 = arith.constant 0 : i32
        %broadcast_in_dim3A_354 = vector.broadcast %broadcast_in_dim3A_353 : i32 to vector<16xi32>
        %add3A_355 = arith.constant 1 : i32
        %add3A_356 = vector.broadcast %add3A_355 : i32 to vector<16xi32>
        %add3A_357 = arith.addi %broadcast_in_dim3A_354, %add3A_356 : vector<16xi32>
        %lt3A_358 = arith.constant 0 : i32
        %lt3A_359 = vector.broadcast %lt3A_358 : i32 to vector<16xi32>
        %lt3A_360 = arith.cmpi slt, %add3A_357, %lt3A_359 : vector<16xi32>
        %add3A_361 = arith.constant 16 : i32
        %add3A_362 = vector.broadcast %add3A_361 : i32 to vector<16xi32>
        %add3A_363 = arith.addi %add3A_357, %add3A_362 : vector<16xi32>
        %select_n3A_364 = arith.select %lt3A_360, %add3A_363, %add3A_357 : vector<16xi1>, vector<16xi32>
        %broadcast_in_dim3A_365 = vector.shape_cast %select_n3A_364 : vector<16xi32> to vector<16x1xi32>
        %gather3A_366 = vector.shape_cast %broadcast_in_dim3A_365 : vector<16x1xi32> to vector<16xi32>
        %gather3A_367 = tpu.dynamic_gather %get3A_321[%gather3A_366] in [0] : vector<16xf32>, vector<16xi32> -> vector<16xf32>
        %get3A_368 = arith.index_cast %add3A_352 : i32 to index
        %get3A_369 = arith.constant 0 : index
        %get3A_370 = tpu.vector_load %arg11[%get3A_368, %get3A_369] {strides = array<i32>} : memref<2000x16xf32, #tpu.memory_space<vmem>>, vector<16xf32>,
        %mul3A_371 = arith.mulf %get3A_370, %gather3A_367 : vector<16xf32>
        %swap3A_372 = arith.index_cast %add3A_352 : i32 to index
        %swap3A_373 = arith.constant 0 : index
        %swap3A_374 = tpu.vector_load %arg11[%swap3A_372, %swap3A_373] {strides = array<i32>} : memref<2000x16xf32, #tpu.memory_space<vmem>>, vector<16xf32>,
        tpu.vector_store %arg11[%swap3A_372, %swap3A_373], %mul3A_371 {strides = array<i32>} : memref<2000x16xf32, #tpu.memory_space<vmem>>, vector<16xf32>,
        %add3A_375 = vector.broadcast %add3A_352 : i32 to vector<16xi32>
        %add3A_376 = arith.addi %mul3A_20, %add3A_375 : vector<16xi32>
        %get3A_377 = arith.index_cast %add3A_352 : i32 to index
        %get3A_378 = arith.constant 0 : index
        %get3A_379 = tpu.vector_load %arg12[%get3A_377, %get3A_378] {strides = array<i32>} : memref<2000x16xf32, #tpu.memory_space<vmem>>, vector<16xf32>,
        %mul3A_380 = arith.mulf %get3A_379, %gather3A_367 : vector<16xf32>
        tpu.vector_store_idx %arg14[%add3A_376], %mul3A_380 : memref<32000xf32, #tpu.memory_space<vmem>>[vector<16xi32>], vector<16xf32>,
        %mul3A_381 = arith.constant 16 : i32
        %mul3A_382 = arith.muli %scan3A_318, %mul3A_381 : i32
        %add3A_383 = arith.constant 2 : i32
        %add3A_384 = arith.addi %mul3A_382, %add3A_383 : i32
        %broadcast_in_dim3A_385 = arith.constant 0 : i32
        %broadcast_in_dim3A_386 = vector.broadcast %broadcast_in_dim3A_385 : i32 to vector<16xi32>
        %add3A_387 = arith.constant 2 : i32
        %add3A_388 = vector.broadcast %add3A_387 : i32 to vector<16xi32>
        %add3A_389 = arith.addi %broadcast_in_dim3A_386, %add3A_388 : vector<16xi32>
        %lt3A_390 = arith.constant 0 : i32
        %lt3A_391 = vector.broadcast %lt3A_390 : i32 to vector<16xi32>
        %lt3A_392 = arith.cmpi slt, %add3A_389, %lt3A_391 : vector<16xi32>
        %add3A_393 = arith.constant 16 : i32
        %add3A_394 = vector.broadcast %add3A_393 : i32 to vector<16xi32>
        %add3A_395 = arith.addi %add3A_389, %add3A_394 : vector<16xi32>
        %select_n3A_396 = arith.select %lt3A_392, %add3A_395, %add3A_389 : vector<16xi1>, vector<16xi32>
        %broadcast_in_dim3A_397 = vector.shape_cast %select_n3A_396 : vector<16xi32> to vector<16x1xi32>
        %gather3A_398 = vector.shape_cast %broadcast_in_dim3A_397 : vector<16x1xi32> to vector<16xi32>
        %gather3A_399 = tpu.dynamic_gather %get3A_321[%gather3A_398] in [0] : vector<16xf32>, vector<16xi32> -> vector<16xf32>
        %get3A_400 = arith.index_cast %add3A_384 : i32 to index
        %get3A_401 = arith.constant 0 : index
        %get3A_402 = tpu.vector_load %arg11[%get3A_400, %get3A_401] {strides = array<i32>} : memref<2000x16xf32, #tpu.memory_space<vmem>>, vector<16xf32>,
        %mul3A_403 = arith.mulf %get3A_402, %gather3A_399 : vector<16xf32>
        %swap3A_404 = arith.index_cast %add3A_384 : i32 to index
        %swap3A_405 = arith.constant 0 : index
        %swap3A_406 = tpu.vector_load %arg11[%swap3A_404, %swap3A_405] {strides = array<i32>} : memref<2000x16xf32, #tpu.memory_space<vmem>>, vector<16xf32>,
        tpu.vector_store %arg11[%swap3A_404, %swap3A_405], %mul3A_403 {strides = array<i32>} : memref<2000x16xf32, #tpu.memory_space<vmem>>, vector<16xf32>,
        %add3A_407 = vector.broadcast %add3A_384 : i32 to vector<16xi32>
        %add3A_408 = arith.addi %mul3A_20, %add3A_407 : vector<16xi32>
        %get3A_409 = arith.index_cast %add3A_384 : i32 to index
        %get3A_410 = arith.constant 0 : index
        %get3A_411 = tpu.vector_load %arg12[%get3A_409, %get3A_410] {strides = array<i32>} : memref<2000x16xf32, #tpu.memory_space<vmem>>, vector<16xf32>,
        %mul3A_412 = arith.mulf %get3A_411, %gather3A_399 : vector<16xf32>
        tpu.vector_store_idx %arg14[%add3A_408], %mul3A_412 : memref<32000xf32, #tpu.memory_space<vmem>>[vector<16xi32>], vector<16xf32>,
        %mul3A_413 = arith.constant 16 : i32
        %mul3A_414 = arith.muli %scan3A_318, %mul3A_413 : i32
        %add3A_415 = arith.constant 3 : i32
        %add3A_416 = arith.addi %mul3A_414, %add3A_415 : i32
        %broadcast_in_dim3A_417 = arith.constant 0 : i32
        %broadcast_in_dim3A_418 = vector.broadcast %broadcast_in_dim3A_417 : i32 to vector<16xi32>
        %add3A_419 = arith.constant 3 : i32
        %add3A_420 = vector.broadcast %add3A_419 : i32 to vector<16xi32>
        %add3A_421 = arith.addi %broadcast_in_dim3A_418, %add3A_420 : vector<16xi32>
        %lt3A_422 = arith.constant 0 : i32
        %lt3A_423 = vector.broadcast %lt3A_422 : i32 to vector<16xi32>
        %lt3A_424 = arith.cmpi slt, %add3A_421, %lt3A_423 : vector<16xi32>
        %add3A_425 = arith.constant 16 : i32
        %add3A_426 = vector.broadcast %add3A_425 : i32 to vector<16xi32>
        %add3A_427 = arith.addi %add3A_421, %add3A_426 : vector<16xi32>
        %select_n3A_428 = arith.select %lt3A_424, %add3A_427, %add3A_421 : vector<16xi1>, vector<16xi32>
        %broadcast_in_dim3A_429 = vector.shape_cast %select_n3A_428 : vector<16xi32> to vector<16x1xi32>
        %gather3A_430 = vector.shape_cast %broadcast_in_dim3A_429 : vector<16x1xi32> to vector<16xi32>
        %gather3A_431 = tpu.dynamic_gather %get3A_321[%gather3A_430] in [0] : vector<16xf32>, vector<16xi32> -> vector<16xf32>
        %get3A_432 = arith.index_cast %add3A_416 : i32 to index
        %get3A_433 = arith.constant 0 : index
        %get3A_434 = tpu.vector_load %arg11[%get3A_432, %get3A_433] {strides = array<i32>} : memref<2000x16xf32, #tpu.memory_space<vmem>>, vector<16xf32>,
        %mul3A_435 = arith.mulf %get3A_434, %gather3A_431 : vector<16xf32>
        %swap3A_436 = arith.index_cast %add3A_416 : i32 to index
        %swap3A_437 = arith.constant 0 : index
        %swap3A_438 = tpu.vector_load %arg11[%swap3A_436, %swap3A_437] {strides = array<i32>} : memref<2000x16xf32, #tpu.memory_space<vmem>>, vector<16xf32>,
        tpu.vector_store %arg11[%swap3A_436, %swap3A_437], %mul3A_435 {strides = array<i32>} : memref<2000x16xf32, #tpu.memory_space<vmem>>, vector<16xf32>,
        %add3A_439 = vector.broadcast %add3A_416 : i32 to vector<16xi32>
        %add3A_440 = arith.addi %mul3A_20, %add3A_439 : vector<16xi32>
        %get3A_441 = arith.index_cast %add3A_416 : i32 to index
        %get3A_442 = arith.constant 0 : index
        %get3A_443 = tpu.vector_load %arg12[%get3A_441, %get3A_442] {strides = array<i32>} : memref<2000x16xf32, #tpu.memory_space<vmem>>, vector<16xf32>,
        %mul3A_444 = arith.mulf %get3A_443, %gather3A_431 : vector<16xf32>
        tpu.vector_store_idx %arg14[%add3A_440], %mul3A_444 : memref<32000xf32, #tpu.memory_space<vmem>>[vector<16xi32>], vector<16xf32>,
        %mul3A_445 = arith.constant 16 : i32
        %mul3A_446 = arith.muli %scan3A_318, %mul3A_445 : i32
        %add3A_447 = arith.constant 4 : i32
        %add3A_448 = arith.addi %mul3A_446, %add3A_447 : i32
        %broadcast_in_dim3A_449 = arith.constant 0 : i32
        %broadcast_in_dim3A_450 = vector.broadcast %broadcast_in_dim3A_449 : i32 to vector<16xi32>
        %add3A_451 = arith.constant 4 : i32
        %add3A_452 = vector.broadcast %add3A_451 : i32 to vector<16xi32>
        %add3A_453 = arith.addi %broadcast_in_dim3A_450, %add3A_452 : vector<16xi32>
        %lt3A_454 = arith.constant 0 : i32
        %lt3A_455 = vector.broadcast %lt3A_454 : i32 to vector<16xi32>
        %lt3A_456 = arith.cmpi slt, %add3A_453, %lt3A_455 : vector<16xi32>
        %add3A_457 = arith.constant 16 : i32
        %add3A_458 = vector.broadcast %add3A_457 : i32 to vector<16xi32>
        %add3A_459 = arith.addi %add3A_453, %add3A_458 : vector<16xi32>
        %select_n3A_460 = arith.select %lt3A_456, %add3A_459, %add3A_453 : vector<16xi1>, vector<16xi32>
        %broadcast_in_dim3A_461 = vector.shape_cast %select_n3A_460 : vector<16xi32> to vector<16x1xi32>
        %gather3A_462 = vector.shape_cast %broadcast_in_dim3A_461 : vector<16x1xi32> to vector<16xi32>
        %gather3A_463 = tpu.dynamic_gather %get3A_321[%gather3A_462] in [0] : vector<16xf32>, vector<16xi32> -> vector<16xf32>
        %get3A_464 = arith.index_cast %add3A_448 : i32 to index
        %get3A_465 = arith.constant 0 : index
        %get3A_466 = tpu.vector_load %arg11[%get3A_464, %get3A_465] {strides = array<i32>} : memref<2000x16xf32, #tpu.memory_space<vmem>>, vector<16xf32>,
        %mul3A_467 = arith.mulf %get3A_466, %gather3A_463 : vector<16xf32>
        %swap3A_468 = arith.index_cast %add3A_448 : i32 to index
        %swap3A_469 = arith.constant 0 : index
        %swap3A_470 = tpu.vector_load %arg11[%swap3A_468, %swap3A_469] {strides = array<i32>} : memref<2000x16xf32, #tpu.memory_space<vmem>>, vector<16xf32>,
        tpu.vector_store %arg11[%swap3A_468, %swap3A_469], %mul3A_467 {strides = array<i32>} : memref<2000x16xf32, #tpu.memory_space<vmem>>, vector<16xf32>,
        %add3A_471 = vector.broadcast %add3A_448 : i32 to vector<16xi32>
        %add3A_472 = arith.addi %mul3A_20, %add3A_471 : vector<16xi32>
        %get3A_473 = arith.index_cast %add3A_448 : i32 to index
        %get3A_474 = arith.constant 0 : index
        %get3A_475 = tpu.vector_load %arg12[%get3A_473, %get3A_474] {strides = array<i32>} : memref<2000x16xf32, #tpu.memory_space<vmem>>, vector<16xf32>,
        %mul3A_476 = arith.mulf %get3A_475, %gather3A_463 : vector<16xf32>
        tpu.vector_store_idx %arg14[%add3A_472], %mul3A_476 : memref<32000xf32, #tpu.memory_space<vmem>>[vector<16xi32>], vector<16xf32>,
        %mul3A_477 = arith.constant 16 : i32
        %mul3A_478 = arith.muli %scan3A_318, %mul3A_477 : i32
        %add3A_479 = arith.constant 5 : i32
        %add3A_480 = arith.addi %mul3A_478, %add3A_479 : i32
        %broadcast_in_dim3A_481 = arith.constant 0 : i32
        %broadcast_in_dim3A_482 = vector.broadcast %broadcast_in_dim3A_481 : i32 to vector<16xi32>
        %add3A_483 = arith.constant 5 : i32
        %add3A_484 = vector.broadcast %add3A_483 : i32 to vector<16xi32>
        %add3A_485 = arith.addi %broadcast_in_dim3A_482, %add3A_484 : vector<16xi32>
        %lt3A_486 = arith.constant 0 : i32
        %lt3A_487 = vector.broadcast %lt3A_486 : i32 to vector<16xi32>
        %lt3A_488 = arith.cmpi slt, %add3A_485, %lt3A_487 : vector<16xi32>
        %add3A_489 = arith.constant 16 : i32
        %add3A_490 = vector.broadcast %add3A_489 : i32 to vector<16xi32>
        %add3A_491 = arith.addi %add3A_485, %add3A_490 : vector<16xi32>
        %select_n3A_492 = arith.select %lt3A_488, %add3A_491, %add3A_485 : vector<16xi1>, vector<16xi32>
        %broadcast_in_dim3A_493 = vector.shape_cast %select_n3A_492 : vector<16xi32> to vector<16x1xi32>
        %gather3A_494 = vector.shape_cast %broadcast_in_dim3A_493 : vector<16x1xi32> to vector<16xi32>
        %gather3A_495 = tpu.dynamic_gather %get3A_321[%gather3A_494] in [0] : vector<16xf32>, vector<16xi32> -> vector<16xf32>
        %get3A_496 = arith.index_cast %add3A_480 : i32 to index
        %get3A_497 = arith.constant 0 : index
        %get3A_498 = tpu.vector_load %arg11[%get3A_496, %get3A_497] {strides = array<i32>} : memref<2000x16xf32, #tpu.memory_space<vmem>>, vector<16xf32>,
        %mul3A_499 = arith.mulf %get3A_498, %gather3A_495 : vector<16xf32>
        %swap3A_500 = arith.index_cast %add3A_480 : i32 to index
        %swap3A_501 = arith.constant 0 : index
        %swap3A_502 = tpu.vector_load %arg11[%swap3A_500, %swap3A_501] {strides = array<i32>} : memref<2000x16xf32, #tpu.memory_space<vmem>>, vector<16xf32>,
        tpu.vector_store %arg11[%swap3A_500, %swap3A_501], %mul3A_499 {strides = array<i32>} : memref<2000x16xf32, #tpu.memory_space<vmem>>, vector<16xf32>,
        %add3A_503 = vector.broadcast %add3A_480 : i32 to vector<16xi32>
        %add3A_504 = arith.addi %mul3A_20, %add3A_503 : vector<16xi32>
        %get3A_505 = arith.index_cast %add3A_480 : i32 to index
        %get3A_506 = arith.constant 0 : index
        %get3A_507 = tpu.vector_load %arg12[%get3A_505, %get3A_506] {strides = array<i32>} : memref<2000x16xf32, #tpu.memory_space<vmem>>, vector<16xf32>,
        %mul3A_508 = arith.mulf %get3A_507, %gather3A_495 : vector<16xf32>
        tpu.vector_store_idx %arg14[%add3A_504], %mul3A_508 : memref<32000xf32, #tpu.memory_space<vmem>>[vector<16xi32>], vector<16xf32>,
        %mul3A_509 = arith.constant 16 : i32
        %mul3A_510 = arith.muli %scan3A_318, %mul3A_509 : i32
        %add3A_511 = arith.constant 6 : i32
        %add3A_512 = arith.addi %mul3A_510, %add3A_511 : i32
        %broadcast_in_dim3A_513 = arith.constant 0 : i32
        %broadcast_in_dim3A_514 = vector.broadcast %broadcast_in_dim3A_513 : i32 to vector<16xi32>
        %add3A_515 = arith.constant 6 : i32
        %add3A_516 = vector.broadcast %add3A_515 : i32 to vector<16xi32>
        %add3A_517 = arith.addi %broadcast_in_dim3A_514, %add3A_516 : vector<16xi32>
        %lt3A_518 = arith.constant 0 : i32
        %lt3A_519 = vector.broadcast %lt3A_518 : i32 to vector<16xi32>
        %lt3A_520 = arith.cmpi slt, %add3A_517, %lt3A_519 : vector<16xi32>
        %add3A_521 = arith.constant 16 : i32
        %add3A_522 = vector.broadcast %add3A_521 : i32 to vector<16xi32>
        %add3A_523 = arith.addi %add3A_517, %add3A_522 : vector<16xi32>
        %select_n3A_524 = arith.select %lt3A_520, %add3A_523, %add3A_517 : vector<16xi1>, vector<16xi32>
        %broadcast_in_dim3A_525 = vector.shape_cast %select_n3A_524 : vector<16xi32> to vector<16x1xi32>
        %gather3A_526 = vector.shape_cast %broadcast_in_dim3A_525 : vector<16x1xi32> to vector<16xi32>
        %gather3A_527 = tpu.dynamic_gather %get3A_321[%gather3A_526] in [0] : vector<16xf32>, vector<16xi32> -> vector<16xf32>
        %get3A_528 = arith.index_cast %add3A_512 : i32 to index
        %get3A_529 = arith.constant 0 : index
        %get3A_530 = tpu.vector_load %arg11[%get3A_528, %get3A_529] {strides = array<i32>} : memref<2000x16xf32, #tpu.memory_space<vmem>>, vector<16xf32>,
        %mul3A_531 = arith.mulf %get3A_530, %gather3A_527 : vector<16xf32>
        %swap3A_532 = arith.index_cast %add3A_512 : i32 to index
        %swap3A_533 = arith.constant 0 : index
        %swap3A_534 = tpu.vector_load %arg11[%swap3A_532, %swap3A_533] {strides = array<i32>} : memref<2000x16xf32, #tpu.memory_space<vmem>>, vector<16xf32>,
        tpu.vector_store %arg11[%swap3A_532, %swap3A_533], %mul3A_531 {strides = array<i32>} : memref<2000x16xf32, #tpu.memory_space<vmem>>, vector<16xf32>,
        %add3A_535 = vector.broadcast %add3A_512 : i32 to vector<16xi32>
        %add3A_536 = arith.addi %mul3A_20, %add3A_535 : vector<16xi32>
        %get3A_537 = arith.index_cast %add3A_512 : i32 to index
        %get3A_538 = arith.constant 0 : index
        %get3A_539 = tpu.vector_load %arg12[%get3A_537, %get3A_538] {strides = array<i32>} : memref<2000x16xf32, #tpu.memory_space<vmem>>, vector<16xf32>,
        %mul3A_540 = arith.mulf %get3A_539, %gather3A_527 : vector<16xf32>
        tpu.vector_store_idx %arg14[%add3A_536], %mul3A_540 : memref<32000xf32, #tpu.memory_space<vmem>>[vector<16xi32>], vector<16xf32>,
        %mul3A_541 = arith.constant 16 : i32
        %mul3A_542 = arith.muli %scan3A_318, %mul3A_541 : i32
        %add3A_543 = arith.constant 7 : i32
        %add3A_544 = arith.addi %mul3A_542, %add3A_543 : i32
        %broadcast_in_dim3A_545 = arith.constant 0 : i32
        %broadcast_in_dim3A_546 = vector.broadcast %broadcast_in_dim3A_545 : i32 to vector<16xi32>
        %add3A_547 = arith.constant 7 : i32
        %add3A_548 = vector.broadcast %add3A_547 : i32 to vector<16xi32>
        %add3A_549 = arith.addi %broadcast_in_dim3A_546, %add3A_548 : vector<16xi32>
        %lt3A_550 = arith.constant 0 : i32
        %lt3A_551 = vector.broadcast %lt3A_550 : i32 to vector<16xi32>
        %lt3A_552 = arith.cmpi slt, %add3A_549, %lt3A_551 : vector<16xi32>
        %add3A_553 = arith.constant 16 : i32
        %add3A_554 = vector.broadcast %add3A_553 : i32 to vector<16xi32>
        %add3A_555 = arith.addi %add3A_549, %add3A_554 : vector<16xi32>
        %select_n3A_556 = arith.select %lt3A_552, %add3A_555, %add3A_549 : vector<16xi1>, vector<16xi32>
        %broadcast_in_dim3A_557 = vector.shape_cast %select_n3A_556 : vector<16xi32> to vector<16x1xi32>
        %gather3A_558 = vector.shape_cast %broadcast_in_dim3A_557 : vector<16x1xi32> to vector<16xi32>
        %gather3A_559 = tpu.dynamic_gather %get3A_321[%gather3A_558] in [0] : vector<16xf32>, vector<16xi32> -> vector<16xf32>
        %get3A_560 = arith.index_cast %add3A_544 : i32 to index
        %get3A_561 = arith.constant 0 : index
        %get3A_562 = tpu.vector_load %arg11[%get3A_560, %get3A_561] {strides = array<i32>} : memref<2000x16xf32, #tpu.memory_space<vmem>>, vector<16xf32>,
        %mul3A_563 = arith.mulf %get3A_562, %gather3A_559 : vector<16xf32>
        %swap3A_564 = arith.index_cast %add3A_544 : i32 to index
        %swap3A_565 = arith.constant 0 : index
        %swap3A_566 = tpu.vector_load %arg11[%swap3A_564, %swap3A_565] {strides = array<i32>} : memref<2000x16xf32, #tpu.memory_space<vmem>>, vector<16xf32>,
        tpu.vector_store %arg11[%swap3A_564, %swap3A_565], %mul3A_563 {strides = array<i32>} : memref<2000x16xf32, #tpu.memory_space<vmem>>, vector<16xf32>,
        %add3A_567 = vector.broadcast %add3A_544 : i32 to vector<16xi32>
        %add3A_568 = arith.addi %mul3A_20, %add3A_567 : vector<16xi32>
        %get3A_569 = arith.index_cast %add3A_544 : i32 to index
        %get3A_570 = arith.constant 0 : index
        %get3A_571 = tpu.vector_load %arg12[%get3A_569, %get3A_570] {strides = array<i32>} : memref<2000x16xf32, #tpu.memory_space<vmem>>, vector<16xf32>,
        %mul3A_572 = arith.mulf %get3A_571, %gather3A_559 : vector<16xf32>
        tpu.vector_store_idx %arg14[%add3A_568], %mul3A_572 : memref<32000xf32, #tpu.memory_space<vmem>>[vector<16xi32>], vector<16xf32>,
        %mul3A_573 = arith.constant 16 : i32
        %mul3A_574 = arith.muli %scan3A_318, %mul3A_573 : i32
        %add3A_575 = arith.constant 8 : i32
        %add3A_576 = arith.addi %mul3A_574, %add3A_575 : i32
        %broadcast_in_dim3A_577 = arith.constant 0 : i32
        %broadcast_in_dim3A_578 = vector.broadcast %broadcast_in_dim3A_577 : i32 to vector<16xi32>
        %add3A_579 = arith.constant 8 : i32
        %add3A_580 = vector.broadcast %add3A_579 : i32 to vector<16xi32>
        %add3A_581 = arith.addi %broadcast_in_dim3A_578, %add3A_580 : vector<16xi32>
        %lt3A_582 = arith.constant 0 : i32
        %lt3A_583 = vector.broadcast %lt3A_582 : i32 to vector<16xi32>
        %lt3A_584 = arith.cmpi slt, %add3A_581, %lt3A_583 : vector<16xi32>
        %add3A_585 = arith.constant 16 : i32
        %add3A_586 = vector.broadcast %add3A_585 : i32 to vector<16xi32>
        %add3A_587 = arith.addi %add3A_581, %add3A_586 : vector<16xi32>
        %select_n3A_588 = arith.select %lt3A_584, %add3A_587, %add3A_581 : vector<16xi1>, vector<16xi32>
        %broadcast_in_dim3A_589 = vector.shape_cast %select_n3A_588 : vector<16xi32> to vector<16x1xi32>
        %gather3A_590 = vector.shape_cast %broadcast_in_dim3A_589 : vector<16x1xi32> to vector<16xi32>
        %gather3A_591 = tpu.dynamic_gather %get3A_321[%gather3A_590] in [0] : vector<16xf32>, vector<16xi32> -> vector<16xf32>
        %get3A_592 = arith.index_cast %add3A_576 : i32 to index
        %get3A_593 = arith.constant 0 : index
        %get3A_594 = tpu.vector_load %arg11[%get3A_592, %get3A_593] {strides = array<i32>} : memref<2000x16xf32, #tpu.memory_space<vmem>>, vector<16xf32>,
        %mul3A_595 = arith.mulf %get3A_594, %gather3A_591 : vector<16xf32>
        %swap3A_596 = arith.index_cast %add3A_576 : i32 to index
        %swap3A_597 = arith.constant 0 : index
        %swap3A_598 = tpu.vector_load %arg11[%swap3A_596, %swap3A_597] {strides = array<i32>} : memref<2000x16xf32, #tpu.memory_space<vmem>>, vector<16xf32>,
        tpu.vector_store %arg11[%swap3A_596, %swap3A_597], %mul3A_595 {strides = array<i32>} : memref<2000x16xf32, #tpu.memory_space<vmem>>, vector<16xf32>,
        %add3A_599 = vector.broadcast %add3A_576 : i32 to vector<16xi32>
        %add3A_600 = arith.addi %mul3A_20, %add3A_599 : vector<16xi32>
        %get3A_601 = arith.index_cast %add3A_576 : i32 to index
        %get3A_602 = arith.constant 0 : index
        %get3A_603 = tpu.vector_load %arg12[%get3A_601, %get3A_602] {strides = array<i32>} : memref<2000x16xf32, #tpu.memory_space<vmem>>, vector<16xf32>,
        %mul3A_604 = arith.mulf %get3A_603, %gather3A_591 : vector<16xf32>
        tpu.vector_store_idx %arg14[%add3A_600], %mul3A_604 : memref<32000xf32, #tpu.memory_space<vmem>>[vector<16xi32>], vector<16xf32>,
        %mul3A_605 = arith.constant 16 : i32
        %mul3A_606 = arith.muli %scan3A_318, %mul3A_605 : i32
        %add3A_607 = arith.constant 9 : i32
        %add3A_608 = arith.addi %mul3A_606, %add3A_607 : i32
        %broadcast_in_dim3A_609 = arith.constant 0 : i32
        %broadcast_in_dim3A_610 = vector.broadcast %broadcast_in_dim3A_609 : i32 to vector<16xi32>
        %add3A_611 = arith.constant 9 : i32
        %add3A_612 = vector.broadcast %add3A_611 : i32 to vector<16xi32>
        %add3A_613 = arith.addi %broadcast_in_dim3A_610, %add3A_612 : vector<16xi32>
        %lt3A_614 = arith.constant 0 : i32
        %lt3A_615 = vector.broadcast %lt3A_614 : i32 to vector<16xi32>
        %lt3A_616 = arith.cmpi slt, %add3A_613, %lt3A_615 : vector<16xi32>
        %add3A_617 = arith.constant 16 : i32
        %add3A_618 = vector.broadcast %add3A_617 : i32 to vector<16xi32>
        %add3A_619 = arith.addi %add3A_613, %add3A_618 : vector<16xi32>
        %select_n3A_620 = arith.select %lt3A_616, %add3A_619, %add3A_613 : vector<16xi1>, vector<16xi32>
        %broadcast_in_dim3A_621 = vector.shape_cast %select_n3A_620 : vector<16xi32> to vector<16x1xi32>
        %gather3A_622 = vector.shape_cast %broadcast_in_dim3A_621 : vector<16x1xi32> to vector<16xi32>
        %gather3A_623 = tpu.dynamic_gather %get3A_321[%gather3A_622] in [0] : vector<16xf32>, vector<16xi32> -> vector<16xf32>
        %get3A_624 = arith.index_cast %add3A_608 : i32 to index
        %get3A_625 = arith.constant 0 : index
        %get3A_626 = tpu.vector_load %arg11[%get3A_624, %get3A_625] {strides = array<i32>} : memref<2000x16xf32, #tpu.memory_space<vmem>>, vector<16xf32>,
        %mul3A_627 = arith.mulf %get3A_626, %gather3A_623 : vector<16xf32>
        %swap3A_628 = arith.index_cast %add3A_608 : i32 to index
        %swap3A_629 = arith.constant 0 : index
        %swap3A_630 = tpu.vector_load %arg11[%swap3A_628, %swap3A_629] {strides = array<i32>} : memref<2000x16xf32, #tpu.memory_space<vmem>>, vector<16xf32>,
        tpu.vector_store %arg11[%swap3A_628, %swap3A_629], %mul3A_627 {strides = array<i32>} : memref<2000x16xf32, #tpu.memory_space<vmem>>, vector<16xf32>,
        %add3A_631 = vector.broadcast %add3A_608 : i32 to vector<16xi32>
        %add3A_632 = arith.addi %mul3A_20, %add3A_631 : vector<16xi32>
        %get3A_633 = arith.index_cast %add3A_608 : i32 to index
        %get3A_634 = arith.constant 0 : index
        %get3A_635 = tpu.vector_load %arg12[%get3A_633, %get3A_634] {strides = array<i32>} : memref<2000x16xf32, #tpu.memory_space<vmem>>, vector<16xf32>,
        %mul3A_636 = arith.mulf %get3A_635, %gather3A_623 : vector<16xf32>
        tpu.vector_store_idx %arg14[%add3A_632], %mul3A_636 : memref<32000xf32, #tpu.memory_space<vmem>>[vector<16xi32>], vector<16xf32>,
        %mul3A_637 = arith.constant 16 : i32
        %mul3A_638 = arith.muli %scan3A_318, %mul3A_637 : i32
        %add3A_639 = arith.constant 10 : i32
        %add3A_640 = arith.addi %mul3A_638, %add3A_639 : i32
        %broadcast_in_dim3A_641 = arith.constant 0 : i32
        %broadcast_in_dim3A_642 = vector.broadcast %broadcast_in_dim3A_641 : i32 to vector<16xi32>
        %add3A_643 = arith.constant 10 : i32
        %add3A_644 = vector.broadcast %add3A_643 : i32 to vector<16xi32>
        %add3A_645 = arith.addi %broadcast_in_dim3A_642, %add3A_644 : vector<16xi32>
        %lt3A_646 = arith.constant 0 : i32
        %lt3A_647 = vector.broadcast %lt3A_646 : i32 to vector<16xi32>
        %lt3A_648 = arith.cmpi slt, %add3A_645, %lt3A_647 : vector<16xi32>
        %add3A_649 = arith.constant 16 : i32
        %add3A_650 = vector.broadcast %add3A_649 : i32 to vector<16xi32>
        %add3A_651 = arith.addi %add3A_645, %add3A_650 : vector<16xi32>
        %select_n3A_652 = arith.select %lt3A_648, %add3A_651, %add3A_645 : vector<16xi1>, vector<16xi32>
        %broadcast_in_dim3A_653 = vector.shape_cast %select_n3A_652 : vector<16xi32> to vector<16x1xi32>
        %gather3A_654 = vector.shape_cast %broadcast_in_dim3A_653 : vector<16x1xi32> to vector<16xi32>
        %gather3A_655 = tpu.dynamic_gather %get3A_321[%gather3A_654] in [0] : vector<16xf32>, vector<16xi32> -> vector<16xf32>
        %get3A_656 = arith.index_cast %add3A_640 : i32 to index
        %get3A_657 = arith.constant 0 : index
        %get3A_658 = tpu.vector_load %arg11[%get3A_656, %get3A_657] {strides = array<i32>} : memref<2000x16xf32, #tpu.memory_space<vmem>>, vector<16xf32>,
        %mul3A_659 = arith.mulf %get3A_658, %gather3A_655 : vector<16xf32>
        %swap3A_660 = arith.index_cast %add3A_640 : i32 to index
        %swap3A_661 = arith.constant 0 : index
        %swap3A_662 = tpu.vector_load %arg11[%swap3A_660, %swap3A_661] {strides = array<i32>} : memref<2000x16xf32, #tpu.memory_space<vmem>>, vector<16xf32>,
        tpu.vector_store %arg11[%swap3A_660, %swap3A_661], %mul3A_659 {strides = array<i32>} : memref<2000x16xf32, #tpu.memory_space<vmem>>, vector<16xf32>,
        %add3A_663 = vector.broadcast %add3A_640 : i32 to vector<16xi32>
        %add3A_664 = arith.addi %mul3A_20, %add3A_663 : vector<16xi32>
        %get3A_665 = arith.index_cast %add3A_640 : i32 to index
        %get3A_666 = arith.constant 0 : index
        %get3A_667 = tpu.vector_load %arg12[%get3A_665, %get3A_666] {strides = array<i32>} : memref<2000x16xf32, #tpu.memory_space<vmem>>, vector<16xf32>,
        %mul3A_668 = arith.mulf %get3A_667, %gather3A_655 : vector<16xf32>
        tpu.vector_store_idx %arg14[%add3A_664], %mul3A_668 : memref<32000xf32, #tpu.memory_space<vmem>>[vector<16xi32>], vector<16xf32>,
        %mul3A_669 = arith.constant 16 : i32
        %mul3A_670 = arith.muli %scan3A_318, %mul3A_669 : i32
        %add3A_671 = arith.constant 11 : i32
        %add3A_672 = arith.addi %mul3A_670, %add3A_671 : i32
        %broadcast_in_dim3A_673 = arith.constant 0 : i32
        %broadcast_in_dim3A_674 = vector.broadcast %broadcast_in_dim3A_673 : i32 to vector<16xi32>
        %add3A_675 = arith.constant 11 : i32
        %add3A_676 = vector.broadcast %add3A_675 : i32 to vector<16xi32>
        %add3A_677 = arith.addi %broadcast_in_dim3A_674, %add3A_676 : vector<16xi32>
        %lt3A_678 = arith.constant 0 : i32
        %lt3A_679 = vector.broadcast %lt3A_678 : i32 to vector<16xi32>
        %lt3A_680 = arith.cmpi slt, %add3A_677, %lt3A_679 : vector<16xi32>
        %add3A_681 = arith.constant 16 : i32
        %add3A_682 = vector.broadcast %add3A_681 : i32 to vector<16xi32>
        %add3A_683 = arith.addi %add3A_677, %add3A_682 : vector<16xi32>
        %select_n3A_684 = arith.select %lt3A_680, %add3A_683, %add3A_677 : vector<16xi1>, vector<16xi32>
        %broadcast_in_dim3A_685 = vector.shape_cast %select_n3A_684 : vector<16xi32> to vector<16x1xi32>
        %gather3A_686 = vector.shape_cast %broadcast_in_dim3A_685 : vector<16x1xi32> to vector<16xi32>
        %gather3A_687 = tpu.dynamic_gather %get3A_321[%gather3A_686] in [0] : vector<16xf32>, vector<16xi32> -> vector<16xf32>
        %get3A_688 = arith.index_cast %add3A_672 : i32 to index
        %get3A_689 = arith.constant 0 : index
        %get3A_690 = tpu.vector_load %arg11[%get3A_688, %get3A_689] {strides = array<i32>} : memref<2000x16xf32, #tpu.memory_space<vmem>>, vector<16xf32>,
        %mul3A_691 = arith.mulf %get3A_690, %gather3A_687 : vector<16xf32>
        %swap3A_692 = arith.index_cast %add3A_672 : i32 to index
        %swap3A_693 = arith.constant 0 : index
        %swap3A_694 = tpu.vector_load %arg11[%swap3A_692, %swap3A_693] {strides = array<i32>} : memref<2000x16xf32, #tpu.memory_space<vmem>>, vector<16xf32>,
        tpu.vector_store %arg11[%swap3A_692, %swap3A_693], %mul3A_691 {strides = array<i32>} : memref<2000x16xf32, #tpu.memory_space<vmem>>, vector<16xf32>,
        %add3A_695 = vector.broadcast %add3A_672 : i32 to vector<16xi32>
        %add3A_696 = arith.addi %mul3A_20, %add3A_695 : vector<16xi32>
        %get3A_697 = arith.index_cast %add3A_672 : i32 to index
        %get3A_698 = arith.constant 0 : index
        %get3A_699 = tpu.vector_load %arg12[%get3A_697, %get3A_698] {strides = array<i32>} : memref<2000x16xf32, #tpu.memory_space<vmem>>, vector<16xf32>,
        %mul3A_700 = arith.mulf %get3A_699, %gather3A_687 : vector<16xf32>
        tpu.vector_store_idx %arg14[%add3A_696], %mul3A_700 : memref<32000xf32, #tpu.memory_space<vmem>>[vector<16xi32>], vector<16xf32>,
        %mul3A_701 = arith.constant 16 : i32
        %mul3A_702 = arith.muli %scan3A_318, %mul3A_701 : i32
        %add3A_703 = arith.constant 12 : i32
        %add3A_704 = arith.addi %mul3A_702, %add3A_703 : i32
        %broadcast_in_dim3A_705 = arith.constant 0 : i32
        %broadcast_in_dim3A_706 = vector.broadcast %broadcast_in_dim3A_705 : i32 to vector<16xi32>
        %add3A_707 = arith.constant 12 : i32
        %add3A_708 = vector.broadcast %add3A_707 : i32 to vector<16xi32>
        %add3A_709 = arith.addi %broadcast_in_dim3A_706, %add3A_708 : vector<16xi32>
        %lt3A_710 = arith.constant 0 : i32
        %lt3A_711 = vector.broadcast %lt3A_710 : i32 to vector<16xi32>
        %lt3A_712 = arith.cmpi slt, %add3A_709, %lt3A_711 : vector<16xi32>
        %add3A_713 = arith.constant 16 : i32
        %add3A_714 = vector.broadcast %add3A_713 : i32 to vector<16xi32>
        %add3A_715 = arith.addi %add3A_709, %add3A_714 : vector<16xi32>
        %select_n3A_716 = arith.select %lt3A_712, %add3A_715, %add3A_709 : vector<16xi1>, vector<16xi32>
        %broadcast_in_dim3A_717 = vector.shape_cast %select_n3A_716 : vector<16xi32> to vector<16x1xi32>
        %gather3A_718 = vector.shape_cast %broadcast_in_dim3A_717 : vector<16x1xi32> to vector<16xi32>
        %gather3A_719 = tpu.dynamic_gather %get3A_321[%gather3A_718] in [0] : vector<16xf32>, vector<16xi32> -> vector<16xf32>
        %get3A_720 = arith.index_cast %add3A_704 : i32 to index
        %get3A_721 = arith.constant 0 : index
        %get3A_722 = tpu.vector_load %arg11[%get3A_720, %get3A_721] {strides = array<i32>} : memref<2000x16xf32, #tpu.memory_space<vmem>>, vector<16xf32>,
        %mul3A_723 = arith.mulf %get3A_722, %gather3A_719 : vector<16xf32>
        %swap3A_724 = arith.index_cast %add3A_704 : i32 to index
        %swap3A_725 = arith.constant 0 : index
        %swap3A_726 = tpu.vector_load %arg11[%swap3A_724, %swap3A_725] {strides = array<i32>} : memref<2000x16xf32, #tpu.memory_space<vmem>>, vector<16xf32>,
        tpu.vector_store %arg11[%swap3A_724, %swap3A_725], %mul3A_723 {strides = array<i32>} : memref<2000x16xf32, #tpu.memory_space<vmem>>, vector<16xf32>,
        %add3A_727 = vector.broadcast %add3A_704 : i32 to vector<16xi32>
        %add3A_728 = arith.addi %mul3A_20, %add3A_727 : vector<16xi32>
        %get3A_729 = arith.index_cast %add3A_704 : i32 to index
        %get3A_730 = arith.constant 0 : index
        %get3A_731 = tpu.vector_load %arg12[%get3A_729, %get3A_730] {strides = array<i32>} : memref<2000x16xf32, #tpu.memory_space<vmem>>, vector<16xf32>,
        %mul3A_732 = arith.mulf %get3A_731, %gather3A_719 : vector<16xf32>
        tpu.vector_store_idx %arg14[%add3A_728], %mul3A_732 : memref<32000xf32, #tpu.memory_space<vmem>>[vector<16xi32>], vector<16xf32>,
        %mul3A_733 = arith.constant 16 : i32
        %mul3A_734 = arith.muli %scan3A_318, %mul3A_733 : i32
        %add3A_735 = arith.constant 13 : i32
        %add3A_736 = arith.addi %mul3A_734, %add3A_735 : i32
        %broadcast_in_dim3A_737 = arith.constant 0 : i32
        %broadcast_in_dim3A_738 = vector.broadcast %broadcast_in_dim3A_737 : i32 to vector<16xi32>
        %add3A_739 = arith.constant 13 : i32
        %add3A_740 = vector.broadcast %add3A_739 : i32 to vector<16xi32>
        %add3A_741 = arith.addi %broadcast_in_dim3A_738, %add3A_740 : vector<16xi32>
        %lt3A_742 = arith.constant 0 : i32
        %lt3A_743 = vector.broadcast %lt3A_742 : i32 to vector<16xi32>
        %lt3A_744 = arith.cmpi slt, %add3A_741, %lt3A_743 : vector<16xi32>
        %add3A_745 = arith.constant 16 : i32
        %add3A_746 = vector.broadcast %add3A_745 : i32 to vector<16xi32>
        %add3A_747 = arith.addi %add3A_741, %add3A_746 : vector<16xi32>
        %select_n3A_748 = arith.select %lt3A_744, %add3A_747, %add3A_741 : vector<16xi1>, vector<16xi32>
        %broadcast_in_dim3A_749 = vector.shape_cast %select_n3A_748 : vector<16xi32> to vector<16x1xi32>
        %gather3A_750 = vector.shape_cast %broadcast_in_dim3A_749 : vector<16x1xi32> to vector<16xi32>
        %gather3A_751 = tpu.dynamic_gather %get3A_321[%gather3A_750] in [0] : vector<16xf32>, vector<16xi32> -> vector<16xf32>
        %get3A_752 = arith.index_cast %add3A_736 : i32 to index
        %get3A_753 = arith.constant 0 : index
        %get3A_754 = tpu.vector_load %arg11[%get3A_752, %get3A_753] {strides = array<i32>} : memref<2000x16xf32, #tpu.memory_space<vmem>>, vector<16xf32>,
        %mul3A_755 = arith.mulf %get3A_754, %gather3A_751 : vector<16xf32>
        %swap3A_756 = arith.index_cast %add3A_736 : i32 to index
        %swap3A_757 = arith.constant 0 : index
        %swap3A_758 = tpu.vector_load %arg11[%swap3A_756, %swap3A_757] {strides = array<i32>} : memref<2000x16xf32, #tpu.memory_space<vmem>>, vector<16xf32>,
        tpu.vector_store %arg11[%swap3A_756, %swap3A_757], %mul3A_755 {strides = array<i32>} : memref<2000x16xf32, #tpu.memory_space<vmem>>, vector<16xf32>,
        %add3A_759 = vector.broadcast %add3A_736 : i32 to vector<16xi32>
        %add3A_760 = arith.addi %mul3A_20, %add3A_759 : vector<16xi32>
        %get3A_761 = arith.index_cast %add3A_736 : i32 to index
        %get3A_762 = arith.constant 0 : index
        %get3A_763 = tpu.vector_load %arg12[%get3A_761, %get3A_762] {strides = array<i32>} : memref<2000x16xf32, #tpu.memory_space<vmem>>, vector<16xf32>,
        %mul3A_764 = arith.mulf %get3A_763, %gather3A_751 : vector<16xf32>
        tpu.vector_store_idx %arg14[%add3A_760], %mul3A_764 : memref<32000xf32, #tpu.memory_space<vmem>>[vector<16xi32>], vector<16xf32>,
        %mul3A_765 = arith.constant 16 : i32
        %mul3A_766 = arith.muli %scan3A_318, %mul3A_765 : i32
        %add3A_767 = arith.constant 14 : i32
        %add3A_768 = arith.addi %mul3A_766, %add3A_767 : i32
        %broadcast_in_dim3A_769 = arith.constant 0 : i32
        %broadcast_in_dim3A_770 = vector.broadcast %broadcast_in_dim3A_769 : i32 to vector<16xi32>
        %add3A_771 = arith.constant 14 : i32
        %add3A_772 = vector.broadcast %add3A_771 : i32 to vector<16xi32>
        %add3A_773 = arith.addi %broadcast_in_dim3A_770, %add3A_772 : vector<16xi32>
        %lt3A_774 = arith.constant 0 : i32
        %lt3A_775 = vector.broadcast %lt3A_774 : i32 to vector<16xi32>
        %lt3A_776 = arith.cmpi slt, %add3A_773, %lt3A_775 : vector<16xi32>
        %add3A_777 = arith.constant 16 : i32
        %add3A_778 = vector.broadcast %add3A_777 : i32 to vector<16xi32>
        %add3A_779 = arith.addi %add3A_773, %add3A_778 : vector<16xi32>
        %select_n3A_780 = arith.select %lt3A_776, %add3A_779, %add3A_773 : vector<16xi1>, vector<16xi32>
        %broadcast_in_dim3A_781 = vector.shape_cast %select_n3A_780 : vector<16xi32> to vector<16x1xi32>
        %gather3A_782 = vector.shape_cast %broadcast_in_dim3A_781 : vector<16x1xi32> to vector<16xi32>
        %gather3A_783 = tpu.dynamic_gather %get3A_321[%gather3A_782] in [0] : vector<16xf32>, vector<16xi32> -> vector<16xf32>
        %get3A_784 = arith.index_cast %add3A_768 : i32 to index
        %get3A_785 = arith.constant 0 : index
        %get3A_786 = tpu.vector_load %arg11[%get3A_784, %get3A_785] {strides = array<i32>} : memref<2000x16xf32, #tpu.memory_space<vmem>>, vector<16xf32>,
        %mul3A_787 = arith.mulf %get3A_786, %gather3A_783 : vector<16xf32>
        %swap3A_788 = arith.index_cast %add3A_768 : i32 to index
        %swap3A_789 = arith.constant 0 : index
        %swap3A_790 = tpu.vector_load %arg11[%swap3A_788, %swap3A_789] {strides = array<i32>} : memref<2000x16xf32, #tpu.memory_space<vmem>>, vector<16xf32>,
        tpu.vector_store %arg11[%swap3A_788, %swap3A_789], %mul3A_787 {strides = array<i32>} : memref<2000x16xf32, #tpu.memory_space<vmem>>, vector<16xf32>,
        %add3A_791 = vector.broadcast %add3A_768 : i32 to vector<16xi32>
        %add3A_792 = arith.addi %mul3A_20, %add3A_791 : vector<16xi32>
        %get3A_793 = arith.index_cast %add3A_768 : i32 to index
        %get3A_794 = arith.constant 0 : index
        %get3A_795 = tpu.vector_load %arg12[%get3A_793, %get3A_794] {strides = array<i32>} : memref<2000x16xf32, #tpu.memory_space<vmem>>, vector<16xf32>,
        %mul3A_796 = arith.mulf %get3A_795, %gather3A_783 : vector<16xf32>
        tpu.vector_store_idx %arg14[%add3A_792], %mul3A_796 : memref<32000xf32, #tpu.memory_space<vmem>>[vector<16xi32>], vector<16xf32>,
        %mul3A_797 = arith.constant 16 : i32
        %mul3A_798 = arith.muli %scan3A_318, %mul3A_797 : i32
        %add3A_799 = arith.constant 15 : i32
        %add3A_800 = arith.addi %mul3A_798, %add3A_799 : i32
        %broadcast_in_dim3A_801 = arith.constant 0 : i32
        %broadcast_in_dim3A_802 = vector.broadcast %broadcast_in_dim3A_801 : i32 to vector<16xi32>
        %add3A_803 = arith.constant 15 : i32
        %add3A_804 = vector.broadcast %add3A_803 : i32 to vector<16xi32>
        %add3A_805 = arith.addi %broadcast_in_dim3A_802, %add3A_804 : vector<16xi32>
        %lt3A_806 = arith.constant 0 : i32
        %lt3A_807 = vector.broadcast %lt3A_806 : i32 to vector<16xi32>
        %lt3A_808 = arith.cmpi slt, %add3A_805, %lt3A_807 : vector<16xi32>
        %add3A_809 = arith.constant 16 : i32
        %add3A_810 = vector.broadcast %add3A_809 : i32 to vector<16xi32>
        %add3A_811 = arith.addi %add3A_805, %add3A_810 : vector<16xi32>
        %select_n3A_812 = arith.select %lt3A_808, %add3A_811, %add3A_805 : vector<16xi1>, vector<16xi32>
        %broadcast_in_dim3A_813 = vector.shape_cast %select_n3A_812 : vector<16xi32> to vector<16x1xi32>
        %gather3A_814 = vector.shape_cast %broadcast_in_dim3A_813 : vector<16x1xi32> to vector<16xi32>
        %gather3A_815 = tpu.dynamic_gather %get3A_321[%gather3A_814] in [0] : vector<16xf32>, vector<16xi32> -> vector<16xf32>
        %get3A_816 = arith.index_cast %add3A_800 : i32 to index
        %get3A_817 = arith.constant 0 : index
        %get3A_818 = tpu.vector_load %arg11[%get3A_816, %get3A_817] {strides = array<i32>} : memref<2000x16xf32, #tpu.memory_space<vmem>>, vector<16xf32>,
        %mul3A_819 = arith.mulf %get3A_818, %gather3A_815 : vector<16xf32>
        %swap3A_820 = arith.index_cast %add3A_800 : i32 to index
        %swap3A_821 = arith.constant 0 : index
        %swap3A_822 = tpu.vector_load %arg11[%swap3A_820, %swap3A_821] {strides = array<i32>} : memref<2000x16xf32, #tpu.memory_space<vmem>>, vector<16xf32>,
        tpu.vector_store %arg11[%swap3A_820, %swap3A_821], %mul3A_819 {strides = array<i32>} : memref<2000x16xf32, #tpu.memory_space<vmem>>, vector<16xf32>,
        %add3A_823 = vector.broadcast %add3A_800 : i32 to vector<16xi32>
        %add3A_824 = arith.addi %mul3A_20, %add3A_823 : vector<16xi32>
        %get3A_825 = arith.index_cast %add3A_800 : i32 to index
        %get3A_826 = arith.constant 0 : index
        %get3A_827 = tpu.vector_load %arg12[%get3A_825, %get3A_826] {strides = array<i32>} : memref<2000x16xf32, #tpu.memory_space<vmem>>, vector<16xf32>,
        %mul3A_828 = arith.mulf %get3A_827, %gather3A_815 : vector<16xf32>
        tpu.vector_store_idx %arg14[%add3A_824], %mul3A_828 : memref<32000xf32, #tpu.memory_space<vmem>>[vector<16xi32>], vector<16xf32>,
      }
      %scan3A_25 = arith.constant 125 : i32
      %dma_start3A = arith.constant 0 : i32
      %dma_start3A_26 = arith.constant 0 : i32
      %dma_start3A_27 = tpu.memref_slice %arg9[%dma_start3A, %dma_start3A_26] : memref<10240x16xf32, #tpu.memory_space<vmem_shared>> -> memref<10240x16xf32, #tpu.memory_space<vmem_shared>>
      tpu.enqueue_indirect_dma source(%arg11 : memref<2000x16xf32, #tpu.memory_space<vmem>>) target(%dma_start3A_27 : memref<10240x16xf32, #tpu.memory_space<vmem_shared>>) offsets(%arg10 : memref<2000xi32, #tpu.memory_space<vmem>>) semaphore(%arg15 : memref<!tpu.dma_semaphore, #tpu.memory_space<semaphore_mem>>) {add = true}
      %dma_start3A_28 = arith.constant 0 : i32
      %dma_start3A_29 = arith.constant 0 : i32
      %dma_start3A_30 = tpu.memref_slice %arg14[%dma_start3A_29] : memref<32000xf32, #tpu.memory_space<vmem>> -> memref<2000xf32, #tpu.memory_space<vmem>>
      %dma_start3A_31 = tpu.memref_slice %arg8[%dma_start3A_28, %add3A_17] : memref<16x320000xf32, #tpu.memory_space<hbm>> -> memref<1x2000xf32, #tpu.memory_space<hbm>>
      %dma_start3A_32 = tpu.memref_squeeze %dma_start3A_31 : memref<1x2000xf32, #tpu.memory_space<hbm>> -> memref<2000xf32, #tpu.memory_space<hbm>>
      %dma_start3A_33 = tpu.memref_slice %arg8[%dma_start3A_28, %add3A_17] : memref<16x320000xf32, #tpu.memory_space<hbm>> -> memref<1x2000xf32, #tpu.memory_space<hbm>>
      %dma_start3A_34 = tpu.memref_squeeze %dma_start3A_33 : memref<1x2000xf32, #tpu.memory_space<hbm>> -> memref<2000xf32, #tpu.memory_space<hbm>>
      %dma_start3A_35 = arith.constant 0 : i32
      %dma_start3A_36 = tpu.memref_slice %arg14[%dma_start3A_35] : memref<32000xf32, #tpu.memory_space<vmem>> -> memref<2000xf32, #tpu.memory_space<vmem>>
      tpu.enqueue_dma source(%dma_start3A_36 : memref<2000xf32, #tpu.memory_space<vmem>>) target(%dma_start3A_34 : memref<2000xf32, #tpu.memory_space<hbm>>) target_semaphore(%arg16 : memref<!tpu.dma_semaphore, #tpu.memory_space<semaphore_mem>>)
      %dma_start3A_37 = arith.constant 1 : i32
      %dma_start3A_38 = arith.constant 2000 : i32
      %dma_start3A_39 = tpu.memref_slice %arg14[%dma_start3A_38] : memref<32000xf32, #tpu.memory_space<vmem>> -> memref<2000xf32, #tpu.memory_space<vmem>>
      %dma_start3A_40 = tpu.memref_slice %arg8[%dma_start3A_37, %add3A_17] : memref<16x320000xf32, #tpu.memory_space<hbm>> -> memref<1x2000xf32, #tpu.memory_space<hbm>>
      %dma_start3A_41 = tpu.memref_squeeze %dma_start3A_40 : memref<1x2000xf32, #tpu.memory_space<hbm>> -> memref<2000xf32, #tpu.memory_space<hbm>>
      %dma_start3A_42 = tpu.memref_slice %arg8[%dma_start3A_37, %add3A_17] : memref<16x320000xf32, #tpu.memory_space<hbm>> -> memref<1x2000xf32, #tpu.memory_space<hbm>>
      %dma_start3A_43 = tpu.memref_squeeze %dma_start3A_42 : memref<1x2000xf32, #tpu.memory_space<hbm>> -> memref<2000xf32, #tpu.memory_space<hbm>>
      %dma_start3A_44 = arith.constant 2000 : i32
      %dma_start3A_45 = tpu.memref_slice %arg14[%dma_start3A_44] : memref<32000xf32, #tpu.memory_space<vmem>> -> memref<2000xf32, #tpu.memory_space<vmem>>
      tpu.enqueue_dma source(%dma_start3A_45 : memref<2000xf32, #tpu.memory_space<vmem>>) target(%dma_start3A_43 : memref<2000xf32, #tpu.memory_space<hbm>>) target_semaphore(%arg16 : memref<!tpu.dma_semaphore, #tpu.memory_space<semaphore_mem>>)
      %dma_start3A_46 = arith.constant 2 : i32
      %dma_start3A_47 = arith.constant 4000 : i32
      %dma_start3A_48 = tpu.memref_slice %arg14[%dma_start3A_47] : memref<32000xf32, #tpu.memory_space<vmem>> -> memref<2000xf32, #tpu.memory_space<vmem>>
      %dma_start3A_49 = tpu.memref_slice %arg8[%dma_start3A_46, %add3A_17] : memref<16x320000xf32, #tpu.memory_space<hbm>> -> memref<1x2000xf32, #tpu.memory_space<hbm>>
      %dma_start3A_50 = tpu.memref_squeeze %dma_start3A_49 : memref<1x2000xf32, #tpu.memory_space<hbm>> -> memref<2000xf32, #tpu.memory_space<hbm>>
      %dma_start3A_51 = tpu.memref_slice %arg8[%dma_start3A_46, %add3A_17] : memref<16x320000xf32, #tpu.memory_space<hbm>> -> memref<1x2000xf32, #tpu.memory_space<hbm>>
      %dma_start3A_52 = tpu.memref_squeeze %dma_start3A_51 : memref<1x2000xf32, #tpu.memory_space<hbm>> -> memref<2000xf32, #tpu.memory_space<hbm>>
      %dma_start3A_53 = arith.constant 4000 : i32
      %dma_start3A_54 = tpu.memref_slice %arg14[%dma_start3A_53] : memref<32000xf32, #tpu.memory_space<vmem>> -> memref<2000xf32, #tpu.memory_space<vmem>>
      tpu.enqueue_dma source(%dma_start3A_54 : memref<2000xf32, #tpu.memory_space<vmem>>) target(%dma_start3A_52 : memref<2000xf32, #tpu.memory_space<hbm>>) target_semaphore(%arg16 : memref<!tpu.dma_semaphore, #tpu.memory_space<semaphore_mem>>)
      %dma_start3A_55 = arith.constant 3 : i32
      %dma_start3A_56 = arith.constant 6000 : i32
      %dma_start3A_57 = tpu.memref_slice %arg14[%dma_start3A_56] : memref<32000xf32, #tpu.memory_space<vmem>> -> memref<2000xf32, #tpu.memory_space<vmem>>
      %dma_start3A_58 = tpu.memref_slice %arg8[%dma_start3A_55, %add3A_17] : memref<16x320000xf32, #tpu.memory_space<hbm>> -> memref<1x2000xf32, #tpu.memory_space<hbm>>
      %dma_start3A_59 = tpu.memref_squeeze %dma_start3A_58 : memref<1x2000xf32, #tpu.memory_space<hbm>> -> memref<2000xf32, #tpu.memory_space<hbm>>
      %dma_start3A_60 = tpu.memref_slice %arg8[%dma_start3A_55, %add3A_17] : memref<16x320000xf32, #tpu.memory_space<hbm>> -> memref<1x2000xf32, #tpu.memory_space<hbm>>
      %dma_start3A_61 = tpu.memref_squeeze %dma_start3A_60 : memref<1x2000xf32, #tpu.memory_space<hbm>> -> memref<2000xf32, #tpu.memory_space<hbm>>
      %dma_start3A_62 = arith.constant 6000 : i32
      %dma_start3A_63 = tpu.memref_slice %arg14[%dma_start3A_62] : memref<32000xf32, #tpu.memory_space<vmem>> -> memref<2000xf32, #tpu.memory_space<vmem>>
      tpu.enqueue_dma source(%dma_start3A_63 : memref<2000xf32, #tpu.memory_space<vmem>>) target(%dma_start3A_61 : memref<2000xf32, #tpu.memory_space<hbm>>) target_semaphore(%arg16 : memref<!tpu.dma_semaphore, #tpu.memory_space<semaphore_mem>>)
      %dma_start3A_64 = arith.constant 4 : i32
      %dma_start3A_65 = arith.constant 8000 : i32
      %dma_start3A_66 = tpu.memref_slice %arg14[%dma_start3A_65] : memref<32000xf32, #tpu.memory_space<vmem>> -> memref<2000xf32, #tpu.memory_space<vmem>>
      %dma_start3A_67 = tpu.memref_slice %arg8[%dma_start3A_64, %add3A_17] : memref<16x320000xf32, #tpu.memory_space<hbm>> -> memref<1x2000xf32, #tpu.memory_space<hbm>>
      %dma_start3A_68 = tpu.memref_squeeze %dma_start3A_67 : memref<1x2000xf32, #tpu.memory_space<hbm>> -> memref<2000xf32, #tpu.memory_space<hbm>>
      %dma_start3A_69 = tpu.memref_slice %arg8[%dma_start3A_64, %add3A_17] : memref<16x320000xf32, #tpu.memory_space<hbm>> -> memref<1x2000xf32, #tpu.memory_space<hbm>>
      %dma_start3A_70 = tpu.memref_squeeze %dma_start3A_69 : memref<1x2000xf32, #tpu.memory_space<hbm>> -> memref<2000xf32, #tpu.memory_space<hbm>>
      %dma_start3A_71 = arith.constant 8000 : i32
      %dma_start3A_72 = tpu.memref_slice %arg14[%dma_start3A_71] : memref<32000xf32, #tpu.memory_space<vmem>> -> memref<2000xf32, #tpu.memory_space<vmem>>
      tpu.enqueue_dma source(%dma_start3A_72 : memref<2000xf32, #tpu.memory_space<vmem>>) target(%dma_start3A_70 : memref<2000xf32, #tpu.memory_space<hbm>>) target_semaphore(%arg16 : memref<!tpu.dma_semaphore, #tpu.memory_space<semaphore_mem>>)
      %dma_start3A_73 = arith.constant 5 : i32
      %dma_start3A_74 = arith.constant 10000 : i32
      %dma_start3A_75 = tpu.memref_slice %arg14[%dma_start3A_74] : memref<32000xf32, #tpu.memory_space<vmem>> -> memref<2000xf32, #tpu.memory_space<vmem>>
      %dma_start3A_76 = tpu.memref_slice %arg8[%dma_start3A_73, %add3A_17] : memref<16x320000xf32, #tpu.memory_space<hbm>> -> memref<1x2000xf32, #tpu.memory_space<hbm>>
      %dma_start3A_77 = tpu.memref_squeeze %dma_start3A_76 : memref<1x2000xf32, #tpu.memory_space<hbm>> -> memref<2000xf32, #tpu.memory_space<hbm>>
      %dma_start3A_78 = tpu.memref_slice %arg8[%dma_start3A_73, %add3A_17] : memref<16x320000xf32, #tpu.memory_space<hbm>> -> memref<1x2000xf32, #tpu.memory_space<hbm>>
      %dma_start3A_79 = tpu.memref_squeeze %dma_start3A_78 : memref<1x2000xf32, #tpu.memory_space<hbm>> -> memref<2000xf32, #tpu.memory_space<hbm>>
      %dma_start3A_80 = arith.constant 10000 : i32
      %dma_start3A_81 = tpu.memref_slice %arg14[%dma_start3A_80] : memref<32000xf32, #tpu.memory_space<vmem>> -> memref<2000xf32, #tpu.memory_space<vmem>>
      tpu.enqueue_dma source(%dma_start3A_81 : memref<2000xf32, #tpu.memory_space<vmem>>) target(%dma_start3A_79 : memref<2000xf32, #tpu.memory_space<hbm>>) target_semaphore(%arg16 : memref<!tpu.dma_semaphore, #tpu.memory_space<semaphore_mem>>)
      %dma_start3A_82 = arith.constant 6 : i32
      %dma_start3A_83 = arith.constant 12000 : i32
      %dma_start3A_84 = tpu.memref_slice %arg14[%dma_start3A_83] : memref<32000xf32, #tpu.memory_space<vmem>> -> memref<2000xf32, #tpu.memory_space<vmem>>
      %dma_start3A_85 = tpu.memref_slice %arg8[%dma_start3A_82, %add3A_17] : memref<16x320000xf32, #tpu.memory_space<hbm>> -> memref<1x2000xf32, #tpu.memory_space<hbm>>
      %dma_start3A_86 = tpu.memref_squeeze %dma_start3A_85 : memref<1x2000xf32, #tpu.memory_space<hbm>> -> memref<2000xf32, #tpu.memory_space<hbm>>
      %dma_start3A_87 = tpu.memref_slice %arg8[%dma_start3A_82, %add3A_17] : memref<16x320000xf32, #tpu.memory_space<hbm>> -> memref<1x2000xf32, #tpu.memory_space<hbm>>
      %dma_start3A_88 = tpu.memref_squeeze %dma_start3A_87 : memref<1x2000xf32, #tpu.memory_space<hbm>> -> memref<2000xf32, #tpu.memory_space<hbm>>
      %dma_start3A_89 = arith.constant 12000 : i32
      %dma_start3A_90 = tpu.memref_slice %arg14[%dma_start3A_89] : memref<32000xf32, #tpu.memory_space<vmem>> -> memref<2000xf32, #tpu.memory_space<vmem>>
      tpu.enqueue_dma source(%dma_start3A_90 : memref<2000xf32, #tpu.memory_space<vmem>>) target(%dma_start3A_88 : memref<2000xf32, #tpu.memory_space<hbm>>) target_semaphore(%arg16 : memref<!tpu.dma_semaphore, #tpu.memory_space<semaphore_mem>>)
      %dma_start3A_91 = arith.constant 7 : i32
      %dma_start3A_92 = arith.constant 14000 : i32
      %dma_start3A_93 = tpu.memref_slice %arg14[%dma_start3A_92] : memref<32000xf32, #tpu.memory_space<vmem>> -> memref<2000xf32, #tpu.memory_space<vmem>>
      %dma_start3A_94 = tpu.memref_slice %arg8[%dma_start3A_91, %add3A_17] : memref<16x320000xf32, #tpu.memory_space<hbm>> -> memref<1x2000xf32, #tpu.memory_space<hbm>>
      %dma_start3A_95 = tpu.memref_squeeze %dma_start3A_94 : memref<1x2000xf32, #tpu.memory_space<hbm>> -> memref<2000xf32, #tpu.memory_space<hbm>>
      %dma_start3A_96 = tpu.memref_slice %arg8[%dma_start3A_91, %add3A_17] : memref<16x320000xf32, #tpu.memory_space<hbm>> -> memref<1x2000xf32, #tpu.memory_space<hbm>>
      %dma_start3A_97 = tpu.memref_squeeze %dma_start3A_96 : memref<1x2000xf32, #tpu.memory_space<hbm>> -> memref<2000xf32, #tpu.memory_space<hbm>>
      %dma_start3A_98 = arith.constant 14000 : i32
      %dma_start3A_99 = tpu.memref_slice %arg14[%dma_start3A_98] : memref<32000xf32, #tpu.memory_space<vmem>> -> memref<2000xf32, #tpu.memory_space<vmem>>
      tpu.enqueue_dma source(%dma_start3A_99 : memref<2000xf32, #tpu.memory_space<vmem>>) target(%dma_start3A_97 : memref<2000xf32, #tpu.memory_space<hbm>>) target_semaphore(%arg16 : memref<!tpu.dma_semaphore, #tpu.memory_space<semaphore_mem>>)
      %dma_start3A_100 = arith.constant 8 : i32
      %dma_start3A_101 = arith.constant 16000 : i32
      %dma_start3A_102 = tpu.memref_slice %arg14[%dma_start3A_101] : memref<32000xf32, #tpu.memory_space<vmem>> -> memref<2000xf32, #tpu.memory_space<vmem>>
      %dma_start3A_103 = tpu.memref_slice %arg8[%dma_start3A_100, %add3A_17] : memref<16x320000xf32, #tpu.memory_space<hbm>> -> memref<1x2000xf32, #tpu.memory_space<hbm>>
      %dma_start3A_104 = tpu.memref_squeeze %dma_start3A_103 : memref<1x2000xf32, #tpu.memory_space<hbm>> -> memref<2000xf32, #tpu.memory_space<hbm>>
      %dma_start3A_105 = tpu.memref_slice %arg8[%dma_start3A_100, %add3A_17] : memref<16x320000xf32, #tpu.memory_space<hbm>> -> memref<1x2000xf32, #tpu.memory_space<hbm>>
      %dma_start3A_106 = tpu.memref_squeeze %dma_start3A_105 : memref<1x2000xf32, #tpu.memory_space<hbm>> -> memref<2000xf32, #tpu.memory_space<hbm>>
      %dma_start3A_107 = arith.constant 16000 : i32
      %dma_start3A_108 = tpu.memref_slice %arg14[%dma_start3A_107] : memref<32000xf32, #tpu.memory_space<vmem>> -> memref<2000xf32, #tpu.memory_space<vmem>>
      tpu.enqueue_dma source(%dma_start3A_108 : memref<2000xf32, #tpu.memory_space<vmem>>) target(%dma_start3A_106 : memref<2000xf32, #tpu.memory_space<hbm>>) target_semaphore(%arg16 : memref<!tpu.dma_semaphore, #tpu.memory_space<semaphore_mem>>)
      %dma_start3A_109 = arith.constant 9 : i32
      %dma_start3A_110 = arith.constant 18000 : i32
      %dma_start3A_111 = tpu.memref_slice %arg14[%dma_start3A_110] : memref<32000xf32, #tpu.memory_space<vmem>> -> memref<2000xf32, #tpu.memory_space<vmem>>
      %dma_start3A_112 = tpu.memref_slice %arg8[%dma_start3A_109, %add3A_17] : memref<16x320000xf32, #tpu.memory_space<hbm>> -> memref<1x2000xf32, #tpu.memory_space<hbm>>
      %dma_start3A_113 = tpu.memref_squeeze %dma_start3A_112 : memref<1x2000xf32, #tpu.memory_space<hbm>> -> memref<2000xf32, #tpu.memory_space<hbm>>
      %dma_start3A_114 = tpu.memref_slice %arg8[%dma_start3A_109, %add3A_17] : memref<16x320000xf32, #tpu.memory_space<hbm>> -> memref<1x2000xf32, #tpu.memory_space<hbm>>
      %dma_start3A_115 = tpu.memref_squeeze %dma_start3A_114 : memref<1x2000xf32, #tpu.memory_space<hbm>> -> memref<2000xf32, #tpu.memory_space<hbm>>
      %dma_start3A_116 = arith.constant 18000 : i32
      %dma_start3A_117 = tpu.memref_slice %arg14[%dma_start3A_116] : memref<32000xf32, #tpu.memory_space<vmem>> -> memref<2000xf32, #tpu.memory_space<vmem>>
      tpu.enqueue_dma source(%dma_start3A_117 : memref<2000xf32, #tpu.memory_space<vmem>>) target(%dma_start3A_115 : memref<2000xf32, #tpu.memory_space<hbm>>) target_semaphore(%arg16 : memref<!tpu.dma_semaphore, #tpu.memory_space<semaphore_mem>>)
      %dma_start3A_118 = arith.constant 10 : i32
      %dma_start3A_119 = arith.constant 20000 : i32
      %dma_start3A_120 = tpu.memref_slice %arg14[%dma_start3A_119] : memref<32000xf32, #tpu.memory_space<vmem>> -> memref<2000xf32, #tpu.memory_space<vmem>>
      %dma_start3A_121 = tpu.memref_slice %arg8[%dma_start3A_118, %add3A_17] : memref<16x320000xf32, #tpu.memory_space<hbm>> -> memref<1x2000xf32, #tpu.memory_space<hbm>>
      %dma_start3A_122 = tpu.memref_squeeze %dma_start3A_121 : memref<1x2000xf32, #tpu.memory_space<hbm>> -> memref<2000xf32, #tpu.memory_space<hbm>>
      %dma_start3A_123 = tpu.memref_slice %arg8[%dma_start3A_118, %add3A_17] : memref<16x320000xf32, #tpu.memory_space<hbm>> -> memref<1x2000xf32, #tpu.memory_space<hbm>>
      %dma_start3A_124 = tpu.memref_squeeze %dma_start3A_123 : memref<1x2000xf32, #tpu.memory_space<hbm>> -> memref<2000xf32, #tpu.memory_space<hbm>>
      %dma_start3A_125 = arith.constant 20000 : i32
      %dma_start3A_126 = tpu.memref_slice %arg14[%dma_start3A_125] : memref<32000xf32, #tpu.memory_space<vmem>> -> memref<2000xf32, #tpu.memory_space<vmem>>
      tpu.enqueue_dma source(%dma_start3A_126 : memref<2000xf32, #tpu.memory_space<vmem>>) target(%dma_start3A_124 : memref<2000xf32, #tpu.memory_space<hbm>>) target_semaphore(%arg16 : memref<!tpu.dma_semaphore, #tpu.memory_space<semaphore_mem>>)
      %dma_start3A_127 = arith.constant 11 : i32
      %dma_start3A_128 = arith.constant 22000 : i32
      %dma_start3A_129 = tpu.memref_slice %arg14[%dma_start3A_128] : memref<32000xf32, #tpu.memory_space<vmem>> -> memref<2000xf32, #tpu.memory_space<vmem>>
      %dma_start3A_130 = tpu.memref_slice %arg8[%dma_start3A_127, %add3A_17] : memref<16x320000xf32, #tpu.memory_space<hbm>> -> memref<1x2000xf32, #tpu.memory_space<hbm>>
      %dma_start3A_131 = tpu.memref_squeeze %dma_start3A_130 : memref<1x2000xf32, #tpu.memory_space<hbm>> -> memref<2000xf32, #tpu.memory_space<hbm>>
      %dma_start3A_132 = tpu.memref_slice %arg8[%dma_start3A_127, %add3A_17] : memref<16x320000xf32, #tpu.memory_space<hbm>> -> memref<1x2000xf32, #tpu.memory_space<hbm>>
      %dma_start3A_133 = tpu.memref_squeeze %dma_start3A_132 : memref<1x2000xf32, #tpu.memory_space<hbm>> -> memref<2000xf32, #tpu.memory_space<hbm>>
      %dma_start3A_134 = arith.constant 22000 : i32
      %dma_start3A_135 = tpu.memref_slice %arg14[%dma_start3A_134] : memref<32000xf32, #tpu.memory_space<vmem>> -> memref<2000xf32, #tpu.memory_space<vmem>>
      tpu.enqueue_dma source(%dma_start3A_135 : memref<2000xf32, #tpu.memory_space<vmem>>) target(%dma_start3A_133 : memref<2000xf32, #tpu.memory_space<hbm>>) target_semaphore(%arg16 : memref<!tpu.dma_semaphore, #tpu.memory_space<semaphore_mem>>)
      %dma_start3A_136 = arith.constant 12 : i32
      %dma_start3A_137 = arith.constant 24000 : i32
      %dma_start3A_138 = tpu.memref_slice %arg14[%dma_start3A_137] : memref<32000xf32, #tpu.memory_space<vmem>> -> memref<2000xf32, #tpu.memory_space<vmem>>
      %dma_start3A_139 = tpu.memref_slice %arg8[%dma_start3A_136, %add3A_17] : memref<16x320000xf32, #tpu.memory_space<hbm>> -> memref<1x2000xf32, #tpu.memory_space<hbm>>
      %dma_start3A_140 = tpu.memref_squeeze %dma_start3A_139 : memref<1x2000xf32, #tpu.memory_space<hbm>> -> memref<2000xf32, #tpu.memory_space<hbm>>
      %dma_start3A_141 = tpu.memref_slice %arg8[%dma_start3A_136, %add3A_17] : memref<16x320000xf32, #tpu.memory_space<hbm>> -> memref<1x2000xf32, #tpu.memory_space<hbm>>
      %dma_start3A_142 = tpu.memref_squeeze %dma_start3A_141 : memref<1x2000xf32, #tpu.memory_space<hbm>> -> memref<2000xf32, #tpu.memory_space<hbm>>
      %dma_start3A_143 = arith.constant 24000 : i32
      %dma_start3A_144 = tpu.memref_slice %arg14[%dma_start3A_143] : memref<32000xf32, #tpu.memory_space<vmem>> -> memref<2000xf32, #tpu.memory_space<vmem>>
      tpu.enqueue_dma source(%dma_start3A_144 : memref<2000xf32, #tpu.memory_space<vmem>>) target(%dma_start3A_142 : memref<2000xf32, #tpu.memory_space<hbm>>) target_semaphore(%arg16 : memref<!tpu.dma_semaphore, #tpu.memory_space<semaphore_mem>>)
      %dma_start3A_145 = arith.constant 13 : i32
      %dma_start3A_146 = arith.constant 26000 : i32
      %dma_start3A_147 = tpu.memref_slice %arg14[%dma_start3A_146] : memref<32000xf32, #tpu.memory_space<vmem>> -> memref<2000xf32, #tpu.memory_space<vmem>>
      %dma_start3A_148 = tpu.memref_slice %arg8[%dma_start3A_145, %add3A_17] : memref<16x320000xf32, #tpu.memory_space<hbm>> -> memref<1x2000xf32, #tpu.memory_space<hbm>>
      %dma_start3A_149 = tpu.memref_squeeze %dma_start3A_148 : memref<1x2000xf32, #tpu.memory_space<hbm>> -> memref<2000xf32, #tpu.memory_space<hbm>>
      %dma_start3A_150 = tpu.memref_slice %arg8[%dma_start3A_145, %add3A_17] : memref<16x320000xf32, #tpu.memory_space<hbm>> -> memref<1x2000xf32, #tpu.memory_space<hbm>>
      %dma_start3A_151 = tpu.memref_squeeze %dma_start3A_150 : memref<1x2000xf32, #tpu.memory_space<hbm>> -> memref<2000xf32, #tpu.memory_space<hbm>>
      %dma_start3A_152 = arith.constant 26000 : i32
      %dma_start3A_153 = tpu.memref_slice %arg14[%dma_start3A_152] : memref<32000xf32, #tpu.memory_space<vmem>> -> memref<2000xf32, #tpu.memory_space<vmem>>
      tpu.enqueue_dma source(%dma_start3A_153 : memref<2000xf32, #tpu.memory_space<vmem>>) target(%dma_start3A_151 : memref<2000xf32, #tpu.memory_space<hbm>>) target_semaphore(%arg16 : memref<!tpu.dma_semaphore, #tpu.memory_space<semaphore_mem>>)
      %dma_start3A_154 = arith.constant 14 : i32
      %dma_start3A_155 = arith.constant 28000 : i32
      %dma_start3A_156 = tpu.memref_slice %arg14[%dma_start3A_155] : memref<32000xf32, #tpu.memory_space<vmem>> -> memref<2000xf32, #tpu.memory_space<vmem>>
      %dma_start3A_157 = tpu.memref_slice %arg8[%dma_start3A_154, %add3A_17] : memref<16x320000xf32, #tpu.memory_space<hbm>> -> memref<1x2000xf32, #tpu.memory_space<hbm>>
      %dma_start3A_158 = tpu.memref_squeeze %dma_start3A_157 : memref<1x2000xf32, #tpu.memory_space<hbm>> -> memref<2000xf32, #tpu.memory_space<hbm>>
      %dma_start3A_159 = tpu.memref_slice %arg8[%dma_start3A_154, %add3A_17] : memref<16x320000xf32, #tpu.memory_space<hbm>> -> memref<1x2000xf32, #tpu.memory_space<hbm>>
      %dma_start3A_160 = tpu.memref_squeeze %dma_start3A_159 : memref<1x2000xf32, #tpu.memory_space<hbm>> -> memref<2000xf32, #tpu.memory_space<hbm>>
      %dma_start3A_161 = arith.constant 28000 : i32
      %dma_start3A_162 = tpu.memref_slice %arg14[%dma_start3A_161] : memref<32000xf32, #tpu.memory_space<vmem>> -> memref<2000xf32, #tpu.memory_space<vmem>>
      tpu.enqueue_dma source(%dma_start3A_162 : memref<2000xf32, #tpu.memory_space<vmem>>) target(%dma_start3A_160 : memref<2000xf32, #tpu.memory_space<hbm>>) target_semaphore(%arg16 : memref<!tpu.dma_semaphore, #tpu.memory_space<semaphore_mem>>)
      %dma_start3A_163 = arith.constant 15 : i32
      %dma_start3A_164 = arith.constant 30000 : i32
      %dma_start3A_165 = tpu.memref_slice %arg14[%dma_start3A_164] : memref<32000xf32, #tpu.memory_space<vmem>> -> memref<2000xf32, #tpu.memory_space<vmem>>
      %dma_start3A_166 = tpu.memref_slice %arg8[%dma_start3A_163, %add3A_17] : memref<16x320000xf32, #tpu.memory_space<hbm>> -> memref<1x2000xf32, #tpu.memory_space<hbm>>
      %dma_start3A_167 = tpu.memref_squeeze %dma_start3A_166 : memref<1x2000xf32, #tpu.memory_space<hbm>> -> memref<2000xf32, #tpu.memory_space<hbm>>
      %dma_start3A_168 = tpu.memref_slice %arg8[%dma_start3A_163, %add3A_17] : memref<16x320000xf32, #tpu.memory_space<hbm>> -> memref<1x2000xf32, #tpu.memory_space<hbm>>
      %dma_start3A_169 = tpu.memref_squeeze %dma_start3A_168 : memref<1x2000xf32, #tpu.memory_space<hbm>> -> memref<2000xf32, #tpu.memory_space<hbm>>
      %dma_start3A_170 = arith.constant 30000 : i32
      %dma_start3A_171 = tpu.memref_slice %arg14[%dma_start3A_170] : memref<32000xf32, #tpu.memory_space<vmem>> -> memref<2000xf32, #tpu.memory_space<vmem>>
      tpu.enqueue_dma source(%dma_start3A_171 : memref<2000xf32, #tpu.memory_space<vmem>>) target(%dma_start3A_169 : memref<2000xf32, #tpu.memory_space<hbm>>) target_semaphore(%arg16 : memref<!tpu.dma_semaphore, #tpu.memory_space<semaphore_mem>>)
      %dma_wait3A = arith.constant 0 : i32
      %dma_wait3A_172 = arith.constant 0 : i32
      %dma_wait3A_173 = tpu.memref_slice %arg9[%dma_wait3A, %dma_wait3A_172] : memref<10240x16xf32, #tpu.memory_space<vmem_shared>> -> memref<10240x16xf32, #tpu.memory_space<vmem_shared>>
      tpu.wait_indirect_dma semaphore(%arg15 : memref<!tpu.dma_semaphore, #tpu.memory_space<semaphore_mem>>) src(%arg11 : memref<2000x16xf32, #tpu.memory_space<vmem>>) dst(%dma_wait3A_173 : memref<10240x16xf32, #tpu.memory_space<vmem_shared>>)
      %dma_wait3A_174 = arith.constant 0 : i32
      %dma_wait3A_175 = arith.constant 0 : i32
      %dma_wait3A_176 = tpu.memref_slice %arg14[%dma_wait3A_175] : memref<32000xf32, #tpu.memory_space<vmem>> -> memref<2000xf32, #tpu.memory_space<vmem>>
      %dma_wait3A_177 = tpu.memref_slice %arg8[%dma_wait3A_174, %add3A_17] : memref<16x320000xf32, #tpu.memory_space<hbm>> -> memref<1x2000xf32, #tpu.memory_space<hbm>>
      %dma_wait3A_178 = tpu.memref_squeeze %dma_wait3A_177 : memref<1x2000xf32, #tpu.memory_space<hbm>> -> memref<2000xf32, #tpu.memory_space<hbm>>
      %dma_wait3A_179 = tpu.memref_slice %arg8[%dma_wait3A_174, %add3A_17] : memref<16x320000xf32, #tpu.memory_space<hbm>> -> memref<1x2000xf32, #tpu.memory_space<hbm>>
      %dma_wait3A_180 = tpu.memref_squeeze %dma_wait3A_179 : memref<1x2000xf32, #tpu.memory_space<hbm>> -> memref<2000xf32, #tpu.memory_space<hbm>>
      %dma_wait3A_181 = arith.constant 0 : i32
      %dma_wait3A_182 = tpu.memref_slice %arg14[%dma_wait3A_181] : memref<32000xf32, #tpu.memory_space<vmem>> -> memref<2000xf32, #tpu.memory_space<vmem>>
      tpu.wait_dma2 semaphore(%arg16 : memref<!tpu.dma_semaphore, #tpu.memory_space<semaphore_mem>>) src(%dma_wait3A_182 : memref<2000xf32, #tpu.memory_space<vmem>>) dst(%dma_wait3A_180 : memref<2000xf32, #tpu.memory_space<hbm>>)
      %dma_wait3A_183 = arith.constant 1 : i32
      %dma_wait3A_184 = arith.constant 2000 : i32
      %dma_wait3A_185 = tpu.memref_slice %arg14[%dma_wait3A_184] : memref<32000xf32, #tpu.memory_space<vmem>> -> memref<2000xf32, #tpu.memory_space<vmem>>
      %dma_wait3A_186 = tpu.memref_slice %arg8[%dma_wait3A_183, %add3A_17] : memref<16x320000xf32, #tpu.memory_space<hbm>> -> memref<1x2000xf32, #tpu.memory_space<hbm>>
      %dma_wait3A_187 = tpu.memref_squeeze %dma_wait3A_186 : memref<1x2000xf32, #tpu.memory_space<hbm>> -> memref<2000xf32, #tpu.memory_space<hbm>>
      %dma_wait3A_188 = tpu.memref_slice %arg8[%dma_wait3A_183, %add3A_17] : memref<16x320000xf32, #tpu.memory_space<hbm>> -> memref<1x2000xf32, #tpu.memory_space<hbm>>
      %dma_wait3A_189 = tpu.memref_squeeze %dma_wait3A_188 : memref<1x2000xf32, #tpu.memory_space<hbm>> -> memref<2000xf32, #tpu.memory_space<hbm>>
      %dma_wait3A_190 = arith.constant 2000 : i32
      %dma_wait3A_191 = tpu.memref_slice %arg14[%dma_wait3A_190] : memref<32000xf32, #tpu.memory_space<vmem>> -> memref<2000xf32, #tpu.memory_space<vmem>>
      tpu.wait_dma2 semaphore(%arg16 : memref<!tpu.dma_semaphore, #tpu.memory_space<semaphore_mem>>) src(%dma_wait3A_191 : memref<2000xf32, #tpu.memory_space<vmem>>) dst(%dma_wait3A_189 : memref<2000xf32, #tpu.memory_space<hbm>>)
      %dma_wait3A_192 = arith.constant 2 : i32
      %dma_wait3A_193 = arith.constant 4000 : i32
      %dma_wait3A_194 = tpu.memref_slice %arg14[%dma_wait3A_193] : memref<32000xf32, #tpu.memory_space<vmem>> -> memref<2000xf32, #tpu.memory_space<vmem>>
      %dma_wait3A_195 = tpu.memref_slice %arg8[%dma_wait3A_192, %add3A_17] : memref<16x320000xf32, #tpu.memory_space<hbm>> -> memref<1x2000xf32, #tpu.memory_space<hbm>>
      %dma_wait3A_196 = tpu.memref_squeeze %dma_wait3A_195 : memref<1x2000xf32, #tpu.memory_space<hbm>> -> memref<2000xf32, #tpu.memory_space<hbm>>
      %dma_wait3A_197 = tpu.memref_slice %arg8[%dma_wait3A_192, %add3A_17] : memref<16x320000xf32, #tpu.memory_space<hbm>> -> memref<1x2000xf32, #tpu.memory_space<hbm>>
      %dma_wait3A_198 = tpu.memref_squeeze %dma_wait3A_197 : memref<1x2000xf32, #tpu.memory_space<hbm>> -> memref<2000xf32, #tpu.memory_space<hbm>>
      %dma_wait3A_199 = arith.constant 4000 : i32
      %dma_wait3A_200 = tpu.memref_slice %arg14[%dma_wait3A_199] : memref<32000xf32, #tpu.memory_space<vmem>> -> memref<2000xf32, #tpu.memory_space<vmem>>
      tpu.wait_dma2 semaphore(%arg16 : memref<!tpu.dma_semaphore, #tpu.memory_space<semaphore_mem>>) src(%dma_wait3A_200 : memref<2000xf32, #tpu.memory_space<vmem>>) dst(%dma_wait3A_198 : memref<2000xf32, #tpu.memory_space<hbm>>)
      %dma_wait3A_201 = arith.constant 3 : i32
      %dma_wait3A_202 = arith.constant 6000 : i32
      %dma_wait3A_203 = tpu.memref_slice %arg14[%dma_wait3A_202] : memref<32000xf32, #tpu.memory_space<vmem>> -> memref<2000xf32, #tpu.memory_space<vmem>>
      %dma_wait3A_204 = tpu.memref_slice %arg8[%dma_wait3A_201, %add3A_17] : memref<16x320000xf32, #tpu.memory_space<hbm>> -> memref<1x2000xf32, #tpu.memory_space<hbm>>
      %dma_wait3A_205 = tpu.memref_squeeze %dma_wait3A_204 : memref<1x2000xf32, #tpu.memory_space<hbm>> -> memref<2000xf32, #tpu.memory_space<hbm>>
      %dma_wait3A_206 = tpu.memref_slice %arg8[%dma_wait3A_201, %add3A_17] : memref<16x320000xf32, #tpu.memory_space<hbm>> -> memref<1x2000xf32, #tpu.memory_space<hbm>>
      %dma_wait3A_207 = tpu.memref_squeeze %dma_wait3A_206 : memref<1x2000xf32, #tpu.memory_space<hbm>> -> memref<2000xf32, #tpu.memory_space<hbm>>
      %dma_wait3A_208 = arith.constant 6000 : i32
      %dma_wait3A_209 = tpu.memref_slice %arg14[%dma_wait3A_208] : memref<32000xf32, #tpu.memory_space<vmem>> -> memref<2000xf32, #tpu.memory_space<vmem>>
      tpu.wait_dma2 semaphore(%arg16 : memref<!tpu.dma_semaphore, #tpu.memory_space<semaphore_mem>>) src(%dma_wait3A_209 : memref<2000xf32, #tpu.memory_space<vmem>>) dst(%dma_wait3A_207 : memref<2000xf32, #tpu.memory_space<hbm>>)
      %dma_wait3A_210 = arith.constant 4 : i32
      %dma_wait3A_211 = arith.constant 8000 : i32
      %dma_wait3A_212 = tpu.memref_slice %arg14[%dma_wait3A_211] : memref<32000xf32, #tpu.memory_space<vmem>> -> memref<2000xf32, #tpu.memory_space<vmem>>
      %dma_wait3A_213 = tpu.memref_slice %arg8[%dma_wait3A_210, %add3A_17] : memref<16x320000xf32, #tpu.memory_space<hbm>> -> memref<1x2000xf32, #tpu.memory_space<hbm>>
      %dma_wait3A_214 = tpu.memref_squeeze %dma_wait3A_213 : memref<1x2000xf32, #tpu.memory_space<hbm>> -> memref<2000xf32, #tpu.memory_space<hbm>>
      %dma_wait3A_215 = tpu.memref_slice %arg8[%dma_wait3A_210, %add3A_17] : memref<16x320000xf32, #tpu.memory_space<hbm>> -> memref<1x2000xf32, #tpu.memory_space<hbm>>
      %dma_wait3A_216 = tpu.memref_squeeze %dma_wait3A_215 : memref<1x2000xf32, #tpu.memory_space<hbm>> -> memref<2000xf32, #tpu.memory_space<hbm>>
      %dma_wait3A_217 = arith.constant 8000 : i32
      %dma_wait3A_218 = tpu.memref_slice %arg14[%dma_wait3A_217] : memref<32000xf32, #tpu.memory_space<vmem>> -> memref<2000xf32, #tpu.memory_space<vmem>>
      tpu.wait_dma2 semaphore(%arg16 : memref<!tpu.dma_semaphore, #tpu.memory_space<semaphore_mem>>) src(%dma_wait3A_218 : memref<2000xf32, #tpu.memory_space<vmem>>) dst(%dma_wait3A_216 : memref<2000xf32, #tpu.memory_space<hbm>>)
      %dma_wait3A_219 = arith.constant 5 : i32
      %dma_wait3A_220 = arith.constant 10000 : i32
      %dma_wait3A_221 = tpu.memref_slice %arg14[%dma_wait3A_220] : memref<32000xf32, #tpu.memory_space<vmem>> -> memref<2000xf32, #tpu.memory_space<vmem>>
      %dma_wait3A_222 = tpu.memref_slice %arg8[%dma_wait3A_219, %add3A_17] : memref<16x320000xf32, #tpu.memory_space<hbm>> -> memref<1x2000xf32, #tpu.memory_space<hbm>>
      %dma_wait3A_223 = tpu.memref_squeeze %dma_wait3A_222 : memref<1x2000xf32, #tpu.memory_space<hbm>> -> memref<2000xf32, #tpu.memory_space<hbm>>
      %dma_wait3A_224 = tpu.memref_slice %arg8[%dma_wait3A_219, %add3A_17] : memref<16x320000xf32, #tpu.memory_space<hbm>> -> memref<1x2000xf32, #tpu.memory_space<hbm>>
      %dma_wait3A_225 = tpu.memref_squeeze %dma_wait3A_224 : memref<1x2000xf32, #tpu.memory_space<hbm>> -> memref<2000xf32, #tpu.memory_space<hbm>>
      %dma_wait3A_226 = arith.constant 10000 : i32
      %dma_wait3A_227 = tpu.memref_slice %arg14[%dma_wait3A_226] : memref<32000xf32, #tpu.memory_space<vmem>> -> memref<2000xf32, #tpu.memory_space<vmem>>
      tpu.wait_dma2 semaphore(%arg16 : memref<!tpu.dma_semaphore, #tpu.memory_space<semaphore_mem>>) src(%dma_wait3A_227 : memref<2000xf32, #tpu.memory_space<vmem>>) dst(%dma_wait3A_225 : memref<2000xf32, #tpu.memory_space<hbm>>)
      %dma_wait3A_228 = arith.constant 6 : i32
      %dma_wait3A_229 = arith.constant 12000 : i32
      %dma_wait3A_230 = tpu.memref_slice %arg14[%dma_wait3A_229] : memref<32000xf32, #tpu.memory_space<vmem>> -> memref<2000xf32, #tpu.memory_space<vmem>>
      %dma_wait3A_231 = tpu.memref_slice %arg8[%dma_wait3A_228, %add3A_17] : memref<16x320000xf32, #tpu.memory_space<hbm>> -> memref<1x2000xf32, #tpu.memory_space<hbm>>
      %dma_wait3A_232 = tpu.memref_squeeze %dma_wait3A_231 : memref<1x2000xf32, #tpu.memory_space<hbm>> -> memref<2000xf32, #tpu.memory_space<hbm>>
      %dma_wait3A_233 = tpu.memref_slice %arg8[%dma_wait3A_228, %add3A_17] : memref<16x320000xf32, #tpu.memory_space<hbm>> -> memref<1x2000xf32, #tpu.memory_space<hbm>>
      %dma_wait3A_234 = tpu.memref_squeeze %dma_wait3A_233 : memref<1x2000xf32, #tpu.memory_space<hbm>> -> memref<2000xf32, #tpu.memory_space<hbm>>
      %dma_wait3A_235 = arith.constant 12000 : i32
      %dma_wait3A_236 = tpu.memref_slice %arg14[%dma_wait3A_235] : memref<32000xf32, #tpu.memory_space<vmem>> -> memref<2000xf32, #tpu.memory_space<vmem>>
      tpu.wait_dma2 semaphore(%arg16 : memref<!tpu.dma_semaphore, #tpu.memory_space<semaphore_mem>>) src(%dma_wait3A_236 : memref<2000xf32, #tpu.memory_space<vmem>>) dst(%dma_wait3A_234 : memref<2000xf32, #tpu.memory_space<hbm>>)
      %dma_wait3A_237 = arith.constant 7 : i32
      %dma_wait3A_238 = arith.constant 14000 : i32
      %dma_wait3A_239 = tpu.memref_slice %arg14[%dma_wait3A_238] : memref<32000xf32, #tpu.memory_space<vmem>> -> memref<2000xf32, #tpu.memory_space<vmem>>
      %dma_wait3A_240 = tpu.memref_slice %arg8[%dma_wait3A_237, %add3A_17] : memref<16x320000xf32, #tpu.memory_space<hbm>> -> memref<1x2000xf32, #tpu.memory_space<hbm>>
      %dma_wait3A_241 = tpu.memref_squeeze %dma_wait3A_240 : memref<1x2000xf32, #tpu.memory_space<hbm>> -> memref<2000xf32, #tpu.memory_space<hbm>>
      %dma_wait3A_242 = tpu.memref_slice %arg8[%dma_wait3A_237, %add3A_17] : memref<16x320000xf32, #tpu.memory_space<hbm>> -> memref<1x2000xf32, #tpu.memory_space<hbm>>
      %dma_wait3A_243 = tpu.memref_squeeze %dma_wait3A_242 : memref<1x2000xf32, #tpu.memory_space<hbm>> -> memref<2000xf32, #tpu.memory_space<hbm>>
      %dma_wait3A_244 = arith.constant 14000 : i32
      %dma_wait3A_245 = tpu.memref_slice %arg14[%dma_wait3A_244] : memref<32000xf32, #tpu.memory_space<vmem>> -> memref<2000xf32, #tpu.memory_space<vmem>>
      tpu.wait_dma2 semaphore(%arg16 : memref<!tpu.dma_semaphore, #tpu.memory_space<semaphore_mem>>) src(%dma_wait3A_245 : memref<2000xf32, #tpu.memory_space<vmem>>) dst(%dma_wait3A_243 : memref<2000xf32, #tpu.memory_space<hbm>>)
      %dma_wait3A_246 = arith.constant 8 : i32
      %dma_wait3A_247 = arith.constant 16000 : i32
      %dma_wait3A_248 = tpu.memref_slice %arg14[%dma_wait3A_247] : memref<32000xf32, #tpu.memory_space<vmem>> -> memref<2000xf32, #tpu.memory_space<vmem>>
      %dma_wait3A_249 = tpu.memref_slice %arg8[%dma_wait3A_246, %add3A_17] : memref<16x320000xf32, #tpu.memory_space<hbm>> -> memref<1x2000xf32, #tpu.memory_space<hbm>>
      %dma_wait3A_250 = tpu.memref_squeeze %dma_wait3A_249 : memref<1x2000xf32, #tpu.memory_space<hbm>> -> memref<2000xf32, #tpu.memory_space<hbm>>
      %dma_wait3A_251 = tpu.memref_slice %arg8[%dma_wait3A_246, %add3A_17] : memref<16x320000xf32, #tpu.memory_space<hbm>> -> memref<1x2000xf32, #tpu.memory_space<hbm>>
      %dma_wait3A_252 = tpu.memref_squeeze %dma_wait3A_251 : memref<1x2000xf32, #tpu.memory_space<hbm>> -> memref<2000xf32, #tpu.memory_space<hbm>>
      %dma_wait3A_253 = arith.constant 16000 : i32
      %dma_wait3A_254 = tpu.memref_slice %arg14[%dma_wait3A_253] : memref<32000xf32, #tpu.memory_space<vmem>> -> memref<2000xf32, #tpu.memory_space<vmem>>
      tpu.wait_dma2 semaphore(%arg16 : memref<!tpu.dma_semaphore, #tpu.memory_space<semaphore_mem>>) src(%dma_wait3A_254 : memref<2000xf32, #tpu.memory_space<vmem>>) dst(%dma_wait3A_252 : memref<2000xf32, #tpu.memory_space<hbm>>)
      %dma_wait3A_255 = arith.constant 9 : i32
      %dma_wait3A_256 = arith.constant 18000 : i32
      %dma_wait3A_257 = tpu.memref_slice %arg14[%dma_wait3A_256] : memref<32000xf32, #tpu.memory_space<vmem>> -> memref<2000xf32, #tpu.memory_space<vmem>>
      %dma_wait3A_258 = tpu.memref_slice %arg8[%dma_wait3A_255, %add3A_17] : memref<16x320000xf32, #tpu.memory_space<hbm>> -> memref<1x2000xf32, #tpu.memory_space<hbm>>
      %dma_wait3A_259 = tpu.memref_squeeze %dma_wait3A_258 : memref<1x2000xf32, #tpu.memory_space<hbm>> -> memref<2000xf32, #tpu.memory_space<hbm>>
      %dma_wait3A_260 = tpu.memref_slice %arg8[%dma_wait3A_255, %add3A_17] : memref<16x320000xf32, #tpu.memory_space<hbm>> -> memref<1x2000xf32, #tpu.memory_space<hbm>>
      %dma_wait3A_261 = tpu.memref_squeeze %dma_wait3A_260 : memref<1x2000xf32, #tpu.memory_space<hbm>> -> memref<2000xf32, #tpu.memory_space<hbm>>
      %dma_wait3A_262 = arith.constant 18000 : i32
      %dma_wait3A_263 = tpu.memref_slice %arg14[%dma_wait3A_262] : memref<32000xf32, #tpu.memory_space<vmem>> -> memref<2000xf32, #tpu.memory_space<vmem>>
      tpu.wait_dma2 semaphore(%arg16 : memref<!tpu.dma_semaphore, #tpu.memory_space<semaphore_mem>>) src(%dma_wait3A_263 : memref<2000xf32, #tpu.memory_space<vmem>>) dst(%dma_wait3A_261 : memref<2000xf32, #tpu.memory_space<hbm>>)
      %dma_wait3A_264 = arith.constant 10 : i32
      %dma_wait3A_265 = arith.constant 20000 : i32
      %dma_wait3A_266 = tpu.memref_slice %arg14[%dma_wait3A_265] : memref<32000xf32, #tpu.memory_space<vmem>> -> memref<2000xf32, #tpu.memory_space<vmem>>
      %dma_wait3A_267 = tpu.memref_slice %arg8[%dma_wait3A_264, %add3A_17] : memref<16x320000xf32, #tpu.memory_space<hbm>> -> memref<1x2000xf32, #tpu.memory_space<hbm>>
      %dma_wait3A_268 = tpu.memref_squeeze %dma_wait3A_267 : memref<1x2000xf32, #tpu.memory_space<hbm>> -> memref<2000xf32, #tpu.memory_space<hbm>>
      %dma_wait3A_269 = tpu.memref_slice %arg8[%dma_wait3A_264, %add3A_17] : memref<16x320000xf32, #tpu.memory_space<hbm>> -> memref<1x2000xf32, #tpu.memory_space<hbm>>
      %dma_wait3A_270 = tpu.memref_squeeze %dma_wait3A_269 : memref<1x2000xf32, #tpu.memory_space<hbm>> -> memref<2000xf32, #tpu.memory_space<hbm>>
      %dma_wait3A_271 = arith.constant 20000 : i32
      %dma_wait3A_272 = tpu.memref_slice %arg14[%dma_wait3A_271] : memref<32000xf32, #tpu.memory_space<vmem>> -> memref<2000xf32, #tpu.memory_space<vmem>>
      tpu.wait_dma2 semaphore(%arg16 : memref<!tpu.dma_semaphore, #tpu.memory_space<semaphore_mem>>) src(%dma_wait3A_272 : memref<2000xf32, #tpu.memory_space<vmem>>) dst(%dma_wait3A_270 : memref<2000xf32, #tpu.memory_space<hbm>>)
      %dma_wait3A_273 = arith.constant 11 : i32
      %dma_wait3A_274 = arith.constant 22000 : i32
      %dma_wait3A_275 = tpu.memref_slice %arg14[%dma_wait3A_274] : memref<32000xf32, #tpu.memory_space<vmem>> -> memref<2000xf32, #tpu.memory_space<vmem>>
      %dma_wait3A_276 = tpu.memref_slice %arg8[%dma_wait3A_273, %add3A_17] : memref<16x320000xf32, #tpu.memory_space<hbm>> -> memref<1x2000xf32, #tpu.memory_space<hbm>>
      %dma_wait3A_277 = tpu.memref_squeeze %dma_wait3A_276 : memref<1x2000xf32, #tpu.memory_space<hbm>> -> memref<2000xf32, #tpu.memory_space<hbm>>
      %dma_wait3A_278 = tpu.memref_slice %arg8[%dma_wait3A_273, %add3A_17] : memref<16x320000xf32, #tpu.memory_space<hbm>> -> memref<1x2000xf32, #tpu.memory_space<hbm>>
      %dma_wait3A_279 = tpu.memref_squeeze %dma_wait3A_278 : memref<1x2000xf32, #tpu.memory_space<hbm>> -> memref<2000xf32, #tpu.memory_space<hbm>>
      %dma_wait3A_280 = arith.constant 22000 : i32
      %dma_wait3A_281 = tpu.memref_slice %arg14[%dma_wait3A_280] : memref<32000xf32, #tpu.memory_space<vmem>> -> memref<2000xf32, #tpu.memory_space<vmem>>
      tpu.wait_dma2 semaphore(%arg16 : memref<!tpu.dma_semaphore, #tpu.memory_space<semaphore_mem>>) src(%dma_wait3A_281 : memref<2000xf32, #tpu.memory_space<vmem>>) dst(%dma_wait3A_279 : memref<2000xf32, #tpu.memory_space<hbm>>)
      %dma_wait3A_282 = arith.constant 12 : i32
      %dma_wait3A_283 = arith.constant 24000 : i32
      %dma_wait3A_284 = tpu.memref_slice %arg14[%dma_wait3A_283] : memref<32000xf32, #tpu.memory_space<vmem>> -> memref<2000xf32, #tpu.memory_space<vmem>>
      %dma_wait3A_285 = tpu.memref_slice %arg8[%dma_wait3A_282, %add3A_17] : memref<16x320000xf32, #tpu.memory_space<hbm>> -> memref<1x2000xf32, #tpu.memory_space<hbm>>
      %dma_wait3A_286 = tpu.memref_squeeze %dma_wait3A_285 : memref<1x2000xf32, #tpu.memory_space<hbm>> -> memref<2000xf32, #tpu.memory_space<hbm>>
      %dma_wait3A_287 = tpu.memref_slice %arg8[%dma_wait3A_282, %add3A_17] : memref<16x320000xf32, #tpu.memory_space<hbm>> -> memref<1x2000xf32, #tpu.memory_space<hbm>>
      %dma_wait3A_288 = tpu.memref_squeeze %dma_wait3A_287 : memref<1x2000xf32, #tpu.memory_space<hbm>> -> memref<2000xf32, #tpu.memory_space<hbm>>
      %dma_wait3A_289 = arith.constant 24000 : i32
      %dma_wait3A_290 = tpu.memref_slice %arg14[%dma_wait3A_289] : memref<32000xf32, #tpu.memory_space<vmem>> -> memref<2000xf32, #tpu.memory_space<vmem>>
      tpu.wait_dma2 semaphore(%arg16 : memref<!tpu.dma_semaphore, #tpu.memory_space<semaphore_mem>>) src(%dma_wait3A_290 : memref<2000xf32, #tpu.memory_space<vmem>>) dst(%dma_wait3A_288 : memref<2000xf32, #tpu.memory_space<hbm>>)
      %dma_wait3A_291 = arith.constant 13 : i32
      %dma_wait3A_292 = arith.constant 26000 : i32
      %dma_wait3A_293 = tpu.memref_slice %arg14[%dma_wait3A_292] : memref<32000xf32, #tpu.memory_space<vmem>> -> memref<2000xf32, #tpu.memory_space<vmem>>
      %dma_wait3A_294 = tpu.memref_slice %arg8[%dma_wait3A_291, %add3A_17] : memref<16x320000xf32, #tpu.memory_space<hbm>> -> memref<1x2000xf32, #tpu.memory_space<hbm>>
      %dma_wait3A_295 = tpu.memref_squeeze %dma_wait3A_294 : memref<1x2000xf32, #tpu.memory_space<hbm>> -> memref<2000xf32, #tpu.memory_space<hbm>>
      %dma_wait3A_296 = tpu.memref_slice %arg8[%dma_wait3A_291, %add3A_17] : memref<16x320000xf32, #tpu.memory_space<hbm>> -> memref<1x2000xf32, #tpu.memory_space<hbm>>
      %dma_wait3A_297 = tpu.memref_squeeze %dma_wait3A_296 : memref<1x2000xf32, #tpu.memory_space<hbm>> -> memref<2000xf32, #tpu.memory_space<hbm>>
      %dma_wait3A_298 = arith.constant 26000 : i32
      %dma_wait3A_299 = tpu.memref_slice %arg14[%dma_wait3A_298] : memref<32000xf32, #tpu.memory_space<vmem>> -> memref<2000xf32, #tpu.memory_space<vmem>>
      tpu.wait_dma2 semaphore(%arg16 : memref<!tpu.dma_semaphore, #tpu.memory_space<semaphore_mem>>) src(%dma_wait3A_299 : memref<2000xf32, #tpu.memory_space<vmem>>) dst(%dma_wait3A_297 : memref<2000xf32, #tpu.memory_space<hbm>>)
      %dma_wait3A_300 = arith.constant 14 : i32
      %dma_wait3A_301 = arith.constant 28000 : i32
      %dma_wait3A_302 = tpu.memref_slice %arg14[%dma_wait3A_301] : memref<32000xf32, #tpu.memory_space<vmem>> -> memref<2000xf32, #tpu.memory_space<vmem>>
      %dma_wait3A_303 = tpu.memref_slice %arg8[%dma_wait3A_300, %add3A_17] : memref<16x320000xf32, #tpu.memory_space<hbm>> -> memref<1x2000xf32, #tpu.memory_space<hbm>>
      %dma_wait3A_304 = tpu.memref_squeeze %dma_wait3A_303 : memref<1x2000xf32, #tpu.memory_space<hbm>> -> memref<2000xf32, #tpu.memory_space<hbm>>
      %dma_wait3A_305 = tpu.memref_slice %arg8[%dma_wait3A_300, %add3A_17] : memref<16x320000xf32, #tpu.memory_space<hbm>> -> memref<1x2000xf32, #tpu.memory_space<hbm>>
      %dma_wait3A_306 = tpu.memref_squeeze %dma_wait3A_305 : memref<1x2000xf32, #tpu.memory_space<hbm>> -> memref<2000xf32, #tpu.memory_space<hbm>>
      %dma_wait3A_307 = arith.constant 28000 : i32
      %dma_wait3A_308 = tpu.memref_slice %arg14[%dma_wait3A_307] : memref<32000xf32, #tpu.memory_space<vmem>> -> memref<2000xf32, #tpu.memory_space<vmem>>
      tpu.wait_dma2 semaphore(%arg16 : memref<!tpu.dma_semaphore, #tpu.memory_space<semaphore_mem>>) src(%dma_wait3A_308 : memref<2000xf32, #tpu.memory_space<vmem>>) dst(%dma_wait3A_306 : memref<2000xf32, #tpu.memory_space<hbm>>)
      %dma_wait3A_309 = arith.constant 15 : i32
      %dma_wait3A_310 = arith.constant 30000 : i32
      %dma_wait3A_311 = tpu.memref_slice %arg14[%dma_wait3A_310] : memref<32000xf32, #tpu.memory_space<vmem>> -> memref<2000xf32, #tpu.memory_space<vmem>>
      %dma_wait3A_312 = tpu.memref_slice %arg8[%dma_wait3A_309, %add3A_17] : memref<16x320000xf32, #tpu.memory_space<hbm>> -> memref<1x2000xf32, #tpu.memory_space<hbm>>
      %dma_wait3A_313 = tpu.memref_squeeze %dma_wait3A_312 : memref<1x2000xf32, #tpu.memory_space<hbm>> -> memref<2000xf32, #tpu.memory_space<hbm>>
      %dma_wait3A_314 = tpu.memref_slice %arg8[%dma_wait3A_309, %add3A_17] : memref<16x320000xf32, #tpu.memory_space<hbm>> -> memref<1x2000xf32, #tpu.memory_space<hbm>>
      %dma_wait3A_315 = tpu.memref_squeeze %dma_wait3A_314 : memref<1x2000xf32, #tpu.memory_space<hbm>> -> memref<2000xf32, #tpu.memory_space<hbm>>
      %dma_wait3A_316 = arith.constant 30000 : i32
      %dma_wait3A_317 = tpu.memref_slice %arg14[%dma_wait3A_316] : memref<32000xf32, #tpu.memory_space<vmem>> -> memref<2000xf32, #tpu.memory_space<vmem>>
      tpu.wait_dma2 semaphore(%arg16 : memref<!tpu.dma_semaphore, #tpu.memory_space<semaphore_mem>>) src(%dma_wait3A_317 : memref<2000xf32, #tpu.memory_space<vmem>>) dst(%dma_wait3A_315 : memref<2000xf32, #tpu.memory_space<hbm>>)
    }
    %scan3A_8 = arith.constant 5 : i32
    %barrier3A_9 = arith.constant 0 : index
    tpu.barrier barrier_id(%barrier3A_9)
    %mul3A_10 = arith.constant 625 : i32
    %mul3A_11 = arith.muli %arg1, %mul3A_10 : i32
    %mul3A_12 = arith.constant 625 : i32
    %mul3A_13 = arith.muli %arg1, %mul3A_12 : i32
    "tpu.region"() ({
      %run_scoped3A = tpu.sem_alloc : memref<!tpu.dma_semaphore, #tpu.memory_space<semaphore_mem>>
      %dma_start3A = arith.constant 0 : i32
      %dma_start3A_14 = tpu.memref_slice %arg7[%arg0, %mul3A_13, %dma_start3A] : memref<2x10000x16xf32, #tpu.memory_space<hbm>> -> memref<1x625x16xf32, #tpu.memory_space<hbm>>
      %dma_start3A_15 = tpu.memref_squeeze %dma_start3A_14 : memref<1x625x16xf32, #tpu.memory_space<hbm>> -> memref<625x16xf32, #tpu.memory_space<hbm>>
      %dma_start3A_16 = arith.constant 0 : i32
      %dma_start3A_17 = tpu.memref_slice %arg9[%mul3A_11, %dma_start3A_16] : memref<10240x16xf32, #tpu.memory_space<vmem_shared>> -> memref<625x16xf32, #tpu.memory_space<vmem_shared>>
      tpu.enqueue_dma source(%dma_start3A_17 : memref<625x16xf32, #tpu.memory_space<vmem_shared>>) target(%dma_start3A_15 : memref<625x16xf32, #tpu.memory_space<hbm>>) target_semaphore(%run_scoped3A : memref<!tpu.dma_semaphore, #tpu.memory_space<semaphore_mem>>)
      %dma_wait3A = arith.constant 0 : i32
      %dma_wait3A_18 = tpu.memref_slice %arg7[%arg0, %mul3A_13, %dma_wait3A] : memref<2x10000x16xf32, #tpu.memory_space<hbm>> -> memref<1x625x16xf32, #tpu.memory_space<hbm>>
      %dma_wait3A_19 = tpu.memref_squeeze %dma_wait3A_18 : memref<1x625x16xf32, #tpu.memory_space<hbm>> -> memref<625x16xf32, #tpu.memory_space<hbm>>
      %dma_wait3A_20 = arith.constant 0 : i32
      %dma_wait3A_21 = tpu.memref_slice %arg9[%mul3A_11, %dma_wait3A_20] : memref<10240x16xf32, #tpu.memory_space<vmem_shared>> -> memref<625x16xf32, #tpu.memory_space<vmem_shared>>
      tpu.wait_dma2 semaphore(%run_scoped3A : memref<!tpu.dma_semaphore, #tpu.memory_space<semaphore_mem>>) src(%dma_wait3A_21 : memref<625x16xf32, #tpu.memory_space<vmem_shared>>) dst(%dma_wait3A_19 : memref<625x16xf32, #tpu.memory_space<hbm>>)
      tpu.yield
    }) : () -> ()
    return
  }
}

module attributes {stable_mosaic.version = 14 : i64} {
  func.func @_h_body(%arg0: i32, %arg1: memref<1000x128xf32, #tpu.memory_space<vmem>>, %arg2: memref<128x16xf32, #tpu.memory_space<vmem>>, %arg3: memref<1x16xf32, #tpu.memory_space<vmem>>, %arg4: memref<1000x16xf32, #tpu.memory_space<vmem>>) attributes {dimension_semantics = [#tpu.dimension_semantics<arbitrary>], iteration_bounds = array<i64: 10>, scalar_prefetch = 0 : i64, scratch_operands = 0 : i64, tpu.core_type = #tpu.core_type<tc>, window_params = [{transform_indices = @transform_0, window_bounds = array<i64: 1000, 128>}, {pipeline_mode = #tpu.pipeline_mode<synchronous>, transform_indices = @transform_1, window_bounds = array<i64: 128, 16>}, {pipeline_mode = #tpu.pipeline_mode<synchronous>, transform_indices = @transform_2, window_bounds = array<i64: 1, 16>}, {transform_indices = @transform_3, window_bounds = array<i64: 1000, 16>}]} {
    %get3A = arith.constant 0 : index
    %get3A_0 = arith.constant 0 : index
    %get3A_1 = vector.load %arg1[%get3A, %get3A_0] : memref<1000x128xf32, #tpu.memory_space<vmem>>, vector<1000x128xf32>
    %get3A_2 = arith.constant 0 : index
    %get3A_3 = arith.constant 0 : index
    %get3A_4 = vector.load %arg2[%get3A_2, %get3A_3] : memref<128x16xf32, #tpu.memory_space<vmem>>, vector<128x16xf32>
    %dot_general3A = arith.constant dense<0.000000e+00> : vector<1000x16xf32>
    %dot_general3A_5 = tpu.matmul %get3A_1, %get3A_4, %dot_general3A {dimension_numbers = #tpu.dot_dimension_numbers<[1], [0], [0], [1], [0, 0, 1, 1], [], []>, transpose_lhs_hint = false} : vector<1000x128xf32>, vector<128x16xf32>, vector<1000x16xf32> -> vector<1000x16xf32>
    %get3A_6 = arith.constant 0 : index
    %get3A_7 = arith.constant 0 : index
    %get3A_8 = vector.load %arg3[%get3A_6, %get3A_7] : memref<1x16xf32, #tpu.memory_space<vmem>>, vector<1x16xf32>
    %add3A = vector.broadcast %get3A_8 : vector<1x16xf32> to vector<1000x16xf32>
    %add3A_9 = arith.addf %dot_general3A_5, %add3A : vector<1000x16xf32>
    %swap3A = arith.constant 0 : index
    %swap3A_10 = arith.constant 0 : index
    %swap3A_11 = vector.load %arg4[%swap3A, %swap3A_10] : memref<1000x16xf32, #tpu.memory_space<vmem>>, vector<1000x16xf32>
    tpu.vector_store %arg4[%swap3A, %swap3A_10], %add3A_9 {strides = array<i32>} : memref<1000x16xf32, #tpu.memory_space<vmem>>, vector<1000x16xf32>,
    return
  }
  func.func @transform_0(%arg0: i32) -> (i32, i32) {
    %c0_i32 = arith.constant 0 : i32
    %c0_i32_0 = arith.constant 0 : i32
    return %arg0, %c0_i32 : i32, i32
  }
  func.func @transform_1(%arg0: i32) -> (i32, i32) {
    %c0_i32 = arith.constant 0 : i32
    %c0_i32_0 = arith.constant 0 : i32
    %c0_i32_1 = arith.constant 0 : i32
    return %c0_i32, %c0_i32_0 : i32, i32
  }
  func.func @transform_2(%arg0: i32) -> (i32, i32) {
    %c0_i32 = arith.constant 0 : i32
    %c0_i32_0 = arith.constant 0 : i32
    %c0_i32_1 = arith.constant 0 : i32
    return %c0_i32, %c0_i32_0 : i32, i32
  }
  func.func @transform_3(%arg0: i32) -> (i32, i32) {
    %c0_i32 = arith.constant 0 : i32
    %c0_i32_0 = arith.constant 0 : i32
    return %arg0, %c0_i32 : i32, i32
  }
}

module attributes {stable_mosaic.version = 14 : i64} {
  func.func @_edge_body(%arg0: i32, %arg1: memref<1000x128xf32, #tpu.memory_space<vmem>>, %arg2: memref<1000x128xf32, #tpu.memory_space<vmem>>, %arg3: memref<128x128xf32, #tpu.memory_space<vmem>>, %arg4: memref<1x128xf32, #tpu.memory_space<vmem>>, %arg5: memref<128x128xf32, #tpu.memory_space<vmem>>, %arg6: memref<1x128xf32, #tpu.memory_space<vmem>>, %arg7: memref<128x8xf32, #tpu.memory_space<vmem>>, %arg8: memref<1000x8xf32, #tpu.memory_space<vmem>>, %arg9: memref<1000x128xf32, #tpu.memory_space<vmem>>) attributes {dimension_semantics = [#tpu.dimension_semantics<arbitrary>], iteration_bounds = array<i64: 40>, scalar_prefetch = 0 : i64, scratch_operands = 0 : i64, tpu.core_type = #tpu.core_type<tc>, window_params = [{transform_indices = @transform_0, window_bounds = array<i64: 1000, 128>}, {transform_indices = @transform_1, window_bounds = array<i64: 1000, 128>}, {pipeline_mode = #tpu.pipeline_mode<synchronous>, transform_indices = @transform_2, window_bounds = array<i64: 128, 128>}, {pipeline_mode = #tpu.pipeline_mode<synchronous>, transform_indices = @transform_3, window_bounds = array<i64: 1, 128>}, {pipeline_mode = #tpu.pipeline_mode<synchronous>, transform_indices = @transform_4, window_bounds = array<i64: 128, 128>}, {pipeline_mode = #tpu.pipeline_mode<synchronous>, transform_indices = @transform_5, window_bounds = array<i64: 1, 128>}, {pipeline_mode = #tpu.pipeline_mode<synchronous>, transform_indices = @transform_6, window_bounds = array<i64: 128, 8>}, {transform_indices = @transform_7, window_bounds = array<i64: 1000, 8>}, {transform_indices = @transform_8, window_bounds = array<i64: 1000, 128>}]} {
    %get3A = arith.constant 0 : index
    %get3A_0 = arith.constant 0 : index
    %get3A_1 = vector.load %arg1[%get3A, %get3A_0] : memref<1000x128xf32, #tpu.memory_space<vmem>>, vector<1000x128xf32>
    %get3A_2 = arith.constant 0 : index
    %get3A_3 = arith.constant 0 : index
    %get3A_4 = vector.load %arg3[%get3A_2, %get3A_3] : memref<128x128xf32, #tpu.memory_space<vmem>>, vector<128x128xf32>
    %dot_general3A = arith.constant dense<0.000000e+00> : vector<1000x128xf32>
    %dot_general3A_5 = tpu.matmul %get3A_1, %get3A_4, %dot_general3A {dimension_numbers = #tpu.dot_dimension_numbers<[1], [0], [0], [1], [0, 0, 1, 1], [], []>, transpose_lhs_hint = false} : vector<1000x128xf32>, vector<128x128xf32>, vector<1000x128xf32> -> vector<1000x128xf32>
    %get3A_6 = arith.constant 0 : index
    %get3A_7 = arith.constant 0 : index
    %get3A_8 = vector.load %arg4[%get3A_6, %get3A_7] : memref<1x128xf32, #tpu.memory_space<vmem>>, vector<1x128xf32>
    %add3A = vector.broadcast %get3A_8 : vector<1x128xf32> to vector<1000x128xf32>
    %add3A_9 = arith.addf %dot_general3A_5, %add3A : vector<1000x128xf32>
    %get3A_10 = arith.constant 0 : index
    %get3A_11 = arith.constant 0 : index
    %get3A_12 = vector.load %arg2[%get3A_10, %get3A_11] : memref<1000x128xf32, #tpu.memory_space<vmem>>, vector<1000x128xf32>
    %mul3A = arith.mulf %get3A_12, %add3A_9 : vector<1000x128xf32>
    %get3A_13 = arith.constant 0 : index
    %get3A_14 = arith.constant 0 : index
    %get3A_15 = vector.load %arg5[%get3A_13, %get3A_14] : memref<128x128xf32, #tpu.memory_space<vmem>>, vector<128x128xf32>
    %dot_general3A_16 = arith.constant dense<0.000000e+00> : vector<1000x128xf32>
    %dot_general3A_17 = tpu.matmul %mul3A, %get3A_15, %dot_general3A_16 {dimension_numbers = #tpu.dot_dimension_numbers<[1], [0], [0], [1], [0, 0, 1, 1], [], []>, transpose_lhs_hint = false} : vector<1000x128xf32>, vector<128x128xf32>, vector<1000x128xf32> -> vector<1000x128xf32>
    %get3A_18 = arith.constant 0 : index
    %get3A_19 = arith.constant 0 : index
    %get3A_20 = vector.load %arg6[%get3A_18, %get3A_19] : memref<1x128xf32, #tpu.memory_space<vmem>>, vector<1x128xf32>
    %add3A_21 = vector.broadcast %get3A_20 : vector<1x128xf32> to vector<1000x128xf32>
    %add3A_22 = arith.addf %dot_general3A_17, %add3A_21 : vector<1000x128xf32>
    %jit3A = arith.constant -2.000000e+00 : f32
    %jit3A_23 = arith.constant 2.000000e+00 : f32
    %max3A = vector.broadcast %jit3A : f32 to vector<1000x128xf32>
    %max3A_24 = arith.maximumf %max3A, %add3A_22 : vector<1000x128xf32>
    %min3A = vector.broadcast %jit3A_23 : f32 to vector<1000x128xf32>
    %min3A_25 = arith.minimumf %min3A, %max3A_24 : vector<1000x128xf32>
    %exp3A = math.exp %min3A_25 : vector<1000x128xf32>
    %get3A_26 = arith.constant 0 : index
    %get3A_27 = arith.constant 0 : index
    %get3A_28 = vector.load %arg7[%get3A_26, %get3A_27] : memref<128x8xf32, #tpu.memory_space<vmem>>, vector<128x8xf32>
    %dot_general3A_29 = arith.constant dense<0.000000e+00> : vector<1000x8xf32>
    %dot_general3A_30 = tpu.matmul %exp3A, %get3A_28, %dot_general3A_29 {dimension_numbers = #tpu.dot_dimension_numbers<[1], [0], [0], [1], [0, 0, 1, 1], [], []>, transpose_lhs_hint = false} : vector<1000x128xf32>, vector<128x8xf32>, vector<1000x8xf32> -> vector<1000x8xf32>
    %swap3A = arith.constant 0 : index
    %swap3A_31 = arith.constant 0 : index
    %swap3A_32 = vector.load %arg8[%swap3A, %swap3A_31] : memref<1000x8xf32, #tpu.memory_space<vmem>>, vector<1000x8xf32>
    tpu.vector_store %arg8[%swap3A, %swap3A_31], %dot_general3A_30 {strides = array<i32>} : memref<1000x8xf32, #tpu.memory_space<vmem>>, vector<1000x8xf32>,
    %swap3A_33 = arith.constant 0 : index
    %swap3A_34 = arith.constant 0 : index
    %swap3A_35 = vector.load %arg9[%swap3A_33, %swap3A_34] : memref<1000x128xf32, #tpu.memory_space<vmem>>, vector<1000x128xf32>
    tpu.vector_store %arg9[%swap3A_33, %swap3A_34], %add3A_9 {strides = array<i32>} : memref<1000x128xf32, #tpu.memory_space<vmem>>, vector<1000x128xf32>,
    return
  }
  func.func @transform_0(%arg0: i32) -> (i32, i32) {
    %c0_i32 = arith.constant 0 : i32
    %c0_i32_0 = arith.constant 0 : i32
    return %arg0, %c0_i32 : i32, i32
  }
  func.func @transform_1(%arg0: i32) -> (i32, i32) {
    %c0_i32 = arith.constant 0 : i32
    %c0_i32_0 = arith.constant 0 : i32
    return %arg0, %c0_i32 : i32, i32
  }
  func.func @transform_2(%arg0: i32) -> (i32, i32) {
    %c0_i32 = arith.constant 0 : i32
    %c0_i32_0 = arith.constant 0 : i32
    %c0_i32_1 = arith.constant 0 : i32
    return %c0_i32, %c0_i32_0 : i32, i32
  }
  func.func @transform_3(%arg0: i32) -> (i32, i32) {
    %c0_i32 = arith.constant 0 : i32
    %c0_i32_0 = arith.constant 0 : i32
    %c0_i32_1 = arith.constant 0 : i32
    return %c0_i32, %c0_i32_0 : i32, i32
  }
  func.func @transform_4(%arg0: i32) -> (i32, i32) {
    %c0_i32 = arith.constant 0 : i32
    %c0_i32_0 = arith.constant 0 : i32
    %c0_i32_1 = arith.constant 0 : i32
    return %c0_i32, %c0_i32_0 : i32, i32
  }
  func.func @transform_5(%arg0: i32) -> (i32, i32) {
    %c0_i32 = arith.constant 0 : i32
    %c0_i32_0 = arith.constant 0 : i32
    %c0_i32_1 = arith.constant 0 : i32
    return %c0_i32, %c0_i32_0 : i32, i32
  }
  func.func @transform_6(%arg0: i32) -> (i32, i32) {
    %c0_i32 = arith.constant 0 : i32
    %c0_i32_0 = arith.constant 0 : i32
    %c0_i32_1 = arith.constant 0 : i32
    return %c0_i32, %c0_i32_0 : i32, i32
  }
  func.func @transform_7(%arg0: i32) -> (i32, i32) {
    %c0_i32 = arith.constant 0 : i32
    %c0_i32_0 = arith.constant 0 : i32
    return %arg0, %c0_i32 : i32, i32
  }
  func.func @transform_8(%arg0: i32) -> (i32, i32) {
    %c0_i32 = arith.constant 0 : i32
    %c0_i32_0 = arith.constant 0 : i32
    return %arg0, %c0_i32 : i32, i32
  }
}

module attributes {stable_mosaic.version = 14 : i64} {
  func.func @_comb_body(%arg0: i32, %arg1: memref<2x1000x16xf32, #tpu.memory_space<vmem>>, %arg2: memref<1000x16xf32, #tpu.memory_space<vmem>>) attributes {dimension_semantics = [#tpu.dimension_semantics<arbitrary>], iteration_bounds = array<i64: 10>, scalar_prefetch = 0 : i64, scratch_operands = 0 : i64, tpu.core_type = #tpu.core_type<tc>, window_params = [{transform_indices = @transform_0, window_bounds = array<i64: 2, 1000, 16>}, {transform_indices = @transform_1, window_bounds = array<i64: 1000, 16>}]} {
    %get3A = arith.constant 0 : index
    %get3A_0 = arith.constant 0 : index
    %get3A_1 = arith.constant 0 : index
    %get3A_2 = vector.load %arg1[%get3A, %get3A_0, %get3A_1] : memref<2x1000x16xf32, #tpu.memory_space<vmem>>, vector<1x1000x16xf32>
    %get3A_3 = vector.shape_cast %get3A_2 : vector<1x1000x16xf32> to vector<1000x16xf32>
    %get3A_4 = arith.constant 1 : index
    %get3A_5 = arith.constant 0 : index
    %get3A_6 = arith.constant 0 : index
    %get3A_7 = vector.load %arg1[%get3A_4, %get3A_5, %get3A_6] : memref<2x1000x16xf32, #tpu.memory_space<vmem>>, vector<1x1000x16xf32>
    %get3A_8 = vector.shape_cast %get3A_7 : vector<1x1000x16xf32> to vector<1000x16xf32>
    %add3A = arith.addf %get3A_3, %get3A_8 : vector<1000x16xf32>
    %swap3A = arith.constant 0 : index
    %swap3A_9 = arith.constant 0 : index
    %swap3A_10 = vector.load %arg2[%swap3A, %swap3A_9] : memref<1000x16xf32, #tpu.memory_space<vmem>>, vector<1000x16xf32>
    tpu.vector_store %arg2[%swap3A, %swap3A_9], %add3A {strides = array<i32>} : memref<1000x16xf32, #tpu.memory_space<vmem>>, vector<1000x16xf32>,
    return
  }
  func.func @transform_0(%arg0: i32) -> (i32, i32, i32) {
    %c0_i32 = arith.constant 0 : i32
    %c0_i32_0 = arith.constant 0 : i32
    %c0_i32_1 = arith.constant 0 : i32
    return %c0_i32, %arg0, %c0_i32_0 : i32, i32, i32
  }
  func.func @transform_1(%arg0: i32) -> (i32, i32) {
    %c0_i32 = arith.constant 0 : i32
    %c0_i32_0 = arith.constant 0 : i32
    return %arg0, %c0_i32 : i32, i32
  }
}

</mosaic_0001>

<sc_bundles>
// kernel: kernel.11.cloned.1.call-start
scs
__scs_entry_jumppad:
0x0: {  	(pc) =	sbr.rel $0x88, $3  }
0x1: {  	(tag) =	ssettag $0x0;
	lr =	simm.s32 $0x1  }
0x2: {  	[smem:$0x3F98] =	sst lr;
	_ =	strace $0xD0000000  }
0x3: {  	_ = 	snop  }
0x4: {  	_ = 	snop  }
0x5: {  	_ = 	snop  }
0x6: {  	_ = 	snop  }
0x7: {  	_ = 	snop  }
__scs_overlays_trampoline_lowered:
0x8: {  	[smem:$0x3FA7] =	sst s0  }
0x9: {  	[smem:$0x3FA8] =	sst s1  }
0xa: {  	[smem:$0x3FA9] =	sst s2  }
0xb: {  	[smem:$0x3FAA] =	sst s3  }
0xc: {  	[smem:$0x3FAB] =	sst s4  }
0xd: {  	[smem:$0x3FAC] =	sst s5  }
0xe: {  	[smem:$0x3FAD] =	sst s6  }
0xf: {  	[smem:$0x3FAE] =	sst s7  }
0x10: {  	[smem:$0x3FAF] =	sst s8  }
0x11: {  	[smem:$0x3FB0] =	sst s9;
	s0 =	simm.s32 @!p0 $0x0  }
0x12: {  	s1 =	sld [smem:$0x3F96];
	s0 =	simm.s32 @p0 $0x1  }
0x13: {  	[smem:$0x3FB1] =	sst s0;
	s0 =	simm.s32 @!p1 $0x0  }
0x14: {  	s2 =	sld [smem:$0x3F95];
	s0 =	simm.s32 @p1 $0x1  }
0x15: {  	[smem:$0x3FB2] =	sst s0;
	s0 =	simm.s32 @!p2 $0x0  }
0x16: {  	s3 =	sld [smem:$0x3FDB];
	s0 =	simm.s32 @p2 $0x1  }
0x17: {  	s4 =	simm.s32 $0x1BF5;
	[smem:$0x3FB4] =	sst s0  }
0x18: {  	s0 =	sld [smem:$0x3F97];
	_ =	swait.ge [sflag:s4], $0x0  }
0x19: {  	s7 =	sld [smem:$0x3F98]  }
0x1a: {  	s8 =	sadd.s32 $0xFFFFE003, lr  }
0x1b: {  	s9 =	sadd.s32 $0xFFFFFEF7, lr;
	s5 =	simm.s32 $0xFFFFFFFF;
	p2 =	slt.u32 s8, $0xFFFFF086  }
0x1c: {  	p1 =	slt.u32 s9, $0xF7A;
	s5 =	simm.s32 @!p2 $0x0  }
0x1d: {  	s5 =	simm.s32 @p1 $0x1;
	p0 =	seq.s32 s7, s2  }
0x1e: {  	s7 =	smul.u32 @!p0 $0xF7A, s2;
	p2 =	seq.s32 @!p0 s5, $0x0  }
0x1f: {  	s9 =	smul.u32 $0xF7A, s1;
	s8 =	simm.s32 @!p0 $0x1BF5;
	p2 =	por !p2, p0  }
0x20: {  	[sflag:s8] =	ssyncset.s32 @!p0 $0xFFFFF086;
	s6 =	sadd.s32 @!p0 s3, s7;
	s7 =	simm.s32 @!p0 $0x108  }
0x21: {  	s3 =	sadd.s32 s3, s9;
	s6 =	sadd.s32 @!p0 $0x88, s6;
	s7 =	simm.s32 @p2 $0x1082  }
0x22: {  	[simem:s7], [sflag:s8] =	dma.local @!p0 [hbm:s6], $0xF7A  }
0x23: {  	s9 =	sor.u32 $0xD0000000, s2;
	s6 =	simm.s32 $0x108;
	_ =	swait.ge @!p0 [sflag:s8], $0x0  }
0x24: {  	s3 =	sadd.s32 $0x88, s3;
	s6 =	simm.s32 @!p1 $0x1082;
	[sflag:s4] =	ssyncset.s32 $0xFFFFF086  }
0x25: {  	[simem:s6], [sflag:s4] =	dma.local [hbm:s3], $0xF7A  }
0x26: {  	[smem:$0x3F98] =	sst s1;
	(tag) =	ssettag s2;
	_ =	strace s9  }
0x27: {  	s1 =	sld [smem:$0x3FA8]  }
0x28: {  	s2 =	sld [smem:$0x3FA9]  }
0x29: {  	s4 =	sld [smem:$0x3FAB]  }
0x2a: {  	p0 =	seq.s32 s5, $0x0;
	s5 =	sld [smem:$0x3FAC]  }
0x2b: {  	s6 =	sld [smem:$0x3FAD]  }
0x2c: {  	s7 =	sld [smem:$0x3FAE]  }
0x2d: {  	s3 =	simm.s32 $0x108;
	s8 =	sld [smem:$0x3FAF]  }
0x2e: {  	s3 =	simm.s32 @!p0 $0x1082;
	s9 =	sld [smem:$0x3FB0]  }
0x2f: {  	lr =	sadd.s32 s0, s3;
	s0 =	sld [smem:$0x3FA7]  }
0x30: {  	s3 =	sld [smem:$0x3FAA]  }
0x31: {  	[smem:$0x3FB3] =	sst s10  }
0x32: {  	s10 =	sld [smem:$0x3FB1];
	_ =	sdelay $0x3  }
0x33: {  	p0 =	seq.s32 s10, $0x1;
	s10 =	sld [smem:$0x3FB3];
	_ =	sdelay $0x3  }
0x34: {  	[smem:$0x3FB3] =	sst s10  }
0x35: {  	s10 =	sld [smem:$0x3FB2];
	_ =	sdelay $0x3  }
0x36: {  	p1 =	seq.s32 s10, $0x1;
	s10 =	sld [smem:$0x3FB3];
	_ =	sdelay $0x3  }
0x37: {  	[smem:$0x3FB3] =	sst s10  }
0x38: {  	s10 =	sld [smem:$0x3FB4]  }
0x39: {  	_ = 	snop;
	(pc) =	sbr.ind lr, $3  }
0x3a: {  	_ = 	snop  }
0x3b: {  	_ = 	snop  }
0x3c: {  	p2 =	seq.s32 s10, $0x1;
	s10 =	sld [smem:$0x3FB3]  }
0x3d: {  	_ =	shalt  }
0x3e: {  	_ =	shalt  }
0x3f: {  	_ =	shalt  }
0x40: {  	_ =	shalt  }
0x41: {  	_ =	shalt  }
0x42: {  	_ =	shalt  }
0x43: {  	_ =	shalt  }
0x44: {  	_ =	shalt  }
0x45: {  	_ =	shalt  }
0x46: {  	_ =	shalt  }
0x47: {  	_ =	shalt  }
0x48: {  	_ =	shalt  }
0x49: {  	_ =	shalt  }
0x4a: {  	_ =	shalt  }
0x4b: {  	_ =	shalt  }
0x4c: {  	_ =	shalt  }
0x4d: {  	_ =	shalt  }
0x4e: {  	_ =	shalt  }
0x4f: {  	_ =	shalt  }
0x50: {  	_ =	shalt  }
0x51: {  	_ =	shalt  }
0x52: {  	_ =	shalt  }
0x53: {  	_ =	shalt  }
0x54: {  	_ =	shalt  }
0x55: {  	_ =	shalt  }
0x56: {  	_ =	shalt  }
0x57: {  	_ =	shalt  }
0x58: {  	_ =	shalt  }
0x59: {  	_ =	shalt  }
0x5a: {  	_ =	shalt  }
0x5b: {  	_ =	shalt  }
0x5c: {  	_ =	shalt  }
0x5d: {  	_ =	shalt  }
0x5e: {  	_ =	shalt  }
0x5f: {  	_ =	shalt  }
0x60: {  	_ =	shalt  }
0x61: {  	_ =	shalt  }
0x62: {  	_ =	shalt  }
0x63: {  	_ =	shalt  }
0x64: {  	_ =	shalt  }
0x65: {  	_ =	shalt  }
0x66: {  	_ =	shalt  }
0x67: {  	_ =	shalt  }
0x68: {  	_ =	shalt  }
0x69: {  	_ =	shalt  }
0x6a: {  	_ =	shalt  }
0x6b: {  	_ =	shalt  }
0x6c: {  	_ =	shalt  }
0x6d: {  	_ =	shalt  }
0x6e: {  	_ =	shalt  }
0x6f: {  	_ =	shalt  }
0x70: {  	_ =	shalt  }
0x71: {  	_ =	shalt  }
0x72: {  	_ =	shalt  }
0x73: {  	_ =	shalt  }
0x74: {  	_ =	shalt  }
0x75: {  	_ =	shalt  }
0x76: {  	_ =	shalt  }
0x77: {  	_ =	shalt  }
0x78: {  	_ =	shalt  }
0x79: {  	_ =	shalt  }
0x7a: {  	_ =	shalt  }
0x7b: {  	_ =	shalt  }
0x7c: {  	_ =	shalt  }
0x7d: {  	_ =	shalt  }
0x7e: {  	_ =	shalt  }
0x7f: {  	_ =	shalt  }
0x80: {  	_ =	shalt  }
0x81: {  	_ =	shalt  }
0x82: {  	_ =	shalt  }
0x83: {  	_ =	shalt  }
0x84: {  	_ =	shalt  }
0x85: {  	_ =	shalt  }
0x86: {  	_ =	shalt  }
0x87: {  	_ =	shalt  }
.Lfunc_end0:
.L_simem_size_0:
called_computation.1_lowered:
.L_overlay_start_0:
0x88: {  	s2 =	sld [smem:$0x3FD9]  }
0x89: {  	s3 =	sld [smem:$0x3FFE];
	_ =	sdelay $0x1  }
0x8a: {  	s1 =	srdreg.scid  }
0x8b: {  	s0 =	sand.u32 $0x1, s1  }
0x8c: {  	s14 =	sshll.u32 s0, $0xA;
	s2 =	sadd.s32 s3, s2  }
0x8d: {  	s2 =	sadd.s32 s2, s14  }
0x8e: {  	[smem:$0x3FBF] =	sst s2  }
0x8f: {  	_ = 	snop  }
0x90: {  	s2 =	sld [smem:$0x3FD0];
	_ =	sdelay $0x2  }
0x91: {  	s15 =	simm.s32 $0xA;
	s4 =	simm.s32 $0x10  }
0x92: {  	[smem:s4], [sflag:s15] =	dma.local [hbm:s2], $0x1  }
0x93: {  	_ =	swait.eq [sflag:s15], $0x1  }
0x94: {  	[sflag:s15] =	ssyncset.done $0x0  }
0x95: {  	s16 =	sld [smem:$0x10];
	[sflag:s15] =	ssyncadd.s32 $0xFFFFFFFF  }
0x96: {  	s17 =	sld [smem:$0x11];
	(tm) =	ssettm $0x1  }
0x97: {  	s18 =	sld [smem:$0x3FFB];
	_ =	sdelay $0x3  }
0x98: {  	_ =	strace s18  }
0x99: {  	s4 =	sld [smem:$0x3FFC];
	_ =	sdelay $0x3  }
0x9a: {  	_ =	strace s4  }
0x9b: {  	s4 =	sld [smem:$0x3FFD];
	_ =	sdelay $0x3  }
0x9c: {  	_ =	strace s4  }
0x9d: {  	_ =	strace $0x8FFFFFFF  }
0x9e: {  	s19 =	sld [smem:$0x3FDB];
	_ =	sdelay $0x1  }
0x9f: {  	s5 =	simm.s32 $_scs_section_size  }
0xa0: {  	s6 =	simm.s32 $_size__tile_overlayer_lowered;
	s7 =	simm.s32 $_tile_overlayer_lowered  }
0xa1: {  	s22 =	simm.s32 $0x1BFF;
	s21 =	sshll.u32 s7, $0x1;
	s4 =	sadd.s32 s5, s19  }
0xa2: {  	s8 =	simm.s32 $0x0;
	s20 =	sshll.u32 s6, $0x1;
	s6 =	sadd.s32 s21, s4  }
0xa3: {  	[timem:s8], [sflag:s22] =	dma.local [hbm:s6], s20  }
0xa4: {  	_ =	swait.ge [sflag:s22], s20  }
0xa5: {  	s5 =	ssub.s32 $0x0, s20;
	[sflag:s22] =	ssyncset.done $0x0  }
0xa6: {  	[sflag:s22] =	ssyncadd.s32 s5;
	_ =	sdelay $0x1  }
0xa7: {  	s23 =	simm.s32 $0x1B8B  }
0xa8: {  	_ =	swait.ge [sflag:s23], $0x1  }
0xa9: {  	[sflag:s23] =	ssyncset.done $0x0  }
0xaa: {  	s25 =	simm.s32 $0x1B8E;
	s24 =	sld [smem:$0x3FFE];
	[sflag:s23] =	ssyncadd.s32 $0xFFFFFFFF  }
0xab: {  	s26 =	simm.s32 $execute0_lowered;
	[smem:$0x3FD2] =	sst s25  }
0xac: {  	s6 =	sshll.u32 s26, $0x1;
	_ =	strace $0x80000049;
	[dreg:$0x1] =	wrdreg $0xFFFFFFFF  }
0xad: {  	s28 =	simm.s32 $_size_execute0_lowered;
	s4 =	sadd.s32 s4, s6;
	[dreg:$0x0] =	wrdreg $0x0  }
0xae: {  	s6 =	sshll.u32 s28, $0x1;
	[dreg:$0x2] =	wrdreg s4  }
0xaf: {  	[dreg:$0x3] =	wrdreg s6  }
0xb0: {  	[dreg:$0x4] =	wrdreg $0xC0  }
0xb1: {  	_ =	task [dreg:s8], $0x5FFFF  }
0xb2: {  	[dreg:$0x1] =	wrdreg $0xFFFFFFFF  }
0xb3: {  	[dreg:$0x0] =	wrdreg $0x60  }
0xb4: {  	[dreg:$0x2] =	wrdreg s17  }
0xb5: {  	[dreg:$0x3] =	wrdreg s24  }
0xb6: {  	[dreg:$0x4] =	wrdreg s16  }
0xb7: {  	[dreg:$0x5] =	wrdreg $0x0  }
0xb8: {  	[dreg:$0x6] =	wrdreg $0x2800  }
0xb9: {  	[dreg:$0x7] =	wrdreg $0x9  }
0xba: {  	_ =	task.clear_ibuf [dreg:s8], $0x8FFFF;
	_ =	strace $0x90000049  }
0xbb: {  	s29 =	simm.s32 $0x9;
	_ =	strace $0x8000004B  }
0xbc: {  	_ =	swait.ge [sflag:s29], $0x1  }
0xbd: {  	[sflag:s29] =	ssyncadd.s32 $0xFFFFFFFF  }
0xbe: {  	_ =	strace $0x9000004B  }
0xbf: {  	_ =	sfence  }
0xc0: {  	s30 =	sld [smem:$0x0];
	_ =	sdelay $0x2  }
0xc1: {  	s31 =	sshll.u32 s1, $0xD;
	s1 =	sshrl.u32 s1, $0x2  }
0xc2: {  	s3 =	sand.u32 $0x4000, s31;
	s1 =	sadd.s32 s1, s30  }
0xc3: {  	s0 =	sor.u32 s3, s0;
	s1 =	sshll.u32 s1, $0x11  }
0xc4: {  	s0 =	sor.u32 s1, s0  }
0xc5: {  	s0 =	sadd.s32 $0x8F2B, s0  }
0xc6: {  	[sflag:s0] =	ssyncadd.remote.s32 $0x1  }
0xc7: {  	_ =	sfence.sel $0xFFFF  }
0xc8: {  	[dreg:$0x0] =	wrdreg $0xFFFFFFFF;
	(pc) =	sbr.abs _section_cstart, $3  }
0xc9: {  	[dreg:$0x1] =	wrdreg $0xFFFFFFFF  }
0xca: {  	_ =	task.clear_ibuf [dreg:s8], $0x2FFFF;
	_ =	strace $0x9FFFFFFF  }
0xcb: {  	(tm) =	ssettm $0x7FFFFFFF  }
tec
execute0_lowered:
.L_overlay_start_1:
0x0: {  	(tag) =	ssettag $0x1  }
0x1: {  	s9 =	rddreg [dreg:$0x0]  }
0x2: {  	s6 =	rddreg [dreg:$0x1]  }
0x3: {  	s1 =	rddreg [dreg:$0x2]  }
0x4: {  	s2 =	rddreg [dreg:$0x3]  }
0x5: {  	s3 =	rddreg [dreg:$0x4];
	s10 =	stileid.u32  }
0x6: {  	s4 =	srdreg.scid;
	s0 =	rddreg [dreg:$0x5]  }
0x7: {  	s15 =	simm.s32 $0xCD0;
	s16 =	simm.s32 $0x7D0;
	s17 =	simm.s32 $0x14A0  }
0x8: {  	s18 =	simm.s32 $0x1;
	s21 =	simm.s32 $0xB8B0;
	s22 =	simm.s32 $0x91A0  }
0x9: {  	s23 =	simm.s32 $0xDFC0;
	s24 =	simm.s32 $0x0;
	s5 =	sand.u32 $0x1, s4  }
0xa: {  	s7 =	sshll.u32 s10, $0x1;
	s4 =	simm.s32 $0x0;
	s11 =	smul.u32 $0x9C4, s10  }
0xb: {  	p0 =	sne.s32 s10, $0x0;
	s7 =	sor.u32 s5, s7;
	[smem:$0x7FF] =	sst s4  }
0xc: {  	s31 =	ssub.s32 $0x2, s5;
	s5 =	sadd.s32 $0x2A00, s6;
	s19 =	smul.u32 $0x2710, s7  }
0xd: {  	_ =	strace $0x8000004A;
	s12 =	sadd.s32 s11, s6;
	s13 =	sshrl.u32 s31, $0x1  }
0xe: {  	s13 =	ssub.s32 s31, s13;
	s10 =	sadd.s32 $0xC800, s12;
	s12 =	sshrl.u32 @!p0 s3, $0x3  }
0xf: {  	s8 =	sshrl.u32 s19, $0x3;
	s20 =	sadd.s32 $0x2710, s19;
	v0 =	vmov s19;
	s19 =	simm.s32 $0x1C70  }
0x10: {  	s14 =	sadd.s32 s8, s6;
	s6 =	sadd.s32 s9, s8;
	s8 =	smax.u32 s13, $0x1  }
0x11: {  	v2 =	vimm.s32 $0x1;
	s9 =	sadd.s32 s11, s9;
	s11 =	sshrl.u32 @!p0 s2, $0x3;
	s13 =	simm.s32 $0x500  }
0x12: {  	v3 =	vimm.s32 $0xF;
	v4 =	vlaneseq.u32;
	v1 =	vmov s20;
	s20 =	simm.s32 $0x4380;
	s7 =	sadd.s32 $0x14EE00, s14;
	s14 =	simm.s32 $0x2  }
.LBB2_1:
0x13: {  	s25 =	simm.s32 @!p0 $0x1C02;
	s26 =	simm.s32 @!p0 $0x2  }
0x14: {  	[spmem:s11], [sflag:s25] =	dma.local @!p0 [hbm:s1], $0x500  }
0x15: {  	_ =	swait.ge @!p0 [sflag:s26], $0x500  }
0x16: {  	[sflag:s26] =	ssyncset.done @!p0 $0x0  }
0x17: {  	[sflag:s26] =	ssyncadd.s32 @!p0 $0xFFFFFB00  }
0x18: {  	[spmem:s12], [sflag:s25] =	dma.local @!p0 [hbm:s5], $0x500  }
0x19: {  	_ =	swait.ge @!p0 [sflag:s26], $0x500  }
0x1a: {  	[sflag:s26] =	ssyncset.done @!p0 $0x0  }
0x1b: {  	s25 =	simm.s32 $0x40;
	[sflag:s26] =	ssyncadd.s32 @!p0 $0xFFFFFB00;
	s26 =	simm.s32 $0x0  }
.LBB2_2:
0x1c: {  	p1 =	sne.s32 s25, $0x1F00;
	[tilespmem:s26+$0x14A0] =	vst v2;
	s26 =	smov.u32 s25;
	s25 =	sadd.s32 $0x40, s25  }
.Ltmp0:
0x1d: {  	(pc) =	sbr.rel @p1 .LBB2_2-.Ltmp0, $2  }
0x1e: {  	_ =	sdelay $0x2  }
0x1f: {  	s26 =	sshra.s32 s26, $0x2  }
0x20: {  	[tilespmem:s26+$0x14A0] =	vst v2  }
0x21: {  	s25 =	sadd.s32 $0x0, s10;
	[bflag:$0x0] =	sbarrier.arrive $0xFFFF  }
0x22: {  	[tilespmem:s13], [sflag:$0x2] =	stream.linear.gather [hbm4b:s25+s4], $0x7D0, $0x38;
	[tilespmem:$0x106D0] =	vst v63  }
0x23: {  	_ =	swait.ge [sflag:s14], $0x7D0  }
0x24: {  	[sflag:s14] =	ssyncset.done $0x0  }
0x25: {  	s31 =	sadd.s32 $0x0, s9;
	[sflag:s14] =	ssyncadd.s32 $0xFFFFF830  }
0x26: {  	[tilespmem:s15], [sflag:$0x2] =	stream.linear.gather [hbm4b:s31+s4], $0x7D0, $0x38;
	[tilespmem:$0x106D0] =	vst v63  }
0x27: {  	_ =	swait.ge [sflag:s14], $0x7D0  }
0x28: {  	[sflag:s14] =	ssyncset.done $0x0  }
0x29: {  	[sflag:s14] =	ssyncadd.s32 $0xFFFFF830  }
0x2a: {  	[spmem:s2] =	stream.indirect.scatter.add.f32 [tilespmem:s15], [sflag:$0x1], $0x1, s13, s16, $0xb8;
	[tilespmem:$0x106D0] =	vst v63  }
0x2b: {  	_ = 	snop  }
0x2c: {  	[spmem:s3] =	stream.indirect.scatter.add.s32 [tilespmem:s17], [sflag:$0x1], $0x1, s13, s16, $0xb8;
	[tilespmem:$0x106D0] =	vst v63  }
0x2d: {  	_ =	swait.ge [sflag:s18], $0x7D0  }
0x2e: {  	[sflag:s18] =	ssyncset.done $0x0  }
0x2f: {  	[sflag:s18] =	ssyncadd.s32 $0xFFFFF830  }
0x30: {  	_ =	swait.ge [sflag:s18], $0x7D0  }
0x31: {  	s26 =	simm.s32 $0x1F4;
	s25 =	simm.s32 $0xFA;
	[sflag:s18] =	ssyncset.done $0x0  }
.LBB2_4:
0x32: {  	s28 =	sadd.s32 s25, s10  }
0x33: {  	[sflag:s18] =	ssyncadd.s32 $0xFFFFF830;
	s29 =	smov.u32 s26;
	s30 =	sadd.s32 $0xFA, s26  }
0x34: {  	[tilespmem:s13], [sflag:$0x2] =	stream.linear.gather [hbm4b:s28+s4], $0x7D0, $0x38;
	[tilespmem:$0x106D0] =	vst v63  }
0x35: {  	p1 =	sne.s32 s26, $0x8CA;
	_ =	swait.ge [sflag:s14], $0x7D0  }
0x36: {  	[sflag:s14] =	ssyncset.done $0x0  }
0x37: {  	s26 =	sadd.s32 s25, s9;
	s25 =	smov.u32 s29;
	[sflag:s14] =	ssyncadd.s32 $0xFFFFF830  }
0x38: {  	[tilespmem:s15], [sflag:$0x2] =	stream.linear.gather [hbm4b:s26+s4], $0x7D0, $0x38;
	[tilespmem:$0x106D0] =	vst v63  }
0x39: {  	_ =	swait.ge [sflag:s14], $0x7D0  }
0x3a: {  	[sflag:s14] =	ssyncset.done $0x0  }
0x3b: {  	[sflag:s14] =	ssyncadd.s32 $0xFFFFF830  }
0x3c: {  	[spmem:s2] =	stream.indirect.scatter.add.f32 [tilespmem:s15], [sflag:$0x1], $0x1, s13, s16, $0xb8;
	[tilespmem:$0x106D0] =	vst v63  }
0x3d: {  	_ = 	snop  }
0x3e: {  	[spmem:s3] =	stream.indirect.scatter.add.s32 [tilespmem:s17], [sflag:$0x1], $0x1, s13, s16, $0xb8;
	[tilespmem:$0x106D0] =	vst v63  }
.Ltmp1:
0x3f: {  	_ =	swait.ge [sflag:s18], $0x7D0;
	(pc) =	sbr.rel @p1 .LBB2_4-.Ltmp1, $4  }
0x40: {  	[sflag:s18] =	ssyncset.done $0x0  }
0x41: {  	[sflag:s18] =	ssyncadd.s32 $0xFFFFF830  }
0x42: {  	_ =	swait.ge [sflag:s18], $0x7D0  }
0x43: {  	s26 =	smov.u32 s30;
	[sflag:s18] =	ssyncset.done $0x0  }
0x44: {  	s26 =	sadd.s32 s25, s10;
	[sflag:s18] =	ssyncadd.s32 $0xFFFFF830  }
0x45: {  	[tilespmem:s13], [sflag:$0x2] =	stream.linear.gather [hbm4b:s26+s4], $0x7D0, $0x38;
	[tilespmem:$0x106D0] =	vst v63  }
0x46: {  	_ =	swait.ge [sflag:s14], $0x7D0  }
0x47: {  	[sflag:s14] =	ssyncset.done $0x0  }
0x48: {  	s31 =	sadd.s32 s25, s9;
	[sflag:s14] =	ssyncadd.s32 $0xFFFFF830  }
0x49: {  	[tilespmem:s15], [sflag:$0x2] =	stream.linear.gather [hbm4b:s31+s4], $0x7D0, $0x38;
	[tilespmem:$0x106D0] =	vst v63  }
0x4a: {  	_ =	swait.ge [sflag:s14], $0x7D0  }
0x4b: {  	[sflag:s14] =	ssyncset.done $0x0  }
0x4c: {  	[sflag:s14] =	ssyncadd.s32 $0xFFFFF830  }
0x4d: {  	[spmem:s2] =	stream.indirect.scatter.add.f32 [tilespmem:s15], [sflag:$0x1], $0x1, s13, s16, $0xb8;
	[tilespmem:$0x106D0] =	vst v63  }
0x4e: {  	_ = 	snop  }
0x4f: {  	[spmem:s3] =	stream.indirect.scatter.add.s32 [tilespmem:s17], [sflag:$0x1], $0x1, s13, s16, $0xb8;
	[tilespmem:$0x106D0] =	vst v63  }
0x50: {  	_ =	swait.ge [sflag:s18], $0x7D0  }
0x51: {  	[sflag:s18] =	ssyncset.done $0x0  }
0x52: {  	[sflag:s18] =	ssyncadd.s32 $0xFFFFF830  }
0x53: {  	_ =	swait.ge [sflag:s18], $0x7D0  }
0x54: {  	[sflag:s18] =	ssyncset.done $0x0  }
0x55: {  	[sflag:s18] =	ssyncadd.s32 $0xFFFFF830  }
0x56: {  	[bflag:$0x0] =	sbarrier.arrive $0xFFFF  }
0x57: {  	[tilespmem:s19], [sflag:$0x2] =	stream.linear.gather [spmem:s2], $0x2710, $0x38;
	[tilespmem:$0x106D0] =	vst v63  }
0x58: {  	_ =	swait.ge [sflag:s14], $0x2710  }
0x59: {  	[sflag:s14] =	ssyncset.done $0x0  }
0x5a: {  	[sflag:s14] =	ssyncadd.s32 $0xFFFFD8F0  }
0x5b: {  	[tilespmem:s20], [sflag:$0x2] =	stream.linear.gather [spmem:s3], $0x2710, $0x38;
	[tilespmem:$0x106D0] =	vst v63  }
0x5c: {  	_ =	swait.ge [sflag:s14], $0x2710  }
0x5d: {  	[sflag:s14] =	ssyncset.done $0x0  }
0x5e: {  	s25 =	simm.s32 $0x0;
	[sflag:s14] =	ssyncadd.s32 $0xFFFFD8F0  }
0x5f: {  	v6 =	vld [tilespmem:s25+$0x4380];
	_ =	sdelay $0x4  }
0x60: {  	s26 =	simm.s32 $0x10;
	(xrf0) =	vadd.scan.msk.s32 $0xffff, v6  }
0x61: {  	v8 =	vld [tilespmem:s26+$0x4380];
	_ =	sdelay $0x4  }
0x62: {  	v5 =	vimm.s32 $0x0;
	s28 =	simm.s32 $0x20;
	v9, _, _ =	vpop (xrf0);
	(xrf0) =	vadd.scan.msk.s32 $0xffff, v8  }
0x63: {  	s29 =	simm.s32 $0xC0;
	v7 =	vld [tilespmem:s28+$0x4380];
	v9 =	vadd.s32 v5, v9  }
.LBB2_6:
0x64: {  	p1 =	sne.s32 s29, $0x9C00;
	v10 =	vsub.s32 v9, v6;
	v9 =	vperm.xlane v9, v3;
	v6 =	vmov v8;
	s30 =	smov.u32 s29;
	s29 =	sadd.s32 $0x40, s29  }
.Ltmp2:
0x65: {  	[tilespmem:s25+$0x6A90] =	vst v10;
	vm0 =	vle.s32 v10, v0;
	s25 =	smov.u32 s26;
	s26 =	smov.u32 s28;
	(pc) =	sbr.rel @p1 .LBB2_6-.Ltmp2, $3  }
0x66: {  	v11 =	vmpcnt.ones.xlane vm0;
	_ =	sdelay $0x1  }
0x67: {  	s28 =	sshra.s32 s30, $0x2;
	(xrf0) =	vadd.scan.msk.s32 $0xffff, v7;
	v10, _, _ =	vpop (xrf0);
	v5 =	vadd.s32 v5, v11;
	v8 =	vmov v7  }
0x68: {  	v7 =	vld [tilespmem:s28+$0x4380];
	v9 =	vadd.s32 v9, v10  }
0x69: {  	_ =	sdelay $0x3  }
0x6a: {  	(xrf0) =	vadd.scan.msk.s32 $0xffff, v7;
	_ =	sdelay $0x1  }
0x6b: {  	v10 =	vperm.xlane v9, v3  }
0x6c: {  	v11, _, _ =	vpop (xrf0)  }
0x6d: {  	v10 =	vadd.s32 v10, v11  }
0x6e: {  	v11 =	vperm.xlane v10, v3  }
0x6f: {  	v6 =	vsub.s32 v9, v6;
	v60, _, _ =	vpop (xrf0)  }
0x70: {  	vm0 =	vle.s32 v6, v0;
	v8 =	vsub.s32 v10, v8;
	v9 =	vadd.s32 v11, v60  }
0x71: {  	v61 =	vmpcnt.ones.xlane vm0;
	vm14 =	vle.s32 v8, v0;
	v7 =	vsub.s32 v9, v7  }
0x72: {  	v62 =	vmpcnt.ones.xlane vm14;
	vm15 =	vle.s32 v7, v0  }
0x73: {  	v5 =	vadd.s32 v5, v61;
	v63 =	vmpcnt.ones.xlane vm15  }
0x74: {  	v5 =	vadd.s32 v5, v62  }
0x75: {  	v5 =	vadd.s32 v5, v63  }
0x76: {  	v5 =	vxor.u32 $0x80000000, v5  }
0x77: {  	(xrf0) =	vmax.scan.msk.u32 $0xffff, v5;
	_ =	sdelay $0x5  }
0x78: {  	v5, _, _ =	vpop (xrf0)  }
0x79: {  	(v2sf) =	vpush v5, $0xF;
	_ =	sdelay $0xa  }
0x7a: {  	[tilespmem:s25+$0x6A90] =	vst v6  }
0x7b: {  	[tilespmem:s26+$0x6A90] =	vst v8  }
0x7c: {  	s25 =	simm.s32 $0x0;
	[tilespmem:s28+$0x6A90] =	vst v7  }
0x7d: {  	[tilespmem:s21], [sflag:$0x2] =	stream.linear.gather [hbm4b:s6+s25], $0x2710, $0x38;
	[tilespmem:$0x106D0] =	vst v63  }
0x7e: {  	s31 =	spop (v2sf)  }
0x7f: {  	_ =	swait.ge [sflag:s14], $0x2710  }
0x80: {  	s26 =	sadd.s32 $0x7FFFFFFF, s31;
	[sflag:s14] =	ssyncset.done $0x0  }
0x81: {  	v5 =	vmov s26;
	s26 =	simm.s32 $0x0;
	[sflag:s14] =	ssyncadd.s32 $0xFFFFD8F0  }
.LBB2_8:
0x82: {  	p1 =	sne.s32 s26, $0x9C00  }
.Ltmp3:
0x83: {  	_ = 	snop;
	(pc) =	sbr.rel @p1 .LBB2_8-.Ltmp3, $3  }
0x84: {  	_ =	sdelay $0x1  }
0x85: {  	s28 =	sshra.s32 s26, $0x2  }
0x86: {  	s26 =	sadd.s32 $0x40, s26;
	[tilespmem:s28+$0x91A0] =	vst v5  }
0x87: {  	s26 =	simm.s32 $0x6A90;
	s28 =	simm.s32 $0x4380  }
.LBB2_10:
0x88: {  	v6 =	vld [tilespmem:s26+$0x0]  }
0x89: {  	v7 =	vld [tilespmem:s28+$0x0];
	_ =	sdelay $0x4  }
0x8a: {  	vm0 =	vgt.s32 v7, $0x0;
	vm1 =	vge.s32 v6, v0  }
0x8b: {  	vm15 =	vlt.s32 v6, v1;
	v7 =	vsub.s32 v6, v0;
	vm0 =	vmand vm1, vm0  }
0x8c: {  	v6 =	vand.u32 $0x7, v6;
	v7 =	vand.u32 $0xFFFFFFF8, v7;
	vm0 =	vmand vm15, vm0  }
0x8d: {  	p1 =	sne.s32 s25, $0x2700;
	v6 =	vor.u32 v6, v7  }
.Ltmp4:
0x8e: {  	_ = 	snop;
	(pc) =	sbr.rel @p1 .LBB2_10-.Ltmp4, $3  }
0x8f: {  	_ =	sdelay $0x1  }
0x90: {  	v7 =	vor.u32 s25, v4  }
0x91: {  	s26 =	sadd.s32 $0x10, s26;
	s28 =	sadd.s32 $0x10, s28;
	s25 =	sadd.s32 $0x10, s25;
	[tilespmem:v6+s22+$0x0] =	vst.idx.msk vm0, v7  }
0x92: {  	s26 =	simm.s32 $0x0  }
0x93: {  	v6 =	vld [tilespmem:s26+$0x91A0];
	_ =	sdelay $0x4  }
0x94: {  	v6 =	vxor.u32 $0x80000000, v6  }
0x95: {  	(xrf0) =	vmax.scan.msk.u32 $0xffff, v6;
	_ =	sdelay $0x5  }
0x96: {  	v6, _, _ =	vpop (xrf0)  }
0x97: {  	v6 =	vxor.u32 $0x80000000, v6  }
0x98: {  	vm0 =	vgt.s32 v6, v5  }
0x99: {  	v5 =	vsel vm0, v6, v5;
	_ =	sdelay $0x1  }
0x9a: {  	s25 =	simm.s32 $0x10  }
0x9b: {  	v6 =	vld [tilespmem:s25+$0x91A0];
	_ =	sdelay $0x1  }
0x9c: {  	v7 =	vld.idx.msk [tilespmem:v5+s19+$0x0], $0xffff;
	_ =	sdelay $0x2  }
0x9d: {  	v6 =	vxor.u32 $0x80000000, v6  }
0x9e: {  	(xrf0) =	vmax.scan.msk.u32 $0xffff, v6  }
0x9f: {  	(erf) = vrcp.f32 v7;
	_ =	sdelay $0x4  }
0xa0: {  	v5 =	vperm.xlane v5, v3;
	v7 =	vld [tilespmem:s26+$0xB8B0];
	v6, _, _ =	vpop (xrf0)  }
0xa1: {  	v6 =	vxor.u32 $0x80000000, v6  }
0xa2: {  	vm15 =	vgt.s32 v6, v5  }
0xa3: {  	v6 =	vsel vm15, v6, v5  }
0xa4: {  	v8 =	vpop (erf)  }
0xa5: {  	v7 =	vmul.f32 v8, v7  }
0xa6: {  	s29 =	simm.s32 $0x20;
	s28 =	simm.s32 $0xC0;
	v5 =	vperm.xlane v6, v3  }
.LBB2_12:
0xa7: {  	p1 =	sne.s32 s28, $0x9C00;
	v8 =	vld [tilespmem:s29+$0x91A0];
	[tilespmem:s26+$0xDFC0] =	vst v7;
	s26 =	smov.u32 s25;
	s25 =	smov.u32 s29  }
0xa8: {  	v6 =	vld.idx.msk [tilespmem:v6+s19+$0x0], $0xffff;
	_ =	sdelay $0x3  }
0xa9: {  	v7 =	vxor.u32 $0x80000000, v8  }
0xaa: {  	(xrf0) =	vmax.scan.msk.u32 $0xffff, v7  }
0xab: {  	(erf) = vrcp.f32 v6;
	_ =	sdelay $0x4  }
0xac: {  	v6, _, _ =	vpop (xrf0);
	v7 =	vld [tilespmem:s26+$0xB8B0]  }
0xad: {  	v6 =	vxor.u32 $0x80000000, v6  }
.Ltmp5:
0xae: {  	vm0 =	vgt.s32 v6, v5;
	(pc) =	sbr.rel @p1 .LBB2_12-.Ltmp5, $4  }
0xaf: {  	v6 =	vsel vm0, v6, v5  }
0xb0: {  	v5 =	vperm.xlane v6, v3;
	v8 =	vpop (erf)  }
0xb1: {  	v7 =	vmul.f32 v8, v7  }
0xb2: {  	s29 =	sshra.s32 s28, $0x2;
	s28 =	sadd.s32 $0x40, s28  }
0xb3: {  	_ =	sdelay $0x1  }
0xb4: {  	v8 =	vld [tilespmem:s29+$0x91A0]  }
0xb5: {  	[tilespmem:s26+$0xDFC0] =	vst v7  }
0xb6: {  	v6 =	vld.idx.msk [tilespmem:v6+s19+$0x0], $0xffff;
	_ =	sdelay $0x2  }
0xb7: {  	v7 =	vxor.u32 $0x80000000, v8  }
0xb8: {  	(xrf0) =	vmax.scan.msk.u32 $0xffff, v7  }
0xb9: {  	(erf) = vrcp.f32 v6;
	_ =	sdelay $0x4  }
0xba: {  	v7 =	vld [tilespmem:s25+$0xB8B0];
	v6, _, _ =	vpop (xrf0)  }
0xbb: {  	v6 =	vxor.u32 $0x80000000, v6  }
0xbc: {  	vm0 =	vgt.s32 v6, v5  }
0xbd: {  	v5 =	vsel vm0, v6, v5  }
0xbe: {  	v6 =	vpop (erf)  }
0xbf: {  	v6 =	vmul.f32 v6, v7;
	_ =	sdelay $0x1  }
0xc0: {  	[tilespmem:s25+$0xDFC0] =	vst v6  }
0xc1: {  	v5 =	vld.idx.msk [tilespmem:v5+s19+$0x0], $0xffff;
	_ =	sdelay $0x4  }
0xc2: {  	(erf) = vrcp.f32 v5;
	_ =	sdelay $0x4  }
0xc3: {  	v5 =	vld [tilespmem:s29+$0xB8B0];
	_ =	sdelay $0x3  }
0xc4: {  	v6 =	vpop (erf)  }
0xc5: {  	s24 =	sadd.s32 $0x1, s24;
	v5 =	vmul.f32 v6, v5  }
0xc6: {  	p1 =	sne.s32 s24, s8  }
.Ltmp6:
0xc7: {  	[tilespmem:s29+$0xDFC0] =	vst v5;
	(pc) =	sbr.rel @p1 .LBB2_1-.Ltmp6, $4  }
0xc8: {  	[hbm4b:s7+s4] =	stream.linear.scatter [tilespmem:s23], [sflag:$0x2], $0x2710, $0x38;
	[tilespmem:$0x106D0] =	vst v63  }
0xc9: {  	_ =	swait.ge [sflag:s14], $0x2710  }
0xca: {  	[sflag:s14] =	ssyncset.done $0x0  }
0xcb: {  	[sflag:s14] =	ssyncadd.s32 $0xFFFFD8F0  }
0xcc: {  	_ =	sfence.sel $0x180000  }
0xcd: {  	[bflag:$0x0] =	sbarrier.arrive $0xFFFF  }
0xce: {  	_ =	strace $0x9000004A  }
0xcf: {  	s0 =	sadd.s32 @!p0 $0x100000, s0;
	[bflag:$0x2] =	sbarrier.arrive $0xFFFF  }
0xd0: {  	[sflag:s0] =	ssyncadd.tile.s32 @!p0 $0x1;
	_ =	shalt  }
.Lfunc_end2:
_tile_overlayer_lowered:
.L_overlay_start_2:
0xd1: {  	(tag) =	ssettag $0x2  }
0xd2: {  	s0 =	rddreg [dreg:$0x0];
	s2 =	stileid.u32  }
0xd3: {  	s1 =	rddreg [dreg:$0x1];
	p0 =	sne.s32 s2, $0x0  }
0xd4: {  	s3 =	rddreg [dreg:$0x2];
	[bflag:$0x3] =	sbarrier.arrive $0xFFFF;
	s2 =	simm.s32 @!p0 $0x1C02  }
0xd5: {  	[timem:s3], [sflag:s2] =	dma.local @!p0 [hbm:s0], s1  }
0xd6: {  	s0 =	simm.s32 @!p0 $0x2  }
0xd7: {  	_ =	swait.ge @!p0 [sflag:s0], s1  }
0xd8: {  	s1 =	ssub.s32 @!p0 $0x0, s1;
	[sflag:s0] =	ssyncset.done @!p0 $0x0  }
0xd9: {  	[sflag:s0] =	ssyncadd.s32 @!p0 s1  }
0xda: {  	[bflag:$0x3] =	sbarrier.arrive $0xFFFF  }
0xdb: {  	_ =	shalt  }

// kernel: kernel.14.cloned.1.call-start
scs
__scs_entry_jumppad:
0x0: {  	(pc) =	sbr.rel $0x88, $3  }
0x1: {  	(tag) =	ssettag $0x0;
	lr =	simm.s32 $0x1  }
0x2: {  	[smem:$0x3F98] =	sst lr;
	_ =	strace $0xD0000000  }
0x3: {  	_ = 	snop  }
0x4: {  	_ = 	snop  }
0x5: {  	_ = 	snop  }
0x6: {  	_ = 	snop  }
0x7: {  	_ = 	snop  }
__scs_overlays_trampoline_lowered:
0x8: {  	[smem:$0x3FA7] =	sst s0  }
0x9: {  	[smem:$0x3FA8] =	sst s1  }
0xa: {  	[smem:$0x3FA9] =	sst s2  }
0xb: {  	[smem:$0x3FAA] =	sst s3  }
0xc: {  	[smem:$0x3FAB] =	sst s4  }
0xd: {  	[smem:$0x3FAC] =	sst s5  }
0xe: {  	[smem:$0x3FAD] =	sst s6  }
0xf: {  	[smem:$0x3FAE] =	sst s7  }
0x10: {  	[smem:$0x3FAF] =	sst s8  }
0x11: {  	[smem:$0x3FB0] =	sst s9;
	s0 =	simm.s32 @!p0 $0x0  }
0x12: {  	s1 =	sld [smem:$0x3F96];
	s0 =	simm.s32 @p0 $0x1  }
0x13: {  	[smem:$0x3FB1] =	sst s0;
	s0 =	simm.s32 @!p1 $0x0  }
0x14: {  	s2 =	sld [smem:$0x3F95];
	s0 =	simm.s32 @p1 $0x1  }
0x15: {  	[smem:$0x3FB2] =	sst s0;
	s0 =	simm.s32 @!p2 $0x0  }
0x16: {  	s3 =	sld [smem:$0x3FDB];
	s0 =	simm.s32 @p2 $0x1  }
0x17: {  	s4 =	simm.s32 $0x1BF5;
	[smem:$0x3FB4] =	sst s0  }
0x18: {  	s0 =	sld [smem:$0x3F97];
	_ =	swait.ge [sflag:s4], $0x0  }
0x19: {  	s7 =	sld [smem:$0x3F98]  }
0x1a: {  	s8 =	sadd.s32 $0xFFFFE003, lr  }
0x1b: {  	s9 =	sadd.s32 $0xFFFFFEF7, lr;
	s5 =	simm.s32 $0xFFFFFFFF;
	p2 =	slt.u32 s8, $0xFFFFF086  }
0x1c: {  	p1 =	slt.u32 s9, $0xF7A;
	s5 =	simm.s32 @!p2 $0x0  }
0x1d: {  	s5 =	simm.s32 @p1 $0x1;
	p0 =	seq.s32 s7, s2  }
0x1e: {  	s7 =	smul.u32 @!p0 $0xF7A, s2;
	p2 =	seq.s32 @!p0 s5, $0x0  }
0x1f: {  	s9 =	smul.u32 $0xF7A, s1;
	s8 =	simm.s32 @!p0 $0x1BF5;
	p2 =	por !p2, p0  }
0x20: {  	[sflag:s8] =	ssyncset.s32 @!p0 $0xFFFFF086;
	s6 =	sadd.s32 @!p0 s3, s7;
	s7 =	simm.s32 @!p0 $0x108  }
0x21: {  	s3 =	sadd.s32 s3, s9;
	s6 =	sadd.s32 @!p0 $0x88, s6;
	s7 =	simm.s32 @p2 $0x1082  }
0x22: {  	[simem:s7], [sflag:s8] =	dma.local @!p0 [hbm:s6], $0xF7A  }
0x23: {  	s9 =	sor.u32 $0xD0000000, s2;
	s6 =	simm.s32 $0x108;
	_ =	swait.ge @!p0 [sflag:s8], $0x0  }
0x24: {  	s3 =	sadd.s32 $0x88, s3;
	s6 =	simm.s32 @!p1 $0x1082;
	[sflag:s4] =	ssyncset.s32 $0xFFFFF086  }
0x25: {  	[simem:s6], [sflag:s4] =	dma.local [hbm:s3], $0xF7A  }
0x26: {  	[smem:$0x3F98] =	sst s1;
	(tag) =	ssettag s2;
	_ =	strace s9  }
0x27: {  	s1 =	sld [smem:$0x3FA8]  }
0x28: {  	s2 =	sld [smem:$0x3FA9]  }
0x29: {  	s4 =	sld [smem:$0x3FAB]  }
0x2a: {  	p0 =	seq.s32 s5, $0x0;
	s5 =	sld [smem:$0x3FAC]  }
0x2b: {  	s6 =	sld [smem:$0x3FAD]  }
0x2c: {  	s7 =	sld [smem:$0x3FAE]  }
0x2d: {  	s3 =	simm.s32 $0x108;
	s8 =	sld [smem:$0x3FAF]  }
0x2e: {  	s3 =	simm.s32 @!p0 $0x1082;
	s9 =	sld [smem:$0x3FB0]  }
0x2f: {  	lr =	sadd.s32 s0, s3;
	s0 =	sld [smem:$0x3FA7]  }
0x30: {  	s3 =	sld [smem:$0x3FAA]  }
0x31: {  	[smem:$0x3FB3] =	sst s10  }
0x32: {  	s10 =	sld [smem:$0x3FB1];
	_ =	sdelay $0x3  }
0x33: {  	p0 =	seq.s32 s10, $0x1;
	s10 =	sld [smem:$0x3FB3];
	_ =	sdelay $0x3  }
0x34: {  	[smem:$0x3FB3] =	sst s10  }
0x35: {  	s10 =	sld [smem:$0x3FB2];
	_ =	sdelay $0x3  }
0x36: {  	p1 =	seq.s32 s10, $0x1;
	s10 =	sld [smem:$0x3FB3];
	_ =	sdelay $0x3  }
0x37: {  	[smem:$0x3FB3] =	sst s10  }
0x38: {  	s10 =	sld [smem:$0x3FB4]  }
0x39: {  	_ = 	snop;
	(pc) =	sbr.ind lr, $3  }
0x3a: {  	_ = 	snop  }
0x3b: {  	_ = 	snop  }
0x3c: {  	p2 =	seq.s32 s10, $0x1;
	s10 =	sld [smem:$0x3FB3]  }
0x3d: {  	_ =	shalt  }
0x3e: {  	_ =	shalt  }
0x3f: {  	_ =	shalt  }
0x40: {  	_ =	shalt  }
0x41: {  	_ =	shalt  }
0x42: {  	_ =	shalt  }
0x43: {  	_ =	shalt  }
0x44: {  	_ =	shalt  }
0x45: {  	_ =	shalt  }
0x46: {  	_ =	shalt  }
0x47: {  	_ =	shalt  }
0x48: {  	_ =	shalt  }
0x49: {  	_ =	shalt  }
0x4a: {  	_ =	shalt  }
0x4b: {  	_ =	shalt  }
0x4c: {  	_ =	shalt  }
0x4d: {  	_ =	shalt  }
0x4e: {  	_ =	shalt  }
0x4f: {  	_ =	shalt  }
0x50: {  	_ =	shalt  }
0x51: {  	_ =	shalt  }
0x52: {  	_ =	shalt  }
0x53: {  	_ =	shalt  }
0x54: {  	_ =	shalt  }
0x55: {  	_ =	shalt  }
0x56: {  	_ =	shalt  }
0x57: {  	_ =	shalt  }
0x58: {  	_ =	shalt  }
0x59: {  	_ =	shalt  }
0x5a: {  	_ =	shalt  }
0x5b: {  	_ =	shalt  }
0x5c: {  	_ =	shalt  }
0x5d: {  	_ =	shalt  }
0x5e: {  	_ =	shalt  }
0x5f: {  	_ =	shalt  }
0x60: {  	_ =	shalt  }
0x61: {  	_ =	shalt  }
0x62: {  	_ =	shalt  }
0x63: {  	_ =	shalt  }
0x64: {  	_ =	shalt  }
0x65: {  	_ =	shalt  }
0x66: {  	_ =	shalt  }
0x67: {  	_ =	shalt  }
0x68: {  	_ =	shalt  }
0x69: {  	_ =	shalt  }
0x6a: {  	_ =	shalt  }
0x6b: {  	_ =	shalt  }
0x6c: {  	_ =	shalt  }
0x6d: {  	_ =	shalt  }
0x6e: {  	_ =	shalt  }
0x6f: {  	_ =	shalt  }
0x70: {  	_ =	shalt  }
0x71: {  	_ =	shalt  }
0x72: {  	_ =	shalt  }
0x73: {  	_ =	shalt  }
0x74: {  	_ =	shalt  }
0x75: {  	_ =	shalt  }
0x76: {  	_ =	shalt  }
0x77: {  	_ =	shalt  }
0x78: {  	_ =	shalt  }
0x79: {  	_ =	shalt  }
0x7a: {  	_ =	shalt  }
0x7b: {  	_ =	shalt  }
0x7c: {  	_ =	shalt  }
0x7d: {  	_ =	shalt  }
0x7e: {  	_ =	shalt  }
0x7f: {  	_ =	shalt  }
0x80: {  	_ =	shalt  }
0x81: {  	_ =	shalt  }
0x82: {  	_ =	shalt  }
0x83: {  	_ =	shalt  }
0x84: {  	_ =	shalt  }
0x85: {  	_ =	shalt  }
0x86: {  	_ =	shalt  }
0x87: {  	_ =	shalt  }
.Lfunc_end0:
.L_simem_size_0:
called_computation.2_lowered:
.L_overlay_start_0:
0x88: {  	s2 =	sld [smem:$0x3FD9]  }
0x89: {  	s3 =	sld [smem:$0x3FFE];
	_ =	sdelay $0x1  }
0x8a: {  	s1 =	srdreg.scid  }
0x8b: {  	s0 =	sand.u32 $0x1, s1  }
0x8c: {  	s14 =	sshll.u32 s0, $0xA;
	s2 =	sadd.s32 s3, s2  }
0x8d: {  	s2 =	sadd.s32 s2, s14  }
0x8e: {  	[smem:$0x3FBF] =	sst s2  }
0x8f: {  	_ = 	snop  }
0x90: {  	s2 =	sld [smem:$0x3FD0];
	_ =	sdelay $0x2  }
0x91: {  	s15 =	simm.s32 $0xA;
	s4 =	simm.s32 $0x10  }
0x92: {  	[smem:s4], [sflag:s15] =	dma.local [hbm:s2], $0x1  }
0x93: {  	_ =	swait.eq [sflag:s15], $0x1  }
0x94: {  	[sflag:s15] =	ssyncset.done $0x0  }
0x95: {  	[sflag:s15] =	ssyncadd.s32 $0xFFFFFFFF  }
0x96: {  	s16 =	sld [smem:$0x11];
	(tm) =	ssettm $0x1  }
0x97: {  	s17 =	sld [smem:$0x3FFB];
	_ =	sdelay $0x3  }
0x98: {  	_ =	strace s17  }
0x99: {  	s3 =	sld [smem:$0x3FFC];
	_ =	sdelay $0x3  }
0x9a: {  	_ =	strace s3  }
0x9b: {  	s3 =	sld [smem:$0x3FFD];
	_ =	sdelay $0x3  }
0x9c: {  	_ =	strace s3  }
0x9d: {  	_ =	strace $0x8FFFFFFF  }
0x9e: {  	s18 =	sld [smem:$0x3FDB];
	_ =	sdelay $0x1  }
0x9f: {  	s19 =	simm.s32 $_scs_section_size  }
0xa0: {  	s5 =	simm.s32 $_size__tile_overlayer_lowered;
	s6 =	simm.s32 $_tile_overlayer_lowered  }
0xa1: {  	s22 =	simm.s32 $0x1BFF;
	s21 =	sshll.u32 s6, $0x1;
	s3 =	sadd.s32 s19, s18  }
0xa2: {  	s7 =	simm.s32 $0x0;
	s20 =	sshll.u32 s5, $0x1;
	s5 =	sadd.s32 s21, s3  }
0xa3: {  	[timem:s7], [sflag:s22] =	dma.local [hbm:s5], s20  }
0xa4: {  	_ =	swait.ge [sflag:s22], s20  }
0xa5: {  	s4 =	ssub.s32 $0x0, s20;
	[sflag:s22] =	ssyncset.done $0x0  }
0xa6: {  	[sflag:s22] =	ssyncadd.s32 s4;
	_ =	sdelay $0x1  }
0xa7: {  	s23 =	simm.s32 $0x1B8B  }
0xa8: {  	_ =	swait.ge [sflag:s23], $0x1  }
0xa9: {  	[sflag:s23] =	ssyncset.done $0x0  }
0xaa: {  	s25 =	simm.s32 $0x1B8E;
	s24 =	sld [smem:$0x3FFE];
	[sflag:s23] =	ssyncadd.s32 $0xFFFFFFFF  }
0xab: {  	s26 =	simm.s32 $execute0_lowered;
	[smem:$0x3FD2] =	sst s25  }
0xac: {  	s5 =	sshll.u32 s26, $0x1;
	_ =	strace $0x8000004C;
	[dreg:$0x1] =	wrdreg $0xFFFFFFFF  }
0xad: {  	s28 =	simm.s32 $_size_execute0_lowered;
	s3 =	sadd.s32 s3, s5;
	[dreg:$0x0] =	wrdreg $0x0  }
0xae: {  	s5 =	sshll.u32 s28, $0x1;
	[dreg:$0x2] =	wrdreg s3  }
0xaf: {  	[dreg:$0x3] =	wrdreg s5  }
0xb0: {  	[dreg:$0x4] =	wrdreg $0xC0  }
0xb1: {  	_ =	task [dreg:s7], $0x5FFFF  }
0xb2: {  	[dreg:$0x1] =	wrdreg $0xFFFFFFFF  }
0xb3: {  	[dreg:$0x0] =	wrdreg $0x60  }
0xb4: {  	[dreg:$0x2] =	wrdreg s24  }
0xb5: {  	[dreg:$0x3] =	wrdreg s16  }
0xb6: {  	[dreg:$0x4] =	wrdreg $0x0  }
0xb7: {  	[dreg:$0x5] =	wrdreg $0x9  }
0xb8: {  	_ =	task.clear_ibuf [dreg:s7], $0x6FFFF;
	_ =	strace $0x9000004C  }
0xb9: {  	s29 =	simm.s32 $0x9;
	_ =	strace $0x8000004E  }
0xba: {  	_ =	swait.ge [sflag:s29], $0x1  }
0xbb: {  	[sflag:s29] =	ssyncadd.s32 $0xFFFFFFFF  }
0xbc: {  	_ =	strace $0x9000004E  }
0xbd: {  	_ =	sfence  }
0xbe: {  	s30 =	sld [smem:$0x0];
	_ =	sdelay $0x2  }
0xbf: {  	s31 =	sshll.u32 s1, $0xD;
	s1 =	sshrl.u32 s1, $0x2  }
0xc0: {  	s3 =	sand.u32 $0x4000, s31;
	s1 =	sadd.s32 s1, s30  }
0xc1: {  	s0 =	sor.u32 s3, s0;
	s1 =	sshll.u32 s1, $0x11  }
0xc2: {  	s0 =	sor.u32 s1, s0  }
0xc3: {  	s0 =	sadd.s32 $0x8F2B, s0  }
0xc4: {  	[sflag:s0] =	ssyncadd.remote.s32 $0x1  }
0xc5: {  	_ =	sfence.sel $0xFFFF  }
0xc6: {  	[dreg:$0x0] =	wrdreg $0xFFFFFFFF;
	(pc) =	sbr.abs _section_cstart, $3  }
0xc7: {  	[dreg:$0x1] =	wrdreg $0xFFFFFFFF  }
0xc8: {  	_ =	task.clear_ibuf [dreg:s7], $0x2FFFF;
	_ =	strace $0x9FFFFFFF  }
0xc9: {  	(tm) =	ssettm $0x7FFFFFFF  }
tec
execute0_lowered:
.L_overlay_start_1:
0x0: {  	(tag) =	ssettag $0x1  }
0x1: {  	s0 =	rddreg [dreg:$0x0]  }
0x2: {  	s1 =	rddreg [dreg:$0x1]  }
0x3: {  	s13 =	rddreg [dreg:$0x2];
	s2 =	simm.s32 $0x0;
	s3 =	srdreg.scid  }
0x4: {  	s14 =	stileid.u32;
	s15 =	simm.s32 $0x3;
	s16 =	simm.s32 $0x2FD0  }
0x5: {  	s18 =	simm.s32 $0x131A0;
	s28 =	simm.s32 $0x16850;
	s29 =	simm.s32 $0x17020  }
0x6: {  	s30 =	simm.s32 $0x177F0;
	s31 =	simm.s32 $0x17FC0;
	s17 =	simm.s32 $0x0  }
0x7: {  	[smem:$0x7FF] =	sst s2;
	s3 =	sand.u32 $0x1, s3;
	s4 =	sadd.s32 $0x16600, s0  }
0x8: {  	s5 =	sadd.s32 $0xB2A00, s0;
	s11 =	smul.u32 $0x2710, s14;
	s6 =	sadd.s32 $0x14EE00, s0  }
0x9: {  	s7 =	sadd.s32 $0xC800, s0;
	s9 =	sadd.s32 $0x2A00, s0;
	s10 =	sadd.s32 $0x158C00, s0  }
0xa: {  	p0 =	sne.s32 s14, $0x0;
	s14 =	simm.s32 $0x2800;
	s8 =	smul.u32 $0x27100, s3  }
0xb: {  	_ =	strace $0x8000004D;
	s3 =	ssub.s32 $0x2, s3;
	[dreg:$0x4] =	wrdreg s9  }
0xc: {  	s12 =	sshrl.u32 s3, $0x1;
	s25 =	sadd.s32 s11, s13;
	s9 =	sadd.s32 s11, s8  }
0xd: {  	v1 =	vlaneseq.u32;
	v0 =	vimm.s32 $0x0;
	v2 =	vimm.s32 $0x1;
	s23 =	ssub.s32 s3, s12;
	s26 =	sshrl.u32 s25, $0x3;
	s3 =	simm.s32 $0x18F60  }
0xe: {  	v3 =	vimm.s32 $0x2;
	v4 =	vimm.s32 $0x3;
	v5 =	vimm.s32 $0x4;
	s8 =	simm.s32 $0x19730;
	s11 =	simm.s32 $0x19F00;
	s12 =	simm.s32 $0x1A6D0  }
0xf: {  	v6 =	vimm.s32 $0x5;
	v7 =	vimm.s32 $0x6;
	v8 =	vimm.s32 $0x7;
	s24 =	sshrl.u32 s9, $0x3;
	s0 =	smax.u32 s23, $0x1;
	[dreg:$0x8] =	wrdreg s26  }
0x10: {  	v9 =	vimm.s32 $0x8;
	v10 =	vimm.s32 $0x9;
	v11 =	vimm.s32 $0xA;
	s25 =	simm.s32 $0x2;
	s1 =	sadd.s32 s1, s24;
	[dreg:$0x6] =	wrdreg s0  }
0x11: {  	v12 =	vimm.s32 $0xB;
	v13 =	vimm.s32 $0xC;
	v14 =	vimm.s32 $0xD;
	s26 =	simm.s32 $0x16080;
	s0 =	sshrl.u32 @!p0 s13, $0x3;
	[dreg:$0x5] =	wrdreg s1  }
0x12: {  	v15 =	vimm.s32 $0xE;
	v16 =	vimm.s32 $0xF;
	v1 =	vmul.u32 $0x7D0, v1;
	s13 =	simm.s32 $0x1;
	[dreg:$0x7] =	wrdreg s0;
	s0 =	simm.s32 $0x18790  }
.LBB2_1:
0x13: {  	[dreg:$0x9] =	wrdreg s17  }
0x14: {  	s17 =	rddreg [dreg:$0x4]  }
0x15: {  	s1 =	simm.s32 @!p0 $0x1C03;
	s19 =	rddreg [dreg:$0x7]  }
0x16: {  	[spmem:s19], [sflag:s1] =	dma.local @!p0 [hbm:s17], $0x5000  }
0x17: {  	s1 =	simm.s32 @!p0 $0x3  }
0x18: {  	_ =	swait.ge @!p0 [sflag:s1], $0x5000  }
0x19: {  	[sflag:s1] =	ssyncset.done @!p0 $0x0  }
0x1a: {  	[sflag:s1] =	ssyncadd.s32 @!p0 $0xFFFFB000  }
0x1b: {  	s1 =	simm.s32 $0x0;
	[bflag:$0x0] =	sbarrier.arrive $0xFFFF  }
.LBB2_2:
0x1c: {  	s17 =	smul.u32 $0x7D0, s1;
	_ =	sdelay $0x1  }
0x1d: {  	s19 =	sadd.s32 s9, s17  }
0x1e: {  	s17 =	sshrl.u32 s19, $0x3  }
0x1f: {  	s20 =	sadd.s32 s7, s17  }
0x20: {  	[tilespmem:s14], [sflag:$0x3] =	stream.linear.gather [hbm4b:s20+s2], $0x7D0, $0x38;
	[tilespmem:$0x1AEA0] =	vst v63  }
0x21: {  	_ =	swait.ge [sflag:s15], $0x7D0  }
0x22: {  	s19 =	sshll.u32 s19, $0x1;
	[sflag:s15] =	ssyncset.done $0x0  }
0x23: {  	s24 =	sadd.s32 s4, s19;
	[sflag:s15] =	ssyncadd.s32 $0xFFFFF830  }
0x24: {  	[tilespmem:s16], [sflag:$0x3] =	stream.linear.gather [hbm4b:s24+s2], $0x7D00, $0x38;
	[tilespmem:$0x1AEA0] =	vst v63  }
0x25: {  	_ =	swait.ge [sflag:s15], $0x7D00  }
0x26: {  	[sflag:s15] =	ssyncset.done $0x0  }
0x27: {  	s21 =	simm.s32 $0xACD0;
	s19 =	sadd.s32 s5, s19;
	[sflag:s15] =	ssyncadd.s32 $0xFFFF8300  }
0x28: {  	[tilespmem:s21], [sflag:$0x3] =	stream.linear.gather [hbm4b:s19+s2], $0x7D00, $0x38;
	[tilespmem:$0x1AEA0] =	vst v63  }
0x29: {  	_ =	swait.ge [sflag:s15], $0x7D00  }
0x2a: {  	[sflag:s15] =	ssyncset.done $0x0  }
0x2b: {  	s22 =	sadd.s32 s6, s17;
	s19 =	simm.s32 $0x129D0;
	[sflag:s15] =	ssyncadd.s32 $0xFFFF8300  }
0x2c: {  	[tilespmem:s19], [sflag:$0x3] =	stream.linear.gather [hbm4b:s22+s2], $0x7D0, $0x38;
	[tilespmem:$0x1AEA0] =	vst v63  }
0x2d: {  	_ =	swait.ge [sflag:s15], $0x7D0  }
0x2e: {  	[sflag:s15] =	ssyncset.done $0x0  }
0x2f: {  	[sflag:s15] =	ssyncadd.s32 $0xFFFFF830  }
0x30: {  	v17 =	vld [tilespmem:s19+$0x0]  }
0x31: {  	s20 =	simm.s32 $0x3050  }
0x32: {  	v18 =	vld [tilespmem:s20+$0xFFFFFF80];
	_ =	sdelay $0x2  }
0x33: {  	v19 =	vperm.xlane v17, v0;
	_ =	sdelay $0x1  }
0x34: {  	v18 =	vmul.f32 v18, v19;
	_ =	sdelay $0x1  }
0x35: {  	s21 =	simm.s32 $0xAD50;
	[tilespmem:s20+$0xFFFFFF80] =	vst v18  }
0x36: {  	v18 =	vld [tilespmem:s21+$0xFFFFFF80]  }
0x37: {  	s22 =	simm.s32 $0x0  }
0x38: {  	v20 =	vadd.s32 s22, v1;
	_ =	sdelay $0x2  }
0x39: {  	v18 =	vmul.f32 v18, v19;
	_ =	sdelay $0x1  }
0x3a: {  	[tilespmem:v20+s18+$0x0] =	vst.idx.msk $0xffff, v18  }
0x3b: {  	v18 =	vld [tilespmem:s20+$0xFFFFFF90];
	_ =	sdelay $0x2  }
0x3c: {  	v19 =	vperm.xlane v17, v2;
	_ =	sdelay $0x1  }
0x3d: {  	v18 =	vmul.f32 v18, v19;
	_ =	sdelay $0x1  }
0x3e: {  	[tilespmem:s20+$0xFFFFFF90] =	vst v18  }
0x3f: {  	v18 =	vld [tilespmem:s21+$0xFFFFFF90]  }
0x40: {  	s23 =	simm.s32 $0x1  }
0x41: {  	v20 =	vadd.s32 s23, v1;
	_ =	sdelay $0x2  }
0x42: {  	v18 =	vmul.f32 v18, v19;
	_ =	sdelay $0x1  }
0x43: {  	[tilespmem:v20+s18+$0x0] =	vst.idx.msk $0xffff, v18  }
0x44: {  	v18 =	vld [tilespmem:s20+$0xFFFFFFA0];
	_ =	sdelay $0x2  }
0x45: {  	v19 =	vperm.xlane v17, v3;
	_ =	sdelay $0x1  }
0x46: {  	v18 =	vmul.f32 v18, v19;
	_ =	sdelay $0x1  }
0x47: {  	[tilespmem:s20+$0xFFFFFFA0] =	vst v18  }
0x48: {  	v18 =	vld [tilespmem:s21+$0xFFFFFFA0]  }
0x49: {  	s24 =	simm.s32 $0x2  }
0x4a: {  	v20 =	vadd.s32 s24, v1;
	_ =	sdelay $0x2  }
0x4b: {  	v18 =	vmul.f32 v18, v19;
	_ =	sdelay $0x1  }
0x4c: {  	[tilespmem:v20+s18+$0x0] =	vst.idx.msk $0xffff, v18  }
0x4d: {  	v18 =	vld [tilespmem:s20+$0xFFFFFFB0];
	_ =	sdelay $0x2  }
0x4e: {  	v19 =	vperm.xlane v17, v4;
	_ =	sdelay $0x1  }
0x4f: {  	v18 =	vmul.f32 v18, v19;
	_ =	sdelay $0x1  }
0x50: {  	[tilespmem:s20+$0xFFFFFFB0] =	vst v18  }
0x51: {  	v18 =	vld [tilespmem:s21+$0xFFFFFFB0]  }
0x52: {  	s23 =	simm.s32 $0x3  }
0x53: {  	v20 =	vadd.s32 s23, v1;
	_ =	sdelay $0x2  }
0x54: {  	v18 =	vmul.f32 v18, v19;
	_ =	sdelay $0x1  }
0x55: {  	[tilespmem:v20+s18+$0x0] =	vst.idx.msk $0xffff, v18  }
0x56: {  	v18 =	vld [tilespmem:s20+$0xFFFFFFC0];
	_ =	sdelay $0x2  }
0x57: {  	v19 =	vperm.xlane v17, v5;
	_ =	sdelay $0x1  }
0x58: {  	v18 =	vmul.f32 v18, v19;
	_ =	sdelay $0x1  }
0x59: {  	[tilespmem:s20+$0xFFFFFFC0] =	vst v18  }
0x5a: {  	v18 =	vld [tilespmem:s21+$0xFFFFFFC0]  }
0x5b: {  	s24 =	simm.s32 $0x4  }
0x5c: {  	v20 =	vadd.s32 s24, v1;
	_ =	sdelay $0x2  }
0x5d: {  	v18 =	vmul.f32 v18, v19;
	_ =	sdelay $0x1  }
0x5e: {  	[tilespmem:v20+s18+$0x0] =	vst.idx.msk $0xffff, v18  }
0x5f: {  	v18 =	vld [tilespmem:s20+$0xFFFFFFD0];
	_ =	sdelay $0x2  }
0x60: {  	v19 =	vperm.xlane v17, v6;
	_ =	sdelay $0x1  }
0x61: {  	v18 =	vmul.f32 v18, v19;
	_ =	sdelay $0x1  }
0x62: {  	[tilespmem:s20+$0xFFFFFFD0] =	vst v18  }
0x63: {  	v18 =	vld [tilespmem:s21+$0xFFFFFFD0]  }
0x64: {  	s23 =	simm.s32 $0x5  }
0x65: {  	v20 =	vadd.s32 s23, v1;
	_ =	sdelay $0x2  }
0x66: {  	v18 =	vmul.f32 v18, v19;
	_ =	sdelay $0x1  }
0x67: {  	[tilespmem:v20+s18+$0x0] =	vst.idx.msk $0xffff, v18  }
0x68: {  	v18 =	vld [tilespmem:s20+$0xFFFFFFE0];
	_ =	sdelay $0x2  }
0x69: {  	v19 =	vperm.xlane v17, v7;
	_ =	sdelay $0x1  }
0x6a: {  	v18 =	vmul.f32 v18, v19;
	_ =	sdelay $0x1  }
0x6b: {  	[tilespmem:s20+$0xFFFFFFE0] =	vst v18  }
0x6c: {  	v18 =	vld [tilespmem:s21+$0xFFFFFFE0]  }
0x6d: {  	s24 =	simm.s32 $0x6  }
0x6e: {  	v20 =	vadd.s32 s24, v1;
	_ =	sdelay $0x2  }
0x6f: {  	v18 =	vmul.f32 v18, v19;
	_ =	sdelay $0x1  }
0x70: {  	[tilespmem:v20+s18+$0x0] =	vst.idx.msk $0xffff, v18  }
0x71: {  	v18 =	vld [tilespmem:s20+$0xFFFFFFF0];
	_ =	sdelay $0x2  }
0x72: {  	v19 =	vperm.xlane v17, v8;
	_ =	sdelay $0x1  }
0x73: {  	v18 =	vmul.f32 v18, v19;
	_ =	sdelay $0x1  }
0x74: {  	[tilespmem:s20+$0xFFFFFFF0] =	vst v18  }
0x75: {  	v18 =	vld [tilespmem:s21+$0xFFFFFFF0]  }
0x76: {  	s23 =	simm.s32 $0x7  }
0x77: {  	v20 =	vadd.s32 s23, v1;
	_ =	sdelay $0x2  }
0x78: {  	v18 =	vmul.f32 v18, v19;
	_ =	sdelay $0x1  }
0x79: {  	[tilespmem:v20+s18+$0x0] =	vst.idx.msk $0xffff, v18  }
0x7a: {  	v18 =	vld [tilespmem:s20+$0x0];
	_ =	sdelay $0x2  }
0x7b: {  	v19 =	vperm.xlane v17, v9;
	_ =	sdelay $0x1  }
0x7c: {  	v18 =	vmul.f32 v18, v19;
	_ =	sdelay $0x1  }
0x7d: {  	[tilespmem:s20+$0x0] =	vst v18  }
0x7e: {  	v18 =	vld [tilespmem:s21+$0x0]  }
0x7f: {  	s24 =	simm.s32 $0x8  }
0x80: {  	v20 =	vadd.s32 s24, v1;
	_ =	sdelay $0x2  }
0x81: {  	v18 =	vmul.f32 v18, v19;
	_ =	sdelay $0x1  }
0x82: {  	[tilespmem:v20+s18+$0x0] =	vst.idx.msk $0xffff, v18  }
0x83: {  	v18 =	vld [tilespmem:s20+$0x10];
	_ =	sdelay $0x2  }
0x84: {  	v19 =	vperm.xlane v17, v10;
	_ =	sdelay $0x1  }
0x85: {  	v18 =	vmul.f32 v18, v19;
	_ =	sdelay $0x1  }
0x86: {  	[tilespmem:s20+$0x10] =	vst v18  }
0x87: {  	v18 =	vld [tilespmem:s21+$0x10]  }
0x88: {  	s23 =	simm.s32 $0x9  }
0x89: {  	v20 =	vadd.s32 s23, v1;
	_ =	sdelay $0x2  }
0x8a: {  	v18 =	vmul.f32 v18, v19;
	_ =	sdelay $0x1  }
0x8b: {  	[tilespmem:v20+s18+$0x0] =	vst.idx.msk $0xffff, v18  }
0x8c: {  	v18 =	vld [tilespmem:s20+$0x20];
	_ =	sdelay $0x2  }
0x8d: {  	v19 =	vperm.xlane v17, v11;
	_ =	sdelay $0x1  }
0x8e: {  	v18 =	vmul.f32 v18, v19;
	_ =	sdelay $0x1  }
0x8f: {  	[tilespmem:s20+$0x20] =	vst v18  }
0x90: {  	v18 =	vld [tilespmem:s21+$0x20]  }
0x91: {  	s24 =	simm.s32 $0xA  }
0x92: {  	v20 =	vadd.s32 s24, v1;
	_ =	sdelay $0x2  }
0x93: {  	v18 =	vmul.f32 v18, v19;
	_ =	sdelay $0x1  }
0x94: {  	[tilespmem:v20+s18+$0x0] =	vst.idx.msk $0xffff, v18  }
0x95: {  	v18 =	vld [tilespmem:s20+$0x30];
	_ =	sdelay $0x2  }
0x96: {  	v19 =	vperm.xlane v17, v12;
	_ =	sdelay $0x1  }
0x97: {  	v18 =	vmul.f32 v18, v19;
	_ =	sdelay $0x1  }
0x98: {  	[tilespmem:s20+$0x30] =	vst v18  }
0x99: {  	v18 =	vld [tilespmem:s21+$0x30]  }
0x9a: {  	s23 =	simm.s32 $0xB  }
0x9b: {  	v20 =	vadd.s32 s23, v1;
	_ =	sdelay $0x2  }
0x9c: {  	v18 =	vmul.f32 v18, v19;
	_ =	sdelay $0x1  }
0x9d: {  	[tilespmem:v20+s18+$0x0] =	vst.idx.msk $0xffff, v18  }
0x9e: {  	v18 =	vld [tilespmem:s20+$0x40];
	_ =	sdelay $0x2  }
0x9f: {  	v19 =	vperm.xlane v17, v13;
	_ =	sdelay $0x1  }
0xa0: {  	v18 =	vmul.f32 v18, v19;
	_ =	sdelay $0x1  }
0xa1: {  	[tilespmem:s20+$0x40] =	vst v18  }
0xa2: {  	v18 =	vld [tilespmem:s21+$0x40]  }
0xa3: {  	s24 =	simm.s32 $0xC  }
0xa4: {  	v20 =	vadd.s32 s24, v1;
	_ =	sdelay $0x2  }
0xa5: {  	v18 =	vmul.f32 v18, v19;
	_ =	sdelay $0x1  }
0xa6: {  	[tilespmem:v20+s18+$0x0] =	vst.idx.msk $0xffff, v18  }
0xa7: {  	v18 =	vld [tilespmem:s20+$0x50];
	_ =	sdelay $0x2  }
0xa8: {  	v19 =	vperm.xlane v17, v14;
	_ =	sdelay $0x1  }
0xa9: {  	v18 =	vmul.f32 v18, v19;
	_ =	sdelay $0x1  }
0xaa: {  	[tilespmem:s20+$0x50] =	vst v18  }
0xab: {  	v18 =	vld [tilespmem:s21+$0x50]  }
0xac: {  	s23 =	simm.s32 $0xD  }
0xad: {  	v20 =	vadd.s32 s23, v1;
	_ =	sdelay $0x2  }
0xae: {  	v18 =	vmul.f32 v18, v19;
	_ =	sdelay $0x1  }
0xaf: {  	[tilespmem:v20+s18+$0x0] =	vst.idx.msk $0xffff, v18  }
0xb0: {  	v18 =	vld [tilespmem:s20+$0x60];
	_ =	sdelay $0x2  }
0xb1: {  	v19 =	vperm.xlane v17, v15;
	_ =	sdelay $0x1  }
0xb2: {  	v18 =	vmul.f32 v18, v19;
	_ =	sdelay $0x1  }
0xb3: {  	[tilespmem:s20+$0x60] =	vst v18  }
0xb4: {  	v18 =	vld [tilespmem:s21+$0x60]  }
0xb5: {  	s24 =	simm.s32 $0xE  }
0xb6: {  	v20 =	vadd.s32 s24, v1;
	_ =	sdelay $0x2  }
0xb7: {  	v18 =	vmul.f32 v18, v19;
	_ =	sdelay $0x1  }
0xb8: {  	[tilespmem:v20+s18+$0x0] =	vst.idx.msk $0xffff, v18  }
0xb9: {  	v18 =	vld [tilespmem:s20+$0x70];
	_ =	sdelay $0x2  }
0xba: {  	v19 =	vperm.xlane v17, v16;
	_ =	sdelay $0x1  }
0xbb: {  	v17 =	vmul.f32 v18, v19;
	_ =	sdelay $0x1  }
0xbc: {  	[tilespmem:s20+$0x70] =	vst v17  }
0xbd: {  	v18 =	vld [tilespmem:s21+$0x70]  }
0xbe: {  	s23 =	simm.s32 $0xF  }
0xbf: {  	v17 =	vadd.s32 s23, v1;
	_ =	sdelay $0x2  }
0xc0: {  	s22 =	simm.s32 $0x1F;
	v18 =	vmul.f32 v18, v19  }
.LBB2_3:
0xc1: {  	_ = 	snop  }
0xc2: {  	s19 =	sadd.s32 $0x10, s19;
	s21 =	sadd.s32 $0x100, s21;
	s20 =	sadd.s32 $0x100, s20;
	[tilespmem:v17+s18+$0x0] =	vst.idx.msk $0xffff, v18  }
0xc3: {  	p1 =	sne.s32 s22, $0x7CF;
	s23 =	smov.u32 s22;
	s22 =	sadd.s32 $0x10, s22;
	v17 =	vld [tilespmem:s19+$0x0]  }
0xc4: {  	_ = 	snop  }
0xc5: {  	v18 =	vld [tilespmem:s20+$0xFFFFFF80];
	_ =	sdelay $0x2  }
0xc6: {  	v19 =	vperm.xlane v17, v0;
	_ =	sdelay $0x1  }
0xc7: {  	v18 =	vmul.f32 v18, v19;
	_ =	sdelay $0x1  }
0xc8: {  	[tilespmem:s20+$0xFFFFFF80] =	vst v18  }
0xc9: {  	v18 =	vld [tilespmem:s21+$0xFFFFFF80]  }
0xca: {  	s24 =	sadd.s32 $0xFFFFFFF1, s23  }
0xcb: {  	v20 =	vadd.s32 s24, v1;
	_ =	sdelay $0x2  }
0xcc: {  	v18 =	vmul.f32 v18, v19;
	_ =	sdelay $0x1  }
0xcd: {  	[tilespmem:v20+s18+$0x0] =	vst.idx.msk $0xffff, v18  }
0xce: {  	v18 =	vld [tilespmem:s20+$0xFFFFFF90];
	_ =	sdelay $0x2  }
0xcf: {  	v19 =	vperm.xlane v17, v2;
	_ =	sdelay $0x1  }
0xd0: {  	v18 =	vmul.f32 v18, v19;
	_ =	sdelay $0x1  }
0xd1: {  	[tilespmem:s20+$0xFFFFFF90] =	vst v18  }
0xd2: {  	v18 =	vld [tilespmem:s21+$0xFFFFFF90]  }
0xd3: {  	s24 =	sadd.s32 $0xFFFFFFF2, s23  }
0xd4: {  	v20 =	vadd.s32 s24, v1;
	_ =	sdelay $0x2  }
0xd5: {  	v18 =	vmul.f32 v18, v19;
	_ =	sdelay $0x1  }
0xd6: {  	[tilespmem:v20+s18+$0x0] =	vst.idx.msk $0xffff, v18  }
0xd7: {  	v18 =	vld [tilespmem:s20+$0xFFFFFFA0];
	_ =	sdelay $0x2  }
0xd8: {  	v19 =	vperm.xlane v17, v3;
	_ =	sdelay $0x1  }
0xd9: {  	v18 =	vmul.f32 v18, v19;
	_ =	sdelay $0x1  }
0xda: {  	[tilespmem:s20+$0xFFFFFFA0] =	vst v18  }
0xdb: {  	v18 =	vld [tilespmem:s21+$0xFFFFFFA0]  }
0xdc: {  	s24 =	sadd.s32 $0xFFFFFFF3, s23  }
0xdd: {  	v20 =	vadd.s32 s24, v1;
	_ =	sdelay $0x2  }
0xde: {  	v18 =	vmul.f32 v18, v19;
	_ =	sdelay $0x1  }
0xdf: {  	[tilespmem:v20+s18+$0x0] =	vst.idx.msk $0xffff, v18  }
0xe0: {  	v18 =	vld [tilespmem:s20+$0xFFFFFFB0];
	_ =	sdelay $0x2  }
0xe1: {  	v19 =	vperm.xlane v17, v4;
	_ =	sdelay $0x1  }
0xe2: {  	v18 =	vmul.f32 v18, v19;
	_ =	sdelay $0x1  }
0xe3: {  	[tilespmem:s20+$0xFFFFFFB0] =	vst v18  }
0xe4: {  	v18 =	vld [tilespmem:s21+$0xFFFFFFB0]  }
0xe5: {  	s24 =	sadd.s32 $0xFFFFFFF4, s23  }
0xe6: {  	v20 =	vadd.s32 s24, v1;
	_ =	sdelay $0x2  }
0xe7: {  	v18 =	vmul.f32 v18, v19;
	_ =	sdelay $0x1  }
0xe8: {  	[tilespmem:v20+s18+$0x0] =	vst.idx.msk $0xffff, v18  }
0xe9: {  	v18 =	vld [tilespmem:s20+$0xFFFFFFC0];
	_ =	sdelay $0x2  }
0xea: {  	v19 =	vperm.xlane v17, v5;
	_ =	sdelay $0x1  }
0xeb: {  	v18 =	vmul.f32 v18, v19;
	_ =	sdelay $0x1  }
0xec: {  	[tilespmem:s20+$0xFFFFFFC0] =	vst v18  }
0xed: {  	v18 =	vld [tilespmem:s21+$0xFFFFFFC0]  }
0xee: {  	s24 =	sadd.s32 $0xFFFFFFF5, s23  }
0xef: {  	v20 =	vadd.s32 s24, v1;
	_ =	sdelay $0x2  }
0xf0: {  	v18 =	vmul.f32 v18, v19;
	_ =	sdelay $0x1  }
0xf1: {  	[tilespmem:v20+s18+$0x0] =	vst.idx.msk $0xffff, v18  }
0xf2: {  	v18 =	vld [tilespmem:s20+$0xFFFFFFD0];
	_ =	sdelay $0x2  }
0xf3: {  	v19 =	vperm.xlane v17, v6;
	_ =	sdelay $0x1  }
0xf4: {  	v18 =	vmul.f32 v18, v19;
	_ =	sdelay $0x1  }
0xf5: {  	[tilespmem:s20+$0xFFFFFFD0] =	vst v18  }
0xf6: {  	v18 =	vld [tilespmem:s21+$0xFFFFFFD0]  }
0xf7: {  	s24 =	sadd.s32 $0xFFFFFFF6, s23  }
0xf8: {  	v20 =	vadd.s32 s24, v1;
	_ =	sdelay $0x2  }
0xf9: {  	v18 =	vmul.f32 v18, v19;
	_ =	sdelay $0x1  }
0xfa: {  	[tilespmem:v20+s18+$0x0] =	vst.idx.msk $0xffff, v18  }
0xfb: {  	v18 =	vld [tilespmem:s20+$0xFFFFFFE0];
	_ =	sdelay $0x2  }
0xfc: {  	v19 =	vperm.xlane v17, v7;
	_ =	sdelay $0x1  }
0xfd: {  	v18 =	vmul.f32 v18, v19;
	_ =	sdelay $0x1  }
0xfe: {  	[tilespmem:s20+$0xFFFFFFE0] =	vst v18  }
0xff: {  	v18 =	vld [tilespmem:s21+$0xFFFFFFE0]  }
0x100: {  	s24 =	sadd.s32 $0xFFFFFFF7, s23  }
0x101: {  	v20 =	vadd.s32 s24, v1;
	_ =	sdelay $0x2  }
0x102: {  	v18 =	vmul.f32 v18, v19;
	_ =	sdelay $0x1  }
0x103: {  	[tilespmem:v20+s18+$0x0] =	vst.idx.msk $0xffff, v18  }
0x104: {  	v18 =	vld [tilespmem:s20+$0xFFFFFFF0];
	_ =	sdelay $0x2  }
0x105: {  	v19 =	vperm.xlane v17, v8;
	_ =	sdelay $0x1  }
0x106: {  	v18 =	vmul.f32 v18, v19;
	_ =	sdelay $0x1  }
0x107: {  	[tilespmem:s20+$0xFFFFFFF0] =	vst v18  }
0x108: {  	v18 =	vld [tilespmem:s21+$0xFFFFFFF0]  }
0x109: {  	s24 =	sadd.s32 $0xFFFFFFF8, s23  }
0x10a: {  	v20 =	vadd.s32 s24, v1;
	_ =	sdelay $0x2  }
0x10b: {  	v18 =	vmul.f32 v18, v19;
	_ =	sdelay $0x1  }
0x10c: {  	[tilespmem:v20+s18+$0x0] =	vst.idx.msk $0xffff, v18  }
0x10d: {  	v18 =	vld [tilespmem:s20+$0x0];
	_ =	sdelay $0x2  }
0x10e: {  	v19 =	vperm.xlane v17, v9;
	_ =	sdelay $0x1  }
0x10f: {  	v18 =	vmul.f32 v18, v19;
	_ =	sdelay $0x1  }
0x110: {  	[tilespmem:s20+$0x0] =	vst v18  }
0x111: {  	v18 =	vld [tilespmem:s21+$0x0]  }
0x112: {  	s24 =	sadd.s32 $0xFFFFFFF9, s23  }
0x113: {  	v20 =	vadd.s32 s24, v1;
	_ =	sdelay $0x2  }
0x114: {  	v18 =	vmul.f32 v18, v19;
	_ =	sdelay $0x1  }
0x115: {  	[tilespmem:v20+s18+$0x0] =	vst.idx.msk $0xffff, v18  }
0x116: {  	v18 =	vld [tilespmem:s20+$0x10];
	_ =	sdelay $0x2  }
0x117: {  	v19 =	vperm.xlane v17, v10;
	_ =	sdelay $0x1  }
0x118: {  	v18 =	vmul.f32 v18, v19;
	_ =	sdelay $0x1  }
0x119: {  	[tilespmem:s20+$0x10] =	vst v18  }
0x11a: {  	v18 =	vld [tilespmem:s21+$0x10]  }
0x11b: {  	s24 =	sadd.s32 $0xFFFFFFFA, s23  }
0x11c: {  	v20 =	vadd.s32 s24, v1;
	_ =	sdelay $0x2  }
0x11d: {  	v18 =	vmul.f32 v18, v19;
	_ =	sdelay $0x1  }
0x11e: {  	[tilespmem:v20+s18+$0x0] =	vst.idx.msk $0xffff, v18  }
0x11f: {  	v18 =	vld [tilespmem:s20+$0x20];
	_ =	sdelay $0x2  }
0x120: {  	v19 =	vperm.xlane v17, v11;
	_ =	sdelay $0x1  }
0x121: {  	v18 =	vmul.f32 v18, v19;
	_ =	sdelay $0x1  }
0x122: {  	[tilespmem:s20+$0x20] =	vst v18  }
0x123: {  	v18 =	vld [tilespmem:s21+$0x20]  }
0x124: {  	s24 =	sadd.s32 $0xFFFFFFFB, s23  }
0x125: {  	v20 =	vadd.s32 s24, v1;
	_ =	sdelay $0x2  }
0x126: {  	v18 =	vmul.f32 v18, v19;
	_ =	sdelay $0x1  }
0x127: {  	[tilespmem:v20+s18+$0x0] =	vst.idx.msk $0xffff, v18  }
0x128: {  	v18 =	vld [tilespmem:s20+$0x30];
	_ =	sdelay $0x2  }
0x129: {  	v19 =	vperm.xlane v17, v12;
	_ =	sdelay $0x1  }
0x12a: {  	v18 =	vmul.f32 v18, v19;
	_ =	sdelay $0x1  }
0x12b: {  	[tilespmem:s20+$0x30] =	vst v18  }
0x12c: {  	v18 =	vld [tilespmem:s21+$0x30]  }
0x12d: {  	s24 =	sadd.s32 $0xFFFFFFFC, s23  }
0x12e: {  	v20 =	vadd.s32 s24, v1;
	_ =	sdelay $0x2  }
0x12f: {  	v18 =	vmul.f32 v18, v19;
	_ =	sdelay $0x1  }
0x130: {  	[tilespmem:v20+s18+$0x0] =	vst.idx.msk $0xffff, v18  }
0x131: {  	v18 =	vld [tilespmem:s20+$0x40];
	_ =	sdelay $0x2  }
0x132: {  	v19 =	vperm.xlane v17, v13;
	_ =	sdelay $0x1  }
0x133: {  	v18 =	vmul.f32 v18, v19;
	_ =	sdelay $0x1  }
0x134: {  	[tilespmem:s20+$0x40] =	vst v18  }
0x135: {  	v18 =	vld [tilespmem:s21+$0x40]  }
0x136: {  	s24 =	sadd.s32 $0xFFFFFFFD, s23  }
0x137: {  	v20 =	vadd.s32 s24, v1;
	_ =	sdelay $0x2  }
0x138: {  	v18 =	vmul.f32 v18, v19;
	_ =	sdelay $0x1  }
0x139: {  	[tilespmem:v20+s18+$0x0] =	vst.idx.msk $0xffff, v18  }
0x13a: {  	v18 =	vld [tilespmem:s20+$0x50];
	_ =	sdelay $0x2  }
0x13b: {  	v19 =	vperm.xlane v17, v14;
	_ =	sdelay $0x1  }
0x13c: {  	v18 =	vmul.f32 v18, v19;
	_ =	sdelay $0x1  }
0x13d: {  	[tilespmem:s20+$0x50] =	vst v18  }
0x13e: {  	v18 =	vld [tilespmem:s21+$0x50]  }
0x13f: {  	s24 =	sadd.s32 $0xFFFFFFFE, s23  }
0x140: {  	v20 =	vadd.s32 s24, v1;
	_ =	sdelay $0x2  }
0x141: {  	v18 =	vmul.f32 v18, v19;
	_ =	sdelay $0x1  }
0x142: {  	[tilespmem:v20+s18+$0x0] =	vst.idx.msk $0xffff, v18  }
0x143: {  	v18 =	vld [tilespmem:s20+$0x60];
	_ =	sdelay $0x2  }
0x144: {  	v19 =	vperm.xlane v17, v15;
	_ =	sdelay $0x1  }
0x145: {  	v18 =	vmul.f32 v18, v19;
	_ =	sdelay $0x1  }
0x146: {  	[tilespmem:s20+$0x60] =	vst v18  }
0x147: {  	v18 =	vld [tilespmem:s21+$0x60]  }
0x148: {  	s24 =	sadd.s32 $0xFFFFFFFF, s23  }
0x149: {  	v20 =	vadd.s32 s24, v1;
	_ =	sdelay $0x2  }
0x14a: {  	v18 =	vmul.f32 v18, v19;
	_ =	sdelay $0x1  }
0x14b: {  	[tilespmem:v20+s18+$0x0] =	vst.idx.msk $0xffff, v18  }
0x14c: {  	v18 =	vld [tilespmem:s20+$0x70];
	_ =	sdelay $0x2  }
0x14d: {  	v19 =	vperm.xlane v17, v16;
	_ =	sdelay $0x1  }
0x14e: {  	v17 =	vmul.f32 v18, v19;
	_ =	sdelay $0x1  }
0x14f: {  	[tilespmem:s20+$0x70] =	vst v17  }
0x150: {  	v18 =	vld [tilespmem:s21+$0x70]  }
.Ltmp0:
0x151: {  	(pc) =	sbr.rel @p1 .LBB2_3-.Ltmp0, $2  }
0x152: {  	v17 =	vadd.s32 s23, v1;
	_ =	sdelay $0x2  }
0x153: {  	v18 =	vmul.f32 v18, v19  }
0x154: {  	_ =	sdelay $0x3  }
0x155: {  	s19 =	rddreg [dreg:$0x2];
	s20 =	simm.s32 $0x7D0;
	[tilespmem:v17+s18+$0x0] =	vst.idx.msk $0xffff, v18  }
0x156: {  	[spmem:s19] =	stream.indirect.scatter.add.f32 [tilespmem:s16], [sflag:$0x1], $0x10, s14, s20, $0xb8;
	[tilespmem:$0x1AEA0] =	vst v63  }
0x157: {  	s17 =	sadd.s32 s10, s17  }
0x158: {  	[hbm4b:s17+s2] =	stream.linear.scatter [tilespmem:s18], [sflag:$0x2], $0x7D0, $0x38;
	[tilespmem:$0x1AEA0] =	vst v63  }
0x159: {  	s24 =	simm.s32 $0x13970;
	s23 =	sadd.s32 $0x9C40, s17  }
0x15a: {  	[hbm4b:s23+s2] =	stream.linear.scatter [tilespmem:s24], [sflag:$0x2], $0x7D0, $0x38;
	[tilespmem:$0x1AEA0] =	vst v63  }
0x15b: {  	s22 =	simm.s32 $0x14140;
	s21 =	sadd.s32 $0x13880, s17  }
0x15c: {  	[hbm4b:s21+s2] =	stream.linear.scatter [tilespmem:s22], [sflag:$0x2], $0x7D0, $0x38;
	[tilespmem:$0x1AEA0] =	vst v63  }
0x15d: {  	s23 =	sadd.s32 $0x1D4C0, s17;
	s24 =	simm.s32 $0x14910  }
0x15e: {  	[hbm4b:s23+s2] =	stream.linear.scatter [tilespmem:s24], [sflag:$0x2], $0x7D0, $0x38;
	[tilespmem:$0x1AEA0] =	vst v63  }
0x15f: {  	s21 =	sadd.s32 $0x27100, s17;
	s22 =	simm.s32 $0x150E0  }
0x160: {  	[hbm4b:s21+s2] =	stream.linear.scatter [tilespmem:s22], [sflag:$0x2], $0x7D0, $0x38;
	[tilespmem:$0x1AEA0] =	vst v63  }
0x161: {  	s23 =	sadd.s32 $0x30D40, s17;
	s24 =	simm.s32 $0x158B0  }
0x162: {  	[hbm4b:s23+s2] =	stream.linear.scatter [tilespmem:s24], [sflag:$0x2], $0x7D0, $0x38;
	[tilespmem:$0x1AEA0] =	vst v63  }
0x163: {  	s21 =	sadd.s32 $0x3A980, s17  }
0x164: {  	[hbm4b:s21+s2] =	stream.linear.scatter [tilespmem:s26], [sflag:$0x2], $0x7D0, $0x38;
	[tilespmem:$0x1AEA0] =	vst v63  }
0x165: {  	s22 =	sadd.s32 $0x445C0, s17  }
0x166: {  	[hbm4b:s22+s2] =	stream.linear.scatter [tilespmem:s28], [sflag:$0x2], $0x7D0, $0x38;
	[tilespmem:$0x1AEA0] =	vst v63  }
0x167: {  	s23 =	sadd.s32 $0x4E200, s17  }
0x168: {  	[hbm4b:s23+s2] =	stream.linear.scatter [tilespmem:s29], [sflag:$0x2], $0x7D0, $0x38;
	[tilespmem:$0x1AEA0] =	vst v63  }
0x169: {  	s24 =	sadd.s32 $0x57E40, s17  }
0x16a: {  	[hbm4b:s24+s2] =	stream.linear.scatter [tilespmem:s30], [sflag:$0x2], $0x7D0, $0x38;
	[tilespmem:$0x1AEA0] =	vst v63  }
0x16b: {  	s20 =	sadd.s32 $0x61A80, s17  }
0x16c: {  	[hbm4b:s20+s2] =	stream.linear.scatter [tilespmem:s31], [sflag:$0x2], $0x7D0, $0x38;
	[tilespmem:$0x1AEA0] =	vst v63  }
0x16d: {  	s21 =	sadd.s32 $0x6B6C0, s17  }
0x16e: {  	[hbm4b:s21+s2] =	stream.linear.scatter [tilespmem:s0], [sflag:$0x2], $0x7D0, $0x38;
	[tilespmem:$0x1AEA0] =	vst v63  }
0x16f: {  	s22 =	sadd.s32 $0x75300, s17  }
0x170: {  	[hbm4b:s22+s2] =	stream.linear.scatter [tilespmem:s3], [sflag:$0x2], $0x7D0, $0x38;
	[tilespmem:$0x1AEA0] =	vst v63  }
0x171: {  	s23 =	sadd.s32 $0x7EF40, s17  }
0x172: {  	[hbm4b:s23+s2] =	stream.linear.scatter [tilespmem:s8], [sflag:$0x2], $0x7D0, $0x38;
	[tilespmem:$0x1AEA0] =	vst v63  }
0x173: {  	s24 =	sadd.s32 $0x88B80, s17  }
0x174: {  	[hbm4b:s24+s2] =	stream.linear.scatter [tilespmem:s11], [sflag:$0x2], $0x7D0, $0x38;
	[tilespmem:$0x1AEA0] =	vst v63  }
0x175: {  	s17 =	sadd.s32 $0x927C0, s17  }
0x176: {  	[hbm4b:s17+s2] =	stream.linear.scatter [tilespmem:s12], [sflag:$0x2], $0x7D0, $0x38;
	[tilespmem:$0x1AEA0] =	vst v63  }
0x177: {  	_ =	swait.ge [sflag:s13], $0x7D00  }
0x178: {  	[sflag:s13] =	ssyncset.done $0x0  }
0x179: {  	[sflag:s13] =	ssyncadd.s32 $0xFFFF8300  }
0x17a: {  	_ =	swait.ge [sflag:s25], $0x7D0  }
0x17b: {  	[sflag:s25] =	ssyncset.done $0x0  }
0x17c: {  	[sflag:s25] =	ssyncadd.s32 $0xFFFFF830  }
0x17d: {  	_ =	swait.ge [sflag:s25], $0x7D0  }
0x17e: {  	[sflag:s25] =	ssyncset.done $0x0  }
0x17f: {  	[sflag:s25] =	ssyncadd.s32 $0xFFFFF830  }
0x180: {  	_ =	swait.ge [sflag:s25], $0x7D0  }
0x181: {  	[sflag:s25] =	ssyncset.done $0x0  }
0x182: {  	[sflag:s25] =	ssyncadd.s32 $0xFFFFF830  }
0x183: {  	_ =	swait.ge [sflag:s25], $0x7D0  }
0x184: {  	[sflag:s25] =	ssyncset.done $0x0  }
0x185: {  	[sflag:s25] =	ssyncadd.s32 $0xFFFFF830  }
0x186: {  	_ =	swait.ge [sflag:s25], $0x7D0  }
0x187: {  	[sflag:s25] =	ssyncset.done $0x0  }
0x188: {  	[sflag:s25] =	ssyncadd.s32 $0xFFFFF830  }
0x189: {  	_ =	swait.ge [sflag:s25], $0x7D0  }
0x18a: {  	[sflag:s25] =	ssyncset.done $0x0  }
0x18b: {  	[sflag:s25] =	ssyncadd.s32 $0xFFFFF830  }
0x18c: {  	_ =	swait.ge [sflag:s25], $0x7D0  }
0x18d: {  	[sflag:s25] =	ssyncset.done $0x0  }
0x18e: {  	[sflag:s25] =	ssyncadd.s32 $0xFFFFF830  }
0x18f: {  	_ =	swait.ge [sflag:s25], $0x7D0  }
0x190: {  	[sflag:s25] =	ssyncset.done $0x0  }
0x191: {  	[sflag:s25] =	ssyncadd.s32 $0xFFFFF830  }
0x192: {  	_ =	swait.ge [sflag:s25], $0x7D0  }
0x193: {  	[sflag:s25] =	ssyncset.done $0x0  }
0x194: {  	[sflag:s25] =	ssyncadd.s32 $0xFFFFF830  }
0x195: {  	_ =	swait.ge [sflag:s25], $0x7D0  }
0x196: {  	[sflag:s25] =	ssyncset.done $0x0  }
0x197: {  	[sflag:s25] =	ssyncadd.s32 $0xFFFFF830  }
0x198: {  	_ =	swait.ge [sflag:s25], $0x7D0  }
0x199: {  	[sflag:s25] =	ssyncset.done $0x0  }
0x19a: {  	[sflag:s25] =	ssyncadd.s32 $0xFFFFF830  }
0x19b: {  	_ =	swait.ge [sflag:s25], $0x7D0  }
0x19c: {  	[sflag:s25] =	ssyncset.done $0x0  }
0x19d: {  	[sflag:s25] =	ssyncadd.s32 $0xFFFFF830  }
0x19e: {  	_ =	swait.ge [sflag:s25], $0x7D0  }
0x19f: {  	[sflag:s25] =	ssyncset.done $0x0  }
0x1a0: {  	[sflag:s25] =	ssyncadd.s32 $0xFFFFF830  }
0x1a1: {  	_ =	swait.ge [sflag:s25], $0x7D0  }
0x1a2: {  	[sflag:s25] =	ssyncset.done $0x0  }
0x1a3: {  	s1 =	sadd.s32 $0x1, s1;
	[sflag:s25] =	ssyncadd.s32 $0xFFFFF830  }
0x1a4: {  	p1 =	sne.s32 s1, $0x5;
	_ =	swait.ge [sflag:s25], $0x7D0  }
.Ltmp1:
0x1a5: {  	[sflag:s25] =	ssyncset.done $0x0;
	(pc) =	sbr.rel @p1 .LBB2_2-.Ltmp1, $4  }
0x1a6: {  	[sflag:s25] =	ssyncadd.s32 $0xFFFFF830  }
0x1a7: {  	_ =	swait.ge [sflag:s25], $0x7D0  }
0x1a8: {  	[sflag:s25] =	ssyncset.done $0x0  }
0x1a9: {  	[sflag:s25] =	ssyncadd.s32 $0xFFFFF830  }
0x1aa: {  	s1 =	stileid.u32;
	[bflag:$0x0] =	sbarrier.arrive $0xFFFF  }
0x1ab: {  	s1 =	sshll.u32 s1, $0x6;
	s17 =	rddreg [dreg:$0x5]  }
0x1ac: {  	s19 =	rddreg [dreg:$0x8];
	s1 =	sor.u32 $0x1C03, s1  }
0x1ad: {  	[hbm:s17], [sflag:s1] =	dma.local [spmem:s19], $0x4E2  }
0x1ae: {  	_ =	swait.ge [sflag:s15], $0x4E2  }
0x1af: {  	s23 =	rddreg [dreg:$0x9]  }
0x1b0: {  	s24 =	rddreg [dreg:$0x6];
	s17 =	sadd.s32 $0x1, s23  }
0x1b1: {  	p1 =	sne.s32 s17, s24  }
.Ltmp2:
0x1b2: {  	_ = 	snop;
	(pc) =	sbr.rel @p1 .LBB2_1-.Ltmp2, $3  }
0x1b3: {  	_ =	sdelay $0x1  }
0x1b4: {  	[sflag:s15] =	ssyncset.done $0x0  }
0x1b5: {  	[sflag:s15] =	ssyncadd.s32 $0xFFFFFB1E  }
0x1b6: {  	_ =	sfence.sel $0x180000  }
0x1b7: {  	[bflag:$0x0] =	sbarrier.arrive $0xFFFF  }
0x1b8: {  	_ =	strace $0x9000004D  }
0x1b9: {  	[bflag:$0x2] =	sbarrier.arrive $0xFFFF  }
0x1ba: {  	s0 =	rddreg [dreg:$0x3]  }
0x1bb: {  	s0 =	sadd.s32 @!p0 $0x100000, s0  }
0x1bc: {  	[sflag:s0] =	ssyncadd.tile.s32 @!p0 $0x1;
	_ =	shalt  }
.Lfunc_end2:
_tile_overlayer_lowered:
.L_overlay_start_2:
0x1bd: {  	(tag) =	ssettag $0x2  }
0x1be: {  	s0 =	rddreg [dreg:$0x0];
	s2 =	stileid.u32  }
0x1bf: {  	s1 =	rddreg [dreg:$0x1];
	p0 =	sne.s32 s2, $0x0  }
0x1c0: {  	s3 =	rddreg [dreg:$0x2];
	[bflag:$0x3] =	sbarrier.arrive $0xFFFF;
	s2 =	simm.s32 @!p0 $0x1C03  }
0x1c1: {  	[timem:s3], [sflag:s2] =	dma.local @!p0 [hbm:s0], s1  }
0x1c2: {  	s0 =	simm.s32 @!p0 $0x3  }
0x1c3: {  	_ =	swait.ge @!p0 [sflag:s0], s1  }
0x1c4: {  	s1 =	ssub.s32 @!p0 $0x0, s1;
	[sflag:s0] =	ssyncset.done @!p0 $0x0  }
0x1c5: {  	[sflag:s0] =	ssyncadd.s32 @!p0 s1  }
0x1c6: {  	[bflag:$0x3] =	sbarrier.arrive $0xFFFF  }
0x1c7: {  	_ =	shalt  }

// kernel: kernel.8.cloned.1.call-start
scs
__scs_entry_jumppad:
0x0: {  	(pc) =	sbr.rel $0x88, $3  }
0x1: {  	(tag) =	ssettag $0x0;
	lr =	simm.s32 $0x1  }
0x2: {  	[smem:$0x3F98] =	sst lr;
	_ =	strace $0xD0000000  }
0x3: {  	_ = 	snop  }
0x4: {  	_ = 	snop  }
0x5: {  	_ = 	snop  }
0x6: {  	_ = 	snop  }
0x7: {  	_ = 	snop  }
__scs_overlays_trampoline_lowered:
0x8: {  	[smem:$0x3FA7] =	sst s0  }
0x9: {  	[smem:$0x3FA8] =	sst s1  }
0xa: {  	[smem:$0x3FA9] =	sst s2  }
0xb: {  	[smem:$0x3FAA] =	sst s3  }
0xc: {  	[smem:$0x3FAB] =	sst s4  }
0xd: {  	[smem:$0x3FAC] =	sst s5  }
0xe: {  	[smem:$0x3FAD] =	sst s6  }
0xf: {  	[smem:$0x3FAE] =	sst s7  }
0x10: {  	[smem:$0x3FAF] =	sst s8  }
0x11: {  	[smem:$0x3FB0] =	sst s9;
	s0 =	simm.s32 @!p0 $0x0  }
0x12: {  	s1 =	sld [smem:$0x3F96];
	s0 =	simm.s32 @p0 $0x1  }
0x13: {  	[smem:$0x3FB1] =	sst s0;
	s0 =	simm.s32 @!p1 $0x0  }
0x14: {  	s2 =	sld [smem:$0x3F95];
	s0 =	simm.s32 @p1 $0x1  }
0x15: {  	[smem:$0x3FB2] =	sst s0;
	s0 =	simm.s32 @!p2 $0x0  }
0x16: {  	s3 =	sld [smem:$0x3FDB];
	s0 =	simm.s32 @p2 $0x1  }
0x17: {  	s4 =	simm.s32 $0x1BF5;
	[smem:$0x3FB4] =	sst s0  }
0x18: {  	s0 =	sld [smem:$0x3F97];
	_ =	swait.ge [sflag:s4], $0x0  }
0x19: {  	s7 =	sld [smem:$0x3F98]  }
0x1a: {  	s8 =	sadd.s32 $0xFFFFE003, lr  }
0x1b: {  	s9 =	sadd.s32 $0xFFFFFEF7, lr;
	s5 =	simm.s32 $0xFFFFFFFF;
	p2 =	slt.u32 s8, $0xFFFFF086  }
0x1c: {  	p1 =	slt.u32 s9, $0xF7A;
	s5 =	simm.s32 @!p2 $0x0  }
0x1d: {  	s5 =	simm.s32 @p1 $0x1;
	p0 =	seq.s32 s7, s2  }
0x1e: {  	s7 =	smul.u32 @!p0 $0xF7A, s2;
	p2 =	seq.s32 @!p0 s5, $0x0  }
0x1f: {  	s9 =	smul.u32 $0xF7A, s1;
	s8 =	simm.s32 @!p0 $0x1BF5;
	p2 =	por !p2, p0  }
0x20: {  	[sflag:s8] =	ssyncset.s32 @!p0 $0xFFFFF086;
	s6 =	sadd.s32 @!p0 s3, s7;
	s7 =	simm.s32 @!p0 $0x108  }
0x21: {  	s3 =	sadd.s32 s3, s9;
	s6 =	sadd.s32 @!p0 $0x88, s6;
	s7 =	simm.s32 @p2 $0x1082  }
0x22: {  	[simem:s7], [sflag:s8] =	dma.local @!p0 [hbm:s6], $0xF7A  }
0x23: {  	s9 =	sor.u32 $0xD0000000, s2;
	s6 =	simm.s32 $0x108;
	_ =	swait.ge @!p0 [sflag:s8], $0x0  }
0x24: {  	s3 =	sadd.s32 $0x88, s3;
	s6 =	simm.s32 @!p1 $0x1082;
	[sflag:s4] =	ssyncset.s32 $0xFFFFF086  }
0x25: {  	[simem:s6], [sflag:s4] =	dma.local [hbm:s3], $0xF7A  }
0x26: {  	[smem:$0x3F98] =	sst s1;
	(tag) =	ssettag s2;
	_ =	strace s9  }
0x27: {  	s1 =	sld [smem:$0x3FA8]  }
0x28: {  	s2 =	sld [smem:$0x3FA9]  }
0x29: {  	s4 =	sld [smem:$0x3FAB]  }
0x2a: {  	p0 =	seq.s32 s5, $0x0;
	s5 =	sld [smem:$0x3FAC]  }
0x2b: {  	s6 =	sld [smem:$0x3FAD]  }
0x2c: {  	s7 =	sld [smem:$0x3FAE]  }
0x2d: {  	s3 =	simm.s32 $0x108;
	s8 =	sld [smem:$0x3FAF]  }
0x2e: {  	s3 =	simm.s32 @!p0 $0x1082;
	s9 =	sld [smem:$0x3FB0]  }
0x2f: {  	lr =	sadd.s32 s0, s3;
	s0 =	sld [smem:$0x3FA7]  }
0x30: {  	s3 =	sld [smem:$0x3FAA]  }
0x31: {  	[smem:$0x3FB3] =	sst s10  }
0x32: {  	s10 =	sld [smem:$0x3FB1];
	_ =	sdelay $0x3  }
0x33: {  	p0 =	seq.s32 s10, $0x1;
	s10 =	sld [smem:$0x3FB3];
	_ =	sdelay $0x3  }
0x34: {  	[smem:$0x3FB3] =	sst s10  }
0x35: {  	s10 =	sld [smem:$0x3FB2];
	_ =	sdelay $0x3  }
0x36: {  	p1 =	seq.s32 s10, $0x1;
	s10 =	sld [smem:$0x3FB3];
	_ =	sdelay $0x3  }
0x37: {  	[smem:$0x3FB3] =	sst s10  }
0x38: {  	s10 =	sld [smem:$0x3FB4]  }
0x39: {  	_ = 	snop;
	(pc) =	sbr.ind lr, $3  }
0x3a: {  	_ = 	snop  }
0x3b: {  	_ = 	snop  }
0x3c: {  	p2 =	seq.s32 s10, $0x1;
	s10 =	sld [smem:$0x3FB3]  }
0x3d: {  	_ =	shalt  }
0x3e: {  	_ =	shalt  }
0x3f: {  	_ =	shalt  }
0x40: {  	_ =	shalt  }
0x41: {  	_ =	shalt  }
0x42: {  	_ =	shalt  }
0x43: {  	_ =	shalt  }
0x44: {  	_ =	shalt  }
0x45: {  	_ =	shalt  }
0x46: {  	_ =	shalt  }
0x47: {  	_ =	shalt  }
0x48: {  	_ =	shalt  }
0x49: {  	_ =	shalt  }
0x4a: {  	_ =	shalt  }
0x4b: {  	_ =	shalt  }
0x4c: {  	_ =	shalt  }
0x4d: {  	_ =	shalt  }
0x4e: {  	_ =	shalt  }
0x4f: {  	_ =	shalt  }
0x50: {  	_ =	shalt  }
0x51: {  	_ =	shalt  }
0x52: {  	_ =	shalt  }
0x53: {  	_ =	shalt  }
0x54: {  	_ =	shalt  }
0x55: {  	_ =	shalt  }
0x56: {  	_ =	shalt  }
0x57: {  	_ =	shalt  }
0x58: {  	_ =	shalt  }
0x59: {  	_ =	shalt  }
0x5a: {  	_ =	shalt  }
0x5b: {  	_ =	shalt  }
0x5c: {  	_ =	shalt  }
0x5d: {  	_ =	shalt  }
0x5e: {  	_ =	shalt  }
0x5f: {  	_ =	shalt  }
0x60: {  	_ =	shalt  }
0x61: {  	_ =	shalt  }
0x62: {  	_ =	shalt  }
0x63: {  	_ =	shalt  }
0x64: {  	_ =	shalt  }
0x65: {  	_ =	shalt  }
0x66: {  	_ =	shalt  }
0x67: {  	_ =	shalt  }
0x68: {  	_ =	shalt  }
0x69: {  	_ =	shalt  }
0x6a: {  	_ =	shalt  }
0x6b: {  	_ =	shalt  }
0x6c: {  	_ =	shalt  }
0x6d: {  	_ =	shalt  }
0x6e: {  	_ =	shalt  }
0x6f: {  	_ =	shalt  }
0x70: {  	_ =	shalt  }
0x71: {  	_ =	shalt  }
0x72: {  	_ =	shalt  }
0x73: {  	_ =	shalt  }
0x74: {  	_ =	shalt  }
0x75: {  	_ =	shalt  }
0x76: {  	_ =	shalt  }
0x77: {  	_ =	shalt  }
0x78: {  	_ =	shalt  }
0x79: {  	_ =	shalt  }
0x7a: {  	_ =	shalt  }
0x7b: {  	_ =	shalt  }
0x7c: {  	_ =	shalt  }
0x7d: {  	_ =	shalt  }
0x7e: {  	_ =	shalt  }
0x7f: {  	_ =	shalt  }
0x80: {  	_ =	shalt  }
0x81: {  	_ =	shalt  }
0x82: {  	_ =	shalt  }
0x83: {  	_ =	shalt  }
0x84: {  	_ =	shalt  }
0x85: {  	_ =	shalt  }
0x86: {  	_ =	shalt  }
0x87: {  	_ =	shalt  }
.Lfunc_end0:
.L_simem_size_0:
called_computation_lowered:
.L_overlay_start_0:
0x88: {  	s2 =	sld [smem:$0x3FD9]  }
0x89: {  	s3 =	sld [smem:$0x3FFE];
	_ =	sdelay $0x1  }
0x8a: {  	s1 =	srdreg.scid  }
0x8b: {  	s0 =	sand.u32 $0x1, s1  }
0x8c: {  	s14 =	sshll.u32 s0, $0xA;
	s2 =	sadd.s32 s3, s2  }
0x8d: {  	s2 =	sadd.s32 s2, s14  }
0x8e: {  	[smem:$0x3FBF] =	sst s2  }
0x8f: {  	_ = 	snop  }
0x90: {  	s2 =	sld [smem:$0x3FD0];
	_ =	sdelay $0x2  }
0x91: {  	s15 =	simm.s32 $0xA;
	s4 =	simm.s32 $0x10  }
0x92: {  	[smem:s4], [sflag:s15] =	dma.local [hbm:s2], $0x1  }
0x93: {  	_ =	swait.eq [sflag:s15], $0x1  }
0x94: {  	[sflag:s15] =	ssyncset.done $0x0  }
0x95: {  	[sflag:s15] =	ssyncadd.s32 $0xFFFFFFFF  }
0x96: {  	s16 =	sld [smem:$0x10];
	(tm) =	ssettm $0x1  }
0x97: {  	s17 =	sld [smem:$0x3FFB];
	_ =	sdelay $0x3  }
0x98: {  	_ =	strace s17  }
0x99: {  	s3 =	sld [smem:$0x3FFC];
	_ =	sdelay $0x3  }
0x9a: {  	_ =	strace s3  }
0x9b: {  	s3 =	sld [smem:$0x3FFD];
	_ =	sdelay $0x3  }
0x9c: {  	_ =	strace s3  }
0x9d: {  	_ =	strace $0x8FFFFFFF  }
0x9e: {  	s18 =	sld [smem:$0x3FDB];
	_ =	sdelay $0x1  }
0x9f: {  	s19 =	simm.s32 $_scs_section_size  }
0xa0: {  	s5 =	simm.s32 $_size__tile_overlayer_lowered;
	s6 =	simm.s32 $_tile_overlayer_lowered  }
0xa1: {  	s22 =	simm.s32 $0x1BFF;
	s21 =	sshll.u32 s6, $0x1;
	s3 =	sadd.s32 s19, s18  }
0xa2: {  	s7 =	simm.s32 $0x0;
	s20 =	sshll.u32 s5, $0x1;
	s5 =	sadd.s32 s21, s3  }
0xa3: {  	[timem:s7], [sflag:s22] =	dma.local [hbm:s5], s20  }
0xa4: {  	_ =	swait.ge [sflag:s22], s20  }
0xa5: {  	s4 =	ssub.s32 $0x0, s20;
	[sflag:s22] =	ssyncset.done $0x0  }
0xa6: {  	[sflag:s22] =	ssyncadd.s32 s4;
	_ =	sdelay $0x1  }
0xa7: {  	s23 =	simm.s32 $0x1B8B  }
0xa8: {  	_ =	swait.ge [sflag:s23], $0x1  }
0xa9: {  	[sflag:s23] =	ssyncset.done $0x0  }
0xaa: {  	s25 =	simm.s32 $0x1B8E;
	s24 =	sld [smem:$0x3FFE];
	[sflag:s23] =	ssyncadd.s32 $0xFFFFFFFF  }
0xab: {  	s26 =	simm.s32 $execute0_lowered;
	[smem:$0x3FD2] =	sst s25  }
0xac: {  	s5 =	sshll.u32 s26, $0x1;
	_ =	strace $0x80000046;
	[dreg:$0x1] =	wrdreg $0xFFFFFFFF  }
0xad: {  	s28 =	simm.s32 $_size_execute0_lowered;
	s3 =	sadd.s32 s3, s5;
	[dreg:$0x0] =	wrdreg $0x0  }
0xae: {  	s5 =	sshll.u32 s28, $0x1;
	[dreg:$0x2] =	wrdreg s3  }
0xaf: {  	[dreg:$0x3] =	wrdreg s5  }
0xb0: {  	[dreg:$0x4] =	wrdreg $0xC0  }
0xb1: {  	_ =	task [dreg:s7], $0x5FFFF  }
0xb2: {  	[dreg:$0x1] =	wrdreg $0xFFFFFFFF  }
0xb3: {  	[dreg:$0x0] =	wrdreg $0x60  }
0xb4: {  	[dreg:$0x2] =	wrdreg s16  }
0xb5: {  	[dreg:$0x3] =	wrdreg s24  }
0xb6: {  	[dreg:$0x4] =	wrdreg $0x84D00  }
0xb7: {  	[dreg:$0x5] =	wrdreg $0x9  }
0xb8: {  	_ =	task.clear_ibuf [dreg:s7], $0x6FFFF;
	_ =	strace $0x90000046  }
0xb9: {  	s29 =	simm.s32 $0x9;
	_ =	strace $0x80000048  }
0xba: {  	_ =	swait.ge [sflag:s29], $0x1  }
0xbb: {  	[sflag:s29] =	ssyncadd.s32 $0xFFFFFFFF  }
0xbc: {  	_ =	strace $0x90000048  }
0xbd: {  	_ =	sfence  }
0xbe: {  	s30 =	sld [smem:$0x0];
	_ =	sdelay $0x2  }
0xbf: {  	s31 =	sshll.u32 s1, $0xD;
	s1 =	sshrl.u32 s1, $0x2  }
0xc0: {  	s3 =	sand.u32 $0x4000, s31;
	s1 =	sadd.s32 s1, s30  }
0xc1: {  	s0 =	sor.u32 s3, s0;
	s1 =	sshll.u32 s1, $0x11  }
0xc2: {  	s0 =	sor.u32 s1, s0  }
0xc3: {  	s0 =	sadd.s32 $0x8F2B, s0  }
0xc4: {  	[sflag:s0] =	ssyncadd.remote.s32 $0x1  }
0xc5: {  	_ =	sfence.sel $0xFFFF  }
0xc6: {  	[dreg:$0x0] =	wrdreg $0xFFFFFFFF;
	(pc) =	sbr.abs _section_cstart, $3  }
0xc7: {  	[dreg:$0x1] =	wrdreg $0xFFFFFFFF  }
0xc8: {  	_ =	task.clear_ibuf [dreg:s7], $0x2FFFF;
	_ =	strace $0x9FFFFFFF  }
0xc9: {  	(tm) =	ssettm $0x7FFFFFFF  }
tec
execute0_lowered:
.L_overlay_start_1:
0x0: {  	(tag) =	ssettag $0x1  }
0x1: {  	s11 =	rddreg [dreg:$0x0]  }
0x2: {  	s3 =	rddreg [dreg:$0x1]  }
0x3: {  	s0 =	srdreg.scid;
	s4 =	stileid.u32  }
0x4: {  	s1 =	rddreg [dreg:$0x2];
	s2 =	simm.s32 $0x0;
	p1 =	por $0x0, $0x0  }
0x5: {  	s5 =	sand.u32 $0x1, s0;
	s6 =	sshll.u32 s4, $0x1;
	s0 =	rddreg [dreg:$0x3]  }
0x6: {  	[smem:$0x7FF] =	sst s2;
	s17 =	sadd.s32 $0x2A00, s3;
	s6 =	sor.u32 s5, s6  }
0x7: {  	s3 =	sadd.s32 $0x16600, s3;
	s5 =	ssub.s32 $0x2, s5;
	s7 =	smul.u32 $0x2710, s6  }
0x8: {  	p0 =	sne.s32 s4, $0x0;
	s8 =	sshrl.u32 s5, $0x1;
	s6 =	smul.u32 $0x4E20, s6  }
0x9: {  	s4 =	simm.s32 $0x2;
	_ =	strace $0x80000047;
	s5 =	ssub.s32 s5, s8  }
0xa: {  	s9 =	sshrl.u32 s7, $0x3;
	s18 =	smax.u32 s5, $0x1;
	s14 =	sadd.s32 s3, s6  }
0xb: {  	s21 =	sadd.s32 $0x7D0, s7;
	s23 =	sadd.s32 $0xFA0, s7;
	s26 =	sadd.s32 $0x1770, s7  }
0xc: {  	s7 =	sadd.s32 $0x1F40, s7;
	s6 =	simm.s32 $0x7D0;
	s16 =	sadd.s32 s17, s9  }
0xd: {  	s22 =	sshrl.u32 s21, $0x3;
	s5 =	sshll.u32 s21, $0x1;
	s20 =	sadd.s32 $0xFFFFFFFF, s18  }
0xe: {  	s24 =	sshrl.u32 s23, $0x3;
	s25 =	sshll.u32 s23, $0x1;
	p2 =	sne.s32 s20, $0x0  }
.Ltmp0:
0xf: {  	s28 =	sshrl.u32 s26, $0x3;
	s29 =	sshll.u32 s26, $0x1;
	(pc) =	sbr.rel @!p2 .LBB2_3-.Ltmp0, $4  }
0x10: {  	s30 =	sshrl.u32 s7, $0x3;
	s31 =	sshll.u32 s7, $0x1;
	s7 =	simm.s32 $0x1  }
0x11: {  	s15 =	sadd.s32 s17, s22;
	s13 =	sadd.s32 s3, s5;
	s12 =	sadd.s32 s17, s24  }
0x12: {  	s10 =	sadd.s32 s3, s25;
	s9 =	sadd.s32 s17, s28;
	s8 =	sadd.s32 s3, s29  }
0x13: {  	s5 =	sadd.s32 s17, s30;
	s3 =	sadd.s32 s3, s31;
	s17 =	sshrl.u32 @!p0 s1, $0x3  }
0x14: {  	s18 =	simm.s32 @!p0 $0x1C02;
	s19 =	simm.s32 @!p0 $0x2  }
0x15: {  	[spmem:s17], [sflag:s18] =	dma.local @!p0 [hbm:s11], $0x4E20  }
0x16: {  	_ =	swait.ge @!p0 [sflag:s19], $0x4E20  }
0x17: {  	[sflag:s19] =	ssyncset.done @!p0 $0x0  }
0x18: {  	[sflag:s19] =	ssyncadd.s32 @!p0 $0xFFFFB1E0  }
0x19: {  	[bflag:$0x0] =	sbarrier.arrive $0xFFFF  }
0x1a: {  	[tilespmem:s2], [sflag:$0x2] =	stream.linear.gather [hbm4b:s16+s2], $0x7D0, $0x38;
	[tilespmem:$0xABE0] =	vst v63  }
0x1b: {  	_ =	swait.ge [sflag:s4], $0x7D0  }
0x1c: {  	[sflag:s4] =	ssyncset.done $0x0  }
0x1d: {  	[sflag:s4] =	ssyncadd.s32 $0xFFFFF830  }
0x1e: {  	[tilespmem:s6], [sflag:$0x1] =	stream.indirect.gather [spmem:s1], $0x10, s2, s6, $0xb8;
	[tilespmem:$0xABE0] =	vst v63  }
0x1f: {  	_ =	swait.ge [sflag:s7], $0x7D00  }
0x20: {  	[sflag:s7] =	ssyncset.done $0x0  }
0x21: {  	[sflag:s7] =	ssyncadd.s32 $0xFFFF8300  }
0x22: {  	[hbm4b:s14+s2] =	stream.linear.scatter [tilespmem:s6], [sflag:$0x2], $0x7D00, $0x38;
	[tilespmem:$0xABE0] =	vst v63  }
0x23: {  	_ =	swait.ge [sflag:s4], $0x7D00  }
0x24: {  	[sflag:s4] =	ssyncset.done $0x0  }
0x25: {  	[sflag:s4] =	ssyncadd.s32 $0xFFFF8300  }
0x26: {  	[tilespmem:s2], [sflag:$0x2] =	stream.linear.gather [hbm4b:s15+s2], $0x7D0, $0x38;
	[tilespmem:$0xABE0] =	vst v63  }
0x27: {  	_ =	swait.ge [sflag:s4], $0x7D0  }
0x28: {  	[sflag:s4] =	ssyncset.done $0x0  }
0x29: {  	[sflag:s4] =	ssyncadd.s32 $0xFFFFF830  }
0x2a: {  	[tilespmem:s6], [sflag:$0x1] =	stream.indirect.gather [spmem:s1], $0x10, s2, s6, $0xb8;
	[tilespmem:$0xABE0] =	vst v63  }
0x2b: {  	_ =	swait.ge [sflag:s7], $0x7D00  }
0x2c: {  	[sflag:s7] =	ssyncset.done $0x0  }
0x2d: {  	[sflag:s7] =	ssyncadd.s32 $0xFFFF8300  }
0x2e: {  	[hbm4b:s13+s2] =	stream.linear.scatter [tilespmem:s6], [sflag:$0x2], $0x7D00, $0x38;
	[tilespmem:$0xABE0] =	vst v63  }
0x2f: {  	_ =	swait.ge [sflag:s4], $0x7D00  }
0x30: {  	[sflag:s4] =	ssyncset.done $0x0  }
0x31: {  	[sflag:s4] =	ssyncadd.s32 $0xFFFF8300  }
0x32: {  	[tilespmem:s2], [sflag:$0x2] =	stream.linear.gather [hbm4b:s12+s2], $0x7D0, $0x38;
	[tilespmem:$0xABE0] =	vst v63  }
0x33: {  	_ =	swait.ge [sflag:s4], $0x7D0  }
0x34: {  	[sflag:s4] =	ssyncset.done $0x0  }
0x35: {  	[sflag:s4] =	ssyncadd.s32 $0xFFFFF830  }
0x36: {  	[tilespmem:s6], [sflag:$0x1] =	stream.indirect.gather [spmem:s1], $0x10, s2, s6, $0xb8;
	[tilespmem:$0xABE0] =	vst v63  }
0x37: {  	_ =	swait.ge [sflag:s7], $0x7D00  }
0x38: {  	[sflag:s7] =	ssyncset.done $0x0  }
0x39: {  	[sflag:s7] =	ssyncadd.s32 $0xFFFF8300  }
0x3a: {  	[hbm4b:s10+s2] =	stream.linear.scatter [tilespmem:s6], [sflag:$0x2], $0x7D00, $0x38;
	[tilespmem:$0xABE0] =	vst v63  }
0x3b: {  	_ =	swait.ge [sflag:s4], $0x7D00  }
0x3c: {  	[sflag:s4] =	ssyncset.done $0x0  }
0x3d: {  	[sflag:s4] =	ssyncadd.s32 $0xFFFF8300  }
0x3e: {  	[tilespmem:s2], [sflag:$0x2] =	stream.linear.gather [hbm4b:s9+s2], $0x7D0, $0x38;
	[tilespmem:$0xABE0] =	vst v63  }
0x3f: {  	_ =	swait.ge [sflag:s4], $0x7D0  }
0x40: {  	[sflag:s4] =	ssyncset.done $0x0  }
0x41: {  	[sflag:s4] =	ssyncadd.s32 $0xFFFFF830  }
0x42: {  	[tilespmem:s6], [sflag:$0x1] =	stream.indirect.gather [spmem:s1], $0x10, s2, s6, $0xb8;
	[tilespmem:$0xABE0] =	vst v63  }
0x43: {  	_ =	swait.ge [sflag:s7], $0x7D00  }
0x44: {  	[sflag:s7] =	ssyncset.done $0x0  }
0x45: {  	[sflag:s7] =	ssyncadd.s32 $0xFFFF8300  }
0x46: {  	[hbm4b:s8+s2] =	stream.linear.scatter [tilespmem:s6], [sflag:$0x2], $0x7D00, $0x38;
	[tilespmem:$0xABE0] =	vst v63  }
0x47: {  	_ =	swait.ge [sflag:s4], $0x7D00  }
0x48: {  	[sflag:s4] =	ssyncset.done $0x0  }
0x49: {  	[sflag:s4] =	ssyncadd.s32 $0xFFFF8300  }
0x4a: {  	[tilespmem:s2], [sflag:$0x2] =	stream.linear.gather [hbm4b:s5+s2], $0x7D0, $0x38;
	[tilespmem:$0xABE0] =	vst v63  }
0x4b: {  	_ =	swait.ge [sflag:s4], $0x7D0  }
0x4c: {  	[sflag:s4] =	ssyncset.done $0x0  }
0x4d: {  	s20 =	sadd.s32 $0xFFFFFFFF, s20;
	[sflag:s4] =	ssyncadd.s32 $0xFFFFF830  }
0x4e: {  	[tilespmem:s6], [sflag:$0x1] =	stream.indirect.gather [spmem:s1], $0x10, s2, s6, $0xb8;
	[tilespmem:$0xABE0] =	vst v63  }
0x4f: {  	p2 =	sne.s32 s20, $0x0;
	_ =	swait.ge [sflag:s7], $0x7D00  }
.Ltmp1:
0x50: {  	[sflag:s7] =	ssyncset.done $0x0;
	(pc) =	sbr.rel @!p2 .LBB2_3-.Ltmp1, $4  }
0x51: {  	[sflag:s7] =	ssyncadd.s32 $0xFFFF8300  }
0x52: {  	[hbm4b:s3+s2] =	stream.linear.scatter [tilespmem:s6], [sflag:$0x2], $0x7D00, $0x38;
	[tilespmem:$0xABE0] =	vst v63  }
0x53: {  	_ =	swait.ge [sflag:s4], $0x7D00  }
0x54: {  	p1 =	por $0x1, $0x1;
	[sflag:s4] =	ssyncset.done $0x0  }
.LBB2_2:
0x55: {  	[sflag:s4] =	ssyncadd.s32 $0xFFFF8300  }
0x56: {  	[spmem:s17], [sflag:s18] =	dma.local @!p0 [hbm:s11], $0x4E20  }
0x57: {  	s20 =	sadd.s32 $0xFFFFFFFF, s20;
	_ =	swait.ge @!p0 [sflag:s19], $0x4E20  }
0x58: {  	p2 =	sne.s32 s20, $0x0;
	[sflag:s19] =	ssyncset.done @!p0 $0x0  }
0x59: {  	[sflag:s19] =	ssyncadd.s32 @!p0 $0xFFFFB1E0  }
0x5a: {  	[bflag:$0x0] =	sbarrier.arrive $0xFFFF  }
0x5b: {  	[tilespmem:s2], [sflag:$0x2] =	stream.linear.gather [hbm4b:s16+s2], $0x7D0, $0x38;
	[tilespmem:$0xABE0] =	vst v63  }
0x5c: {  	_ =	swait.ge [sflag:s4], $0x7D0  }
0x5d: {  	[sflag:s4] =	ssyncset.done $0x0  }
0x5e: {  	[sflag:s4] =	ssyncadd.s32 $0xFFFFF830  }
0x5f: {  	[tilespmem:s6], [sflag:$0x1] =	stream.indirect.gather [spmem:s1], $0x10, s2, s6, $0xb8;
	[tilespmem:$0xABE0] =	vst v63  }
0x60: {  	_ =	swait.ge [sflag:s7], $0x7D00  }
0x61: {  	[sflag:s7] =	ssyncset.done $0x0  }
0x62: {  	[sflag:s7] =	ssyncadd.s32 $0xFFFF8300  }
0x63: {  	[hbm4b:s14+s2] =	stream.linear.scatter [tilespmem:s6], [sflag:$0x2], $0x7D00, $0x38;
	[tilespmem:$0xABE0] =	vst v63  }
0x64: {  	_ =	swait.ge [sflag:s4], $0x7D00  }
0x65: {  	[sflag:s4] =	ssyncset.done $0x0  }
0x66: {  	[sflag:s4] =	ssyncadd.s32 $0xFFFF8300  }
0x67: {  	[tilespmem:s2], [sflag:$0x2] =	stream.linear.gather [hbm4b:s15+s2], $0x7D0, $0x38;
	[tilespmem:$0xABE0] =	vst v63  }
0x68: {  	_ =	swait.ge [sflag:s4], $0x7D0  }
0x69: {  	[sflag:s4] =	ssyncset.done $0x0  }
0x6a: {  	[sflag:s4] =	ssyncadd.s32 $0xFFFFF830  }
0x6b: {  	[tilespmem:s6], [sflag:$0x1] =	stream.indirect.gather [spmem:s1], $0x10, s2, s6, $0xb8;
	[tilespmem:$0xABE0] =	vst v63  }
0x6c: {  	_ =	swait.ge [sflag:s7], $0x7D00  }
0x6d: {  	[sflag:s7] =	ssyncset.done $0x0  }
0x6e: {  	[sflag:s7] =	ssyncadd.s32 $0xFFFF8300  }
0x6f: {  	[hbm4b:s13+s2] =	stream.linear.scatter [tilespmem:s6], [sflag:$0x2], $0x7D00, $0x38;
	[tilespmem:$0xABE0] =	vst v63  }
0x70: {  	_ =	swait.ge [sflag:s4], $0x7D00  }
0x71: {  	[sflag:s4] =	ssyncset.done $0x0  }
0x72: {  	[sflag:s4] =	ssyncadd.s32 $0xFFFF8300  }
0x73: {  	[tilespmem:s2], [sflag:$0x2] =	stream.linear.gather [hbm4b:s12+s2], $0x7D0, $0x38;
	[tilespmem:$0xABE0] =	vst v63  }
0x74: {  	_ =	swait.ge [sflag:s4], $0x7D0  }
0x75: {  	[sflag:s4] =	ssyncset.done $0x0  }
0x76: {  	[sflag:s4] =	ssyncadd.s32 $0xFFFFF830  }
0x77: {  	[tilespmem:s6], [sflag:$0x1] =	stream.indirect.gather [spmem:s1], $0x10, s2, s6, $0xb8;
	[tilespmem:$0xABE0] =	vst v63  }
0x78: {  	_ =	swait.ge [sflag:s7], $0x7D00  }
0x79: {  	[sflag:s7] =	ssyncset.done $0x0  }
0x7a: {  	[sflag:s7] =	ssyncadd.s32 $0xFFFF8300  }
0x7b: {  	[hbm4b:s10+s2] =	stream.linear.scatter [tilespmem:s6], [sflag:$0x2], $0x7D00, $0x38;
	[tilespmem:$0xABE0] =	vst v63  }
0x7c: {  	_ =	swait.ge [sflag:s4], $0x7D00  }
0x7d: {  	[sflag:s4] =	ssyncset.done $0x0  }
0x7e: {  	[sflag:s4] =	ssyncadd.s32 $0xFFFF8300  }
0x7f: {  	[tilespmem:s2], [sflag:$0x2] =	stream.linear.gather [hbm4b:s9+s2], $0x7D0, $0x38;
	[tilespmem:$0xABE0] =	vst v63  }
0x80: {  	_ =	swait.ge [sflag:s4], $0x7D0  }
0x81: {  	[sflag:s4] =	ssyncset.done $0x0  }
0x82: {  	[sflag:s4] =	ssyncadd.s32 $0xFFFFF830  }
0x83: {  	[tilespmem:s6], [sflag:$0x1] =	stream.indirect.gather [spmem:s1], $0x10, s2, s6, $0xb8;
	[tilespmem:$0xABE0] =	vst v63  }
0x84: {  	_ =	swait.ge [sflag:s7], $0x7D00  }
0x85: {  	[sflag:s7] =	ssyncset.done $0x0  }
0x86: {  	[sflag:s7] =	ssyncadd.s32 $0xFFFF8300  }
0x87: {  	[hbm4b:s8+s2] =	stream.linear.scatter [tilespmem:s6], [sflag:$0x2], $0x7D00, $0x38;
	[tilespmem:$0xABE0] =	vst v63  }
0x88: {  	_ =	swait.ge [sflag:s4], $0x7D00  }
0x89: {  	[sflag:s4] =	ssyncset.done $0x0  }
0x8a: {  	[sflag:s4] =	ssyncadd.s32 $0xFFFF8300  }
0x8b: {  	[tilespmem:s2], [sflag:$0x2] =	stream.linear.gather [hbm4b:s5+s2], $0x7D0, $0x38;
	[tilespmem:$0xABE0] =	vst v63  }
0x8c: {  	_ =	swait.ge [sflag:s4], $0x7D0  }
0x8d: {  	[sflag:s4] =	ssyncset.done $0x0  }
0x8e: {  	[sflag:s4] =	ssyncadd.s32 $0xFFFFF830  }
0x8f: {  	[tilespmem:s6], [sflag:$0x1] =	stream.indirect.gather [spmem:s1], $0x10, s2, s6, $0xb8;
	[tilespmem:$0xABE0] =	vst v63  }
0x90: {  	_ =	swait.ge [sflag:s7], $0x7D00  }
.Ltmp2:
0x91: {  	[sflag:s7] =	ssyncset.done $0x0;
	(pc) =	sbr.rel @p2 .LBB2_2-.Ltmp2, $4  }
0x92: {  	[sflag:s7] =	ssyncadd.s32 $0xFFFF8300  }
0x93: {  	[hbm4b:s3+s2] =	stream.linear.scatter [tilespmem:s6], [sflag:$0x2], $0x7D00, $0x38;
	[tilespmem:$0xABE0] =	vst v63  }
0x94: {  	_ =	swait.ge [sflag:s4], $0x7D00  }
0x95: {  	[sflag:s4] =	ssyncset.done $0x0  }
.LBB2_3:
0x96: {  	s18 =	simm.s32 @!p0 $0x1C02;
	s19 =	simm.s32 @!p0 $0x2;
	[sflag:s4] =	ssyncadd.s32 @p1 $0xFFFF8300  }
0x97: {  	[spmem:s17], [sflag:s18] =	dma.local @!p0 [hbm:s11], $0x4E20  }
0x98: {  	_ =	swait.ge @!p0 [sflag:s19], $0x4E20  }
0x99: {  	[sflag:s19] =	ssyncset.done @!p0 $0x0  }
0x9a: {  	[sflag:s19] =	ssyncadd.s32 @!p0 $0xFFFFB1E0  }
0x9b: {  	[bflag:$0x0] =	sbarrier.arrive $0xFFFF  }
0x9c: {  	[tilespmem:s2], [sflag:$0x2] =	stream.linear.gather [hbm4b:s16+s2], $0x7D0, $0x38;
	[tilespmem:$0xABE0] =	vst v63  }
0x9d: {  	_ =	swait.ge [sflag:s4], $0x7D0  }
0x9e: {  	[sflag:s4] =	ssyncset.done $0x0  }
0x9f: {  	[sflag:s4] =	ssyncadd.s32 $0xFFFFF830  }
0xa0: {  	[tilespmem:s6], [sflag:$0x1] =	stream.indirect.gather [spmem:s1], $0x10, s2, s6, $0xb8;
	[tilespmem:$0xABE0] =	vst v63  }
0xa1: {  	_ =	swait.ge [sflag:s7], $0x7D00  }
0xa2: {  	[sflag:s7] =	ssyncset.done $0x0  }
0xa3: {  	[sflag:s7] =	ssyncadd.s32 $0xFFFF8300  }
0xa4: {  	[hbm4b:s14+s2] =	stream.linear.scatter [tilespmem:s6], [sflag:$0x2], $0x7D00, $0x38;
	[tilespmem:$0xABE0] =	vst v63  }
0xa5: {  	_ =	swait.ge [sflag:s4], $0x7D00  }
0xa6: {  	[sflag:s4] =	ssyncset.done $0x0  }
0xa7: {  	[sflag:s4] =	ssyncadd.s32 $0xFFFF8300  }
0xa8: {  	[tilespmem:s2], [sflag:$0x2] =	stream.linear.gather [hbm4b:s15+s2], $0x7D0, $0x38;
	[tilespmem:$0xABE0] =	vst v63  }
0xa9: {  	_ =	swait.ge [sflag:s4], $0x7D0  }
0xaa: {  	[sflag:s4] =	ssyncset.done $0x0  }
0xab: {  	[sflag:s4] =	ssyncadd.s32 $0xFFFFF830  }
0xac: {  	[tilespmem:s6], [sflag:$0x1] =	stream.indirect.gather [spmem:s1], $0x10, s2, s6, $0xb8;
	[tilespmem:$0xABE0] =	vst v63  }
0xad: {  	_ =	swait.ge [sflag:s7], $0x7D00  }
0xae: {  	[sflag:s7] =	ssyncset.done $0x0  }
0xaf: {  	[sflag:s7] =	ssyncadd.s32 $0xFFFF8300  }
0xb0: {  	[hbm4b:s13+s2] =	stream.linear.scatter [tilespmem:s6], [sflag:$0x2], $0x7D00, $0x38;
	[tilespmem:$0xABE0] =	vst v63  }
0xb1: {  	_ =	swait.ge [sflag:s4], $0x7D00  }
0xb2: {  	[sflag:s4] =	ssyncset.done $0x0  }
0xb3: {  	[sflag:s4] =	ssyncadd.s32 $0xFFFF8300  }
0xb4: {  	[tilespmem:s2], [sflag:$0x2] =	stream.linear.gather [hbm4b:s12+s2], $0x7D0, $0x38;
	[tilespmem:$0xABE0] =	vst v63  }
0xb5: {  	_ =	swait.ge [sflag:s4], $0x7D0  }
0xb6: {  	[sflag:s4] =	ssyncset.done $0x0  }
0xb7: {  	[sflag:s4] =	ssyncadd.s32 $0xFFFFF830  }
0xb8: {  	[tilespmem:s6], [sflag:$0x1] =	stream.indirect.gather [spmem:s1], $0x10, s2, s6, $0xb8;
	[tilespmem:$0xABE0] =	vst v63  }
0xb9: {  	_ =	swait.ge [sflag:s7], $0x7D00  }
0xba: {  	[sflag:s7] =	ssyncset.done $0x0  }
0xbb: {  	[sflag:s7] =	ssyncadd.s32 $0xFFFF8300  }
0xbc: {  	[hbm4b:s10+s2] =	stream.linear.scatter [tilespmem:s6], [sflag:$0x2], $0x7D00, $0x38;
	[tilespmem:$0xABE0] =	vst v63  }
0xbd: {  	_ =	swait.ge [sflag:s4], $0x7D00  }
0xbe: {  	[sflag:s4] =	ssyncset.done $0x0  }
0xbf: {  	[sflag:s4] =	ssyncadd.s32 $0xFFFF8300  }
0xc0: {  	[tilespmem:s2], [sflag:$0x2] =	stream.linear.gather [hbm4b:s9+s2], $0x7D0, $0x38;
	[tilespmem:$0xABE0] =	vst v63  }
0xc1: {  	_ =	swait.ge [sflag:s4], $0x7D0  }
0xc2: {  	[sflag:s4] =	ssyncset.done $0x0  }
0xc3: {  	[sflag:s4] =	ssyncadd.s32 $0xFFFFF830  }
0xc4: {  	[tilespmem:s6], [sflag:$0x1] =	stream.indirect.gather [spmem:s1], $0x10, s2, s6, $0xb8;
	[tilespmem:$0xABE0] =	vst v63  }
0xc5: {  	_ =	swait.ge [sflag:s7], $0x7D00  }
0xc6: {  	[sflag:s7] =	ssyncset.done $0x0  }
0xc7: {  	[sflag:s7] =	ssyncadd.s32 $0xFFFF8300  }
0xc8: {  	[hbm4b:s8+s2] =	stream.linear.scatter [tilespmem:s6], [sflag:$0x2], $0x7D00, $0x38;
	[tilespmem:$0xABE0] =	vst v63  }
0xc9: {  	_ =	swait.ge [sflag:s4], $0x7D00  }
0xca: {  	[sflag:s4] =	ssyncset.done $0x0  }
0xcb: {  	[sflag:s4] =	ssyncadd.s32 $0xFFFF8300  }
0xcc: {  	[tilespmem:s2], [sflag:$0x2] =	stream.linear.gather [hbm4b:s5+s2], $0x7D0, $0x38;
	[tilespmem:$0xABE0] =	vst v63  }
0xcd: {  	_ =	swait.ge [sflag:s4], $0x7D0  }
0xce: {  	[sflag:s4] =	ssyncset.done $0x0  }
0xcf: {  	[sflag:s4] =	ssyncadd.s32 $0xFFFFF830  }
0xd0: {  	[tilespmem:s6], [sflag:$0x1] =	stream.indirect.gather [spmem:s1], $0x10, s2, s6, $0xb8;
	[tilespmem:$0xABE0] =	vst v63  }
0xd1: {  	_ =	swait.ge [sflag:s7], $0x7D00  }
0xd2: {  	[sflag:s7] =	ssyncset.done $0x0  }
0xd3: {  	[sflag:s7] =	ssyncadd.s32 $0xFFFF8300  }
0xd4: {  	[hbm4b:s3+s2] =	stream.linear.scatter [tilespmem:s6], [sflag:$0x2], $0x7D00, $0x38;
	[tilespmem:$0xABE0] =	vst v63  }
0xd5: {  	_ =	swait.ge [sflag:s4], $0x7D00  }
0xd6: {  	[sflag:s4] =	ssyncset.done $0x0  }
0xd7: {  	[sflag:s4] =	ssyncadd.s32 $0xFFFF8300  }
0xd8: {  	_ =	sfence.sel $0x180000  }
0xd9: {  	[bflag:$0x0] =	sbarrier.arrive $0xFFFF  }
0xda: {  	_ =	strace $0x90000047  }
0xdb: {  	s0 =	sadd.s32 @!p0 $0x100000, s0;
	[bflag:$0x2] =	sbarrier.arrive $0xFFFF  }
0xdc: {  	[sflag:s0] =	ssyncadd.tile.s32 @!p0 $0x1;
	_ =	shalt  }
.Lfunc_end2:
_tile_overlayer_lowered:
.L_overlay_start_2:
0xdd: {  	(tag) =	ssettag $0x2  }
0xde: {  	s0 =	rddreg [dreg:$0x0];
	s2 =	stileid.u32  }
0xdf: {  	s1 =	rddreg [dreg:$0x1];
	p0 =	sne.s32 s2, $0x0  }
0xe0: {  	s3 =	rddreg [dreg:$0x2];
	[bflag:$0x3] =	sbarrier.arrive $0xFFFF;
	s2 =	simm.s32 @!p0 $0x1C02  }
0xe1: {  	[timem:s3], [sflag:s2] =	dma.local @!p0 [hbm:s0], s1  }
0xe2: {  	s0 =	simm.s32 @!p0 $0x2  }
0xe3: {  	_ =	swait.ge @!p0 [sflag:s0], s1  }
0xe4: {  	s1 =	ssub.s32 @!p0 $0x0, s1;
	[sflag:s0] =	ssyncset.done @!p0 $0x0  }
0xe5: {  	[sflag:s0] =	ssyncadd.s32 @!p0 s1  }
0xe6: {  	[bflag:$0x3] =	sbarrier.arrive $0xFFFF  }
0xe7: {  	_ =	shalt  }

</sc_bundles>
